<compile_context>
chip_gen: v7x
topology: tpu7x:2x2x1
jax: 0.10.2.dev20260603
libtpu: 0.0.44.dev20260713+nightly
codegen_flags: <defaults>
</compile_context>

<pallas_src>
import functools

import jax
import jax.numpy as jnp
import numpy as np
from jax import lax
from jax.experimental import pallas as pl
from jax.experimental.pallas import tpu as pltpu
from jax.experimental.pallas import tpu_sc as plsc

NC = 2
NS = 16
NW = NC * NS
CH = 64
NBUF = 4
BN_EPS = 1e-3


def _sc_edge_aggregate(x, edges_m, src_pad, dst_pad, n_acc, k):
    n, D = x.shape
    rc = edges_m.shape[1]
    rpt = n_acc // NS
    kp = 40
    ph = k // kp
    bw = NW - 1
    assert bw * k < rc <= NW * k
    rib = (rc - bw * k) // 8 * 8
    mesh = plsc.VectorSubcoreMesh(core_axis_name="c", subcore_axis_name="s")

    @functools.partial(
        pl.kernel,
        out_type=(
            jax.ShapeDtypeStruct((n_acc, D), jnp.float32),
            jax.ShapeDtypeStruct((n_acc, D), jnp.float32),
        ),
        mesh=mesh,
        scratch_types=[
            pltpu.VMEM((kp, CH), jnp.int32),
            pltpu.VMEM((kp, CH), jnp.int32),
            *[pltpu.VMEM((CH, D), jnp.float32) for _ in range(NBUF)],
            pltpu.SemaphoreType.DMA,
            *[pltpu.SemaphoreType.DMA for _ in range(NBUF)],
            *[pltpu.SemaphoreType.DMA for _ in range(NBUF)],
            pltpu.VMEM_SHARED((n_acc, D), jnp.float32),
        ],
    )
    def agg(x_hbm, edges_hbm, srcp_hbm, dstp_hbm,
            out0_hbm, out1_hbm,
            src_v, dst_v, *bufsem):
        rows = bufsem[:NBUF]
        isem = bufsem[NBUF]
        gsem = bufsem[NBUF + 1:2 * NBUF + 1]
        ssem = bufsem[2 * NBUF + 1:3 * NBUF + 1]
        acc_sh = bufsem[3 * NBUF + 1]
        cid = lax.axis_index("c")
        sid = lax.axis_index("s")
        wid = sid * NC + cid

        def stage(phase, row, pad_hbm, buf, op):
            r_lo = min(rib, phase * kp)
            r_ph = min(rib - r_lo, kp)
            p_lo = phase * kp - r_lo

            @pl.when(wid < bw)
            def _():
                op(edges_hbm.at[row, pl.ds(wid * k + phase * kp, kp)], buf)

            @pl.when(wid == bw)
            def _():
                if r_ph:
                    op(edges_hbm.at[row, pl.ds(bw * k + r_lo, r_ph)],
                       buf.at[pl.ds(0, r_ph)])
                if kp - r_ph:
                    op(pad_hbm.at[pl.ds(p_lo, kp - r_ph)],
                       buf.at[pl.ds(r_ph, kp - r_ph)])

        def istart(s, d):
            pltpu.async_copy(s, d, isem)

        def iwait(s, d):
            pltpu.make_async_copy(s, d, isem).wait()

        stage(0, 0, srcp_hbm, src_v, istart)
        stage(0, 1, dstp_hbm, dst_v, istart)

        zvec = jnp.zeros((16,), jnp.float32)

        def zrow(i, carry):
            for l in range(D // 16):
                rows[0][i, pl.ds(l * 16, 16)] = zvec
            return carry

        lax.fori_loop(0, CH, zrow, 0)
        for r in range(rpt // CH):
            pltpu.async_copy(rows[0],
                             acc_sh.at[pl.ds(sid * rpt + r * CH, CH)],
                             ssem[r % NBUF])
        for r in range(rpt // CH):
            pltpu.make_async_copy(
                rows[0], acc_sh.at[pl.ds(sid * rpt + r * CH, CH)],
                ssem[r % NBUF]).wait()

        stage(0, 0, srcp_hbm, src_v, iwait)
        stage(0, 1, dstp_hbm, dst_v, iwait)
        plsc.subcore_barrier()

        def gather(j, buf, sem):
            pltpu.async_copy(x_hbm.at[src_v.at[j]], buf, sem)

        def gather_wait(j, buf, sem):
            pltpu.make_async_copy(x_hbm.at[src_v.at[j]], buf, sem).wait()

        def scatter(j, buf, sem):
            pltpu.async_copy(buf, acc_sh.at[dst_v.at[j]], sem, add=True)

        def scatter_wait(j, buf, sem):
            pltpu.make_async_copy(buf, acc_sh.at[dst_v.at[j]], sem).wait()

        def body(jj, carry):
            base = NBUF * jj
            for i in range(NBUF):
                gather_wait(base + i, rows[i], gsem[i])
                scatter(base + i, rows[i], ssem[i])

            @pl.when(jj < kp // NBUF - 1)
            def _():
                for i in range(NBUF):
                    scatter_wait(base + i, rows[i], ssem[i])
                    gather(base + NBUF + i, rows[i], gsem[i])

            return carry

        for phase in range(ph):
            if phase:
                stage(phase, 0, srcp_hbm, src_v, pltpu.sync_copy)
                stage(phase, 1, dstp_hbm, dst_v, pltpu.sync_copy)
            for i in range(NBUF):
                gather(i, rows[i], gsem[i])
            lax.fori_loop(0, kp // NBUF, body, 0)
            for i in range(NBUF):
                scatter_wait(kp - NBUF + i, rows[i], ssem[i])
        plsc.subcore_barrier()

        @pl.when(cid == 0)
        def _():
            pltpu.sync_copy(acc_sh.at[pl.ds(sid * rpt, rpt)],
                            out0_hbm.at[pl.ds(sid * rpt, rpt)])

        @pl.when(cid == 1)
        def _():
            pltpu.sync_copy(acc_sh.at[pl.ds(sid * rpt, rpt)],
                            out1_hbm.at[pl.ds(sid * rpt, rpt)])

    return agg(x, edges_m, src_pad, dst_pad)


def _tc_mlp(x, p0, p1, W1, b1, g1, be1, W2, b2, g2, be2, W3, b3,
            gbn, bbn, Wm, bm, Wv, bv, block_rows):
    n, d = x.shape
    h_dim = W1.shape[1]
    grid = (pl.cdiv(n, block_rows),)
    isq = float(1.0 / np.sqrt(1.0 + BN_EPS))

    def mm(h, w):
        return lax.dot_general(h, w, (((1,), (0,)), ((), ())),
                               preferred_element_type=jnp.float32)

    def body(x_r, p0_r, p1_r, W1_r, b1_r, g1_r, be1_r,
             W2_r, b2_r, g2_r, be2_r, W3_r, b3_r, gbn_r, bbn_r,
             Wm_r, bm_r, Wv_r, bv_r, mean_r, var_r):
        h = x_r[...] + p0_r[...] + p1_r[...]
        s1 = g1_r[...] * isq
        h = jnp.maximum(mm(h, W1_r[...]) * s1 + (b1_r[...] * s1 + be1_r[...]),
                        0.0)
        s2 = g2_r[...] * isq
        h = jnp.maximum(mm(h, W2_r[...]) * s2 + (b2_r[...] * s2 + be2_r[...]),
                        0.0)
        h = jnp.maximum(mm(h, W3_r[...]) + b3_r[...], 0.0)
        h = h * (gbn_r[...] * isq) + bbn_r[...]
        mean_r[...] = mm(h, Wm_r[...]) + bm_r[...]
        var_r[...] = mm(h, Wv_r[...]) + bv_r[...]

    row_spec = pl.BlockSpec((block_rows, d), lambda i: (i, 0))
    w_spec = pl.BlockSpec((d, h_dim), lambda i: (0, 0))
    b_spec = pl.BlockSpec((h_dim,), lambda i: (0,))
    return pl.pallas_call(
        body,
        grid=grid,
        in_specs=[row_spec, row_spec, row_spec,
                  w_spec, b_spec, b_spec, b_spec,
                  w_spec, b_spec, b_spec, b_spec,
                  w_spec, b_spec,
                  b_spec, b_spec,
                  w_spec, b_spec, w_spec, b_spec],
        out_specs=(pl.BlockSpec((block_rows, h_dim), lambda i: (i, 0)),
                   pl.BlockSpec((block_rows, h_dim), lambda i: (i, 0))),
        out_shape=(jax.ShapeDtypeStruct((n, h_dim), jnp.float32),
                   jax.ShapeDtypeStruct((n, h_dim), jnp.float32)),
    )(x, p0, p1, W1, b1, g1, be1, W2, b2, g2, be2, W3, b3,
      gbn, bbn, Wm, bm, Wv, bv)


def kernel(x, edge_index, W1, b1, g1, be1, W2, b2, g2, be2, W3, b3,
           gbn, bbn, Wm, bm, Wv, bv):
    n, d = x.shape
    e = edge_index.shape[1]
    assert e % CH == 0

    rc = e // CH
    k = pl.cdiv(rc, NW)
    k += (-k) % 40
    n_acc = n + (-n) % (NS * CH)
    n_dummy = n_acc - n
    edges_m = edge_index.reshape(2, rc, CH)
    rib = (rc - (NW - 1) * k) // 8 * 8
    split = (NW - 1) * k + rib
    pc = NW * k - split
    ci = np.arange(pc - (rc - split), dtype=np.int32)[:, None]
    lane = np.arange(CH, dtype=np.int32)[None, :]
    src_pad = jnp.concatenate(
        [edges_m[0, split:], jnp.asarray((ci * CH + lane) % n)])
    dst_pad = jnp.concatenate(
        [edges_m[1, split:], jnp.asarray(n + (ci * 7 + lane) % n_dummy)])

    p0, p1 = _sc_edge_aggregate(x, edges_m, src_pad, dst_pad, n_acc, k)
    return _tc_mlp(x, p0, p1, W1, b1, g1, be1, W2, b2, g2, be2, W3, b3,
                   gbn, bbn, Wm, bm, Wv, bv, block_rows=2048)

# --- scband reference (transcript-rebuilt; emitter-appended) ---
"""Pipeline reference for scband-ginencoder-20401094656403 (READ-ONLY COPY).

The authoritative reference and input builder live on the scoring server;
editing this copy changes nothing except your own understanding.
"""

import jax, jax.numpy as jnp
import numpy as np

N = 10000
E = 320000
D = 128
H = 128
BN_EPS = 1e-3


def _bn(h, gamma, beta):
    # Keras BatchNormalization in inference mode with fresh moving stats
    # (moving_mean=0, moving_var=1)
    return gamma * h / jnp.sqrt(1.0 + BN_EPS) + beta


def setup_inputs(seed: int = 0) -> dict:
    key = jax.random.key(seed)
    ks = jax.random.split(key, 10)
    x = jax.random.normal(ks[0], (N, D), dtype=jnp.float32)
    edge_index = jax.random.randint(ks[1], (2, E), 0, N, dtype=jnp.int32)
    s = 1.0 / np.sqrt(D)
    W1 = jax.random.normal(ks[2], (D, H), dtype=jnp.float32) * s
    b1 = jnp.zeros((H,), jnp.float32)
    g1 = jnp.ones((H,), jnp.float32)
    be1 = jnp.zeros((H,), jnp.float32)
    W2 = jax.random.normal(ks[3], (H, H), dtype=jnp.float32) * s
    b2 = jnp.zeros((H,), jnp.float32)
    g2 = jnp.ones((H,), jnp.float32)
    be2 = jnp.zeros((H,), jnp.float32)
    W3 = jax.random.normal(ks[4], (H, H), dtype=jnp.float32) * s
    b3 = jnp.zeros((H,), jnp.float32)
    gbn = jnp.ones((H,), jnp.float32)
    bbn = jnp.zeros((H,), jnp.float32)
    Wm = jax.random.normal(ks[5], (H, H), dtype=jnp.float32) * s
    bm = jnp.zeros((H,), jnp.float32)
    Wv = jax.random.normal(ks[6], (H, H), dtype=jnp.float32) * s
    bv = jnp.zeros((H,), jnp.float32)
    return {"x": x, "edge_index": edge_index, "W1": W1, "b1": b1, "g1": g1,
            "be1": be1, "W2": W2, "b2": b2, "g2": g2, "be2": be2,
            "W3": W3, "b3": b3, "gbn": gbn, "bbn": bbn,
            "Wm": Wm, "bm": bm, "Wv": Wv, "bv": bv}


def reference(x, edge_index, W1, b1, g1, be1, W2, b2, g2, be2, W3, b3,
              gbn, bbn, Wm, bm, Wv, bv):
    n_nodes = x.shape[0]
    src = edge_index[0]
    dst = edge_index[1]
    # GIN aggregation: (1 + eps) * x + sum_{j in N(i)} x_j, eps = 0
    agg = jax.ops.segment_sum(jnp.take(x, src, axis=0), dst,
                              num_segments=n_nodes)
    h = (1.0 + 0.0) * x + agg
    # GINConvBatch MLP: Dense -> BN -> relu for each hidden, final Dense + activation
    h = jnp.dot(h, W1) + b1
    h = _bn(h, g1, be1)
    h = jax.nn.relu(h)
    h = jnp.dot(h, W2) + b2
    h = _bn(h, g2, be2)
    h = jax.nn.relu(h)
    h = jnp.dot(h, W3) + b3
    h = jax.nn.relu(h)
    # outer BatchNormalization (inference), dropout = identity at inference
    h = _bn(h, gbn, bbn)
    mean = jnp.dot(h, Wm) + bm
    var = jnp.dot(h, Wv) + bv
    return (mean, var)

if __name__ == "__main__":
    import jax
    _d = setup_inputs()
    print(jax.jit(kernel)(*tuple(_d.values())))

</pallas_src>

<mosaic_0001>
#map = affine_map<(d0, d1) -> (0, 0)>
#map1 = affine_map<(d0, d1) -> (0, 0, 0)>
module attributes {stable_mosaic.version = 14 : i64} {
  func.func @agg(%arg0: i32, %arg1: i32, %arg2: memref<10000x128xf32, #tpu.memory_space<hbm>>, %arg3: memref<2x5000x64xi32, #tpu.memory_space<hbm>>, %arg4: memref<120x64xi32, #tpu.memory_space<hbm>>, %arg5: memref<120x64xi32, #tpu.memory_space<hbm>>, %arg6: memref<10240x128xf32, #tpu.memory_space<hbm>>, %arg7: memref<10240x128xf32, #tpu.memory_space<hbm>>, %arg8: memref<40x64xi32, #tpu.memory_space<vmem>>, %arg9: memref<40x64xi32, #tpu.memory_space<vmem>>, %arg10: memref<64x128xf32, #tpu.memory_space<vmem>>, %arg11: memref<64x128xf32, #tpu.memory_space<vmem>>, %arg12: memref<64x128xf32, #tpu.memory_space<vmem>>, %arg13: memref<64x128xf32, #tpu.memory_space<vmem>>, %arg14: memref<!tpu.dma_semaphore, #tpu.memory_space<semaphore_mem>>, %arg15: memref<!tpu.dma_semaphore, #tpu.memory_space<semaphore_mem>>, %arg16: memref<!tpu.dma_semaphore, #tpu.memory_space<semaphore_mem>>, %arg17: memref<!tpu.dma_semaphore, #tpu.memory_space<semaphore_mem>>, %arg18: memref<!tpu.dma_semaphore, #tpu.memory_space<semaphore_mem>>, %arg19: memref<!tpu.dma_semaphore, #tpu.memory_space<semaphore_mem>>, %arg20: memref<!tpu.dma_semaphore, #tpu.memory_space<semaphore_mem>>, %arg21: memref<!tpu.dma_semaphore, #tpu.memory_space<semaphore_mem>>, %arg22: memref<!tpu.dma_semaphore, #tpu.memory_space<semaphore_mem>>, %arg23: memref<10240x128xf32, #tpu.memory_space<vmem_shared>>) attributes {dimension_semantics = [#tpu.dimension_semantics<core_parallel>, #tpu.dimension_semantics<subcore_parallel>], iteration_bounds = array<i64: 2, 16>, scalar_prefetch = 0 : i64, scratch_operands = 16 : i64, tpu.core_type = #tpu.core_type<sc_vector_subcore>, window_params = [{transform_indices = #map}, {transform_indices = #map1}, {transform_indices = #map}, {transform_indices = #map}, {transform_indices = #map}, {transform_indices = #map}]} {
    %mul3A = arith.constant 2 : i32
    %mul3A_0 = arith.muli %arg1, %mul3A : i32
    %add3A = arith.addi %mul3A_0, %arg0 : i32
    %lt3A = arith.constant 31 : i32
    %lt3A_1 = arith.cmpi slt, %add3A, %lt3A : i32
    %convert_element_type3A = arith.extui %lt3A_1 : i1 to i32
    %cond3A = arith.constant 0 : i32
    %cond3A_2 = arith.cmpi ne, %convert_element_type3A, %cond3A : i32
    scf.if %cond3A_2 {
      %mul3A_520 = arith.constant 160 : i32
      %mul3A_521 = arith.muli %add3A, %mul3A_520 : i32
      %add3A_522 = arith.constant 0 : i32
      %add3A_523 = arith.addi %mul3A_521, %add3A_522 : i32
      %dma_start3A_524 = arith.constant 0 : i32
      %dma_start3A_525 = arith.constant 0 : i32
      %dma_start3A_526 = tpu.memref_slice %arg3[%dma_start3A_524, %add3A_523, %dma_start3A_525] : memref<2x5000x64xi32, #tpu.memory_space<hbm>> -> memref<1x40x64xi32, #tpu.memory_space<hbm>>
      %dma_start3A_527 = tpu.memref_squeeze %dma_start3A_526 : memref<1x40x64xi32, #tpu.memory_space<hbm>> -> memref<40x64xi32, #tpu.memory_space<hbm>>
      %dma_start3A_528 = arith.constant 0 : i32
      %dma_start3A_529 = tpu.memref_slice %arg3[%dma_start3A_524, %add3A_523, %dma_start3A_528] : memref<2x5000x64xi32, #tpu.memory_space<hbm>> -> memref<1x40x64xi32, #tpu.memory_space<hbm>>
      %dma_start3A_530 = tpu.memref_squeeze %dma_start3A_529 : memref<1x40x64xi32, #tpu.memory_space<hbm>> -> memref<40x64xi32, #tpu.memory_space<hbm>>
      tpu.enqueue_dma source(%dma_start3A_530 : memref<40x64xi32, #tpu.memory_space<hbm>>) target(%arg8 : memref<40x64xi32, #tpu.memory_space<vmem>>) target_semaphore(%arg14 : memref<!tpu.dma_semaphore, #tpu.memory_space<semaphore_mem>>)
    } else {
    }
    %eq3A = arith.constant 31 : i32
    %eq3A_3 = arith.cmpi eq, %add3A, %eq3A : i32
    %convert_element_type3A_4 = arith.extui %eq3A_3 : i1 to i32
    %cond3A_5 = arith.constant 0 : i32
    %cond3A_6 = arith.cmpi ne, %convert_element_type3A_4, %cond3A_5 : i32
    scf.if %cond3A_6 {
      %dma_start3A_520 = arith.constant 0 : i32
      %dma_start3A_521 = arith.constant 0 : i32
      %dma_start3A_522 = arith.constant 0 : i32
      %dma_start3A_523 = tpu.memref_slice %arg8[%dma_start3A_521, %dma_start3A_522] : memref<40x64xi32, #tpu.memory_space<vmem>> -> memref<40x64xi32, #tpu.memory_space<vmem>>
      %dma_start3A_524 = arith.constant 4960 : i32
      %dma_start3A_525 = arith.constant 0 : i32
      %dma_start3A_526 = tpu.memref_slice %arg3[%dma_start3A_520, %dma_start3A_524, %dma_start3A_525] : memref<2x5000x64xi32, #tpu.memory_space<hbm>> -> memref<1x40x64xi32, #tpu.memory_space<hbm>>
      %dma_start3A_527 = tpu.memref_squeeze %dma_start3A_526 : memref<1x40x64xi32, #tpu.memory_space<hbm>> -> memref<40x64xi32, #tpu.memory_space<hbm>>
      %dma_start3A_528 = arith.constant 0 : i32
      %dma_start3A_529 = arith.constant 0 : i32
      %dma_start3A_530 = tpu.memref_slice %arg8[%dma_start3A_528, %dma_start3A_529] : memref<40x64xi32, #tpu.memory_space<vmem>> -> memref<40x64xi32, #tpu.memory_space<vmem>>
      %dma_start3A_531 = arith.constant 4960 : i32
      %dma_start3A_532 = arith.constant 0 : i32
      %dma_start3A_533 = tpu.memref_slice %arg3[%dma_start3A_520, %dma_start3A_531, %dma_start3A_532] : memref<2x5000x64xi32, #tpu.memory_space<hbm>> -> memref<1x40x64xi32, #tpu.memory_space<hbm>>
      %dma_start3A_534 = tpu.memref_squeeze %dma_start3A_533 : memref<1x40x64xi32, #tpu.memory_space<hbm>> -> memref<40x64xi32, #tpu.memory_space<hbm>>
      tpu.enqueue_dma source(%dma_start3A_534 : memref<40x64xi32, #tpu.memory_space<hbm>>) target(%dma_start3A_530 : memref<40x64xi32, #tpu.memory_space<vmem>>) target_semaphore(%arg14 : memref<!tpu.dma_semaphore, #tpu.memory_space<semaphore_mem>>)
    } else {
    }
    %lt3A_7 = arith.constant 31 : i32
    %lt3A_8 = arith.cmpi slt, %add3A, %lt3A_7 : i32
    %convert_element_type3A_9 = arith.extui %lt3A_8 : i1 to i32
    %cond3A_10 = arith.constant 0 : i32
    %cond3A_11 = arith.cmpi ne, %convert_element_type3A_9, %cond3A_10 : i32
    scf.if %cond3A_11 {
      %mul3A_520 = arith.constant 160 : i32
      %mul3A_521 = arith.muli %add3A, %mul3A_520 : i32
      %add3A_522 = arith.constant 0 : i32
      %add3A_523 = arith.addi %mul3A_521, %add3A_522 : i32
      %dma_start3A_524 = arith.constant 1 : i32
      %dma_start3A_525 = arith.constant 0 : i32
      %dma_start3A_526 = tpu.memref_slice %arg3[%dma_start3A_524, %add3A_523, %dma_start3A_525] : memref<2x5000x64xi32, #tpu.memory_space<hbm>> -> memref<1x40x64xi32, #tpu.memory_space<hbm>>
      %dma_start3A_527 = tpu.memref_squeeze %dma_start3A_526 : memref<1x40x64xi32, #tpu.memory_space<hbm>> -> memref<40x64xi32, #tpu.memory_space<hbm>>
      %dma_start3A_528 = arith.constant 0 : i32
      %dma_start3A_529 = tpu.memref_slice %arg3[%dma_start3A_524, %add3A_523, %dma_start3A_528] : memref<2x5000x64xi32, #tpu.memory_space<hbm>> -> memref<1x40x64xi32, #tpu.memory_space<hbm>>
      %dma_start3A_530 = tpu.memref_squeeze %dma_start3A_529 : memref<1x40x64xi32, #tpu.memory_space<hbm>> -> memref<40x64xi32, #tpu.memory_space<hbm>>
      tpu.enqueue_dma source(%dma_start3A_530 : memref<40x64xi32, #tpu.memory_space<hbm>>) target(%arg9 : memref<40x64xi32, #tpu.memory_space<vmem>>) target_semaphore(%arg14 : memref<!tpu.dma_semaphore, #tpu.memory_space<semaphore_mem>>)
    } else {
    }
    %eq3A_12 = arith.constant 31 : i32
    %eq3A_13 = arith.cmpi eq, %add3A, %eq3A_12 : i32
    %convert_element_type3A_14 = arith.extui %eq3A_13 : i1 to i32
    %cond3A_15 = arith.constant 0 : i32
    %cond3A_16 = arith.cmpi ne, %convert_element_type3A_14, %cond3A_15 : i32
    scf.if %cond3A_16 {
      %dma_start3A_520 = arith.constant 1 : i32
      %dma_start3A_521 = arith.constant 0 : i32
      %dma_start3A_522 = arith.constant 0 : i32
      %dma_start3A_523 = tpu.memref_slice %arg9[%dma_start3A_521, %dma_start3A_522] : memref<40x64xi32, #tpu.memory_space<vmem>> -> memref<40x64xi32, #tpu.memory_space<vmem>>
      %dma_start3A_524 = arith.constant 4960 : i32
      %dma_start3A_525 = arith.constant 0 : i32
      %dma_start3A_526 = tpu.memref_slice %arg3[%dma_start3A_520, %dma_start3A_524, %dma_start3A_525] : memref<2x5000x64xi32, #tpu.memory_space<hbm>> -> memref<1x40x64xi32, #tpu.memory_space<hbm>>
      %dma_start3A_527 = tpu.memref_squeeze %dma_start3A_526 : memref<1x40x64xi32, #tpu.memory_space<hbm>> -> memref<40x64xi32, #tpu.memory_space<hbm>>
      %dma_start3A_528 = arith.constant 0 : i32
      %dma_start3A_529 = arith.constant 0 : i32
      %dma_start3A_530 = tpu.memref_slice %arg9[%dma_start3A_528, %dma_start3A_529] : memref<40x64xi32, #tpu.memory_space<vmem>> -> memref<40x64xi32, #tpu.memory_space<vmem>>
      %dma_start3A_531 = arith.constant 4960 : i32
      %dma_start3A_532 = arith.constant 0 : i32
      %dma_start3A_533 = tpu.memref_slice %arg3[%dma_start3A_520, %dma_start3A_531, %dma_start3A_532] : memref<2x5000x64xi32, #tpu.memory_space<hbm>> -> memref<1x40x64xi32, #tpu.memory_space<hbm>>
      %dma_start3A_534 = tpu.memref_squeeze %dma_start3A_533 : memref<1x40x64xi32, #tpu.memory_space<hbm>> -> memref<40x64xi32, #tpu.memory_space<hbm>>
      tpu.enqueue_dma source(%dma_start3A_534 : memref<40x64xi32, #tpu.memory_space<hbm>>) target(%dma_start3A_530 : memref<40x64xi32, #tpu.memory_space<vmem>>) target_semaphore(%arg14 : memref<!tpu.dma_semaphore, #tpu.memory_space<semaphore_mem>>)
    } else {
    }
    %broadcast_in_dim3A = arith.constant 0.000000e+00 : f32
    %broadcast_in_dim3A_17 = vector.broadcast %broadcast_in_dim3A : f32 to vector<16xf32>
    %scan3A = arith.constant 0 : i32
    %scan3A_18 = arith.constant 0 : i32
    %scan3A_19 = arith.constant 64 : i32
    %scan3A_20 = arith.addi %scan3A_18, %scan3A_19 : i32
    %scan3A_21 = arith.constant 1 : i32
    scf.for %scan3A_520 = %scan3A_18 to %scan3A_20 step %scan3A_21  : i32 {
      %swap3A = arith.index_cast %scan3A_520 : i32 to index
      %swap3A_521 = arith.constant 0 : index
      %swap3A_522 = tpu.vector_load %arg10[%swap3A, %swap3A_521] {strides = array<i32>} : memref<64x128xf32, #tpu.memory_space<vmem>>, vector<1x16xf32>,
      %swap3A_523 = vector.shape_cast %swap3A_522 : vector<1x16xf32> to vector<16xf32>
      %swap3A_524 = vector.shape_cast %broadcast_in_dim3A_17 : vector<16xf32> to vector<1x16xf32>
      tpu.vector_store %arg10[%swap3A, %swap3A_521], %swap3A_524 {strides = array<i32>} : memref<64x128xf32, #tpu.memory_space<vmem>>, vector<1x16xf32>,
      %swap3A_525 = arith.index_cast %scan3A_520 : i32 to index
      %swap3A_526 = arith.constant 16 : index
      %swap3A_527 = tpu.vector_load %arg10[%swap3A_525, %swap3A_526] {strides = array<i32>} : memref<64x128xf32, #tpu.memory_space<vmem>>, vector<1x16xf32>,
      %swap3A_528 = vector.shape_cast %swap3A_527 : vector<1x16xf32> to vector<16xf32>
      %swap3A_529 = vector.shape_cast %broadcast_in_dim3A_17 : vector<16xf32> to vector<1x16xf32>
      tpu.vector_store %arg10[%swap3A_525, %swap3A_526], %swap3A_529 {strides = array<i32>} : memref<64x128xf32, #tpu.memory_space<vmem>>, vector<1x16xf32>,
      %swap3A_530 = arith.index_cast %scan3A_520 : i32 to index
      %swap3A_531 = arith.constant 32 : index
      %swap3A_532 = tpu.vector_load %arg10[%swap3A_530, %swap3A_531] {strides = array<i32>} : memref<64x128xf32, #tpu.memory_space<vmem>>, vector<1x16xf32>,
      %swap3A_533 = vector.shape_cast %swap3A_532 : vector<1x16xf32> to vector<16xf32>
      %swap3A_534 = vector.shape_cast %broadcast_in_dim3A_17 : vector<16xf32> to vector<1x16xf32>
      tpu.vector_store %arg10[%swap3A_530, %swap3A_531], %swap3A_534 {strides = array<i32>} : memref<64x128xf32, #tpu.memory_space<vmem>>, vector<1x16xf32>,
      %swap3A_535 = arith.index_cast %scan3A_520 : i32 to index
      %swap3A_536 = arith.constant 48 : index
      %swap3A_537 = tpu.vector_load %arg10[%swap3A_535, %swap3A_536] {strides = array<i32>} : memref<64x128xf32, #tpu.memory_space<vmem>>, vector<1x16xf32>,
      %swap3A_538 = vector.shape_cast %swap3A_537 : vector<1x16xf32> to vector<16xf32>
      %swap3A_539 = vector.shape_cast %broadcast_in_dim3A_17 : vector<16xf32> to vector<1x16xf32>
      tpu.vector_store %arg10[%swap3A_535, %swap3A_536], %swap3A_539 {strides = array<i32>} : memref<64x128xf32, #tpu.memory_space<vmem>>, vector<1x16xf32>,
      %swap3A_540 = arith.index_cast %scan3A_520 : i32 to index
      %swap3A_541 = arith.constant 64 : index
      %swap3A_542 = tpu.vector_load %arg10[%swap3A_540, %swap3A_541] {strides = array<i32>} : memref<64x128xf32, #tpu.memory_space<vmem>>, vector<1x16xf32>,
      %swap3A_543 = vector.shape_cast %swap3A_542 : vector<1x16xf32> to vector<16xf32>
      %swap3A_544 = vector.shape_cast %broadcast_in_dim3A_17 : vector<16xf32> to vector<1x16xf32>
      tpu.vector_store %arg10[%swap3A_540, %swap3A_541], %swap3A_544 {strides = array<i32>} : memref<64x128xf32, #tpu.memory_space<vmem>>, vector<1x16xf32>,
      %swap3A_545 = arith.index_cast %scan3A_520 : i32 to index
      %swap3A_546 = arith.constant 80 : index
      %swap3A_547 = tpu.vector_load %arg10[%swap3A_545, %swap3A_546] {strides = array<i32>} : memref<64x128xf32, #tpu.memory_space<vmem>>, vector<1x16xf32>,
      %swap3A_548 = vector.shape_cast %swap3A_547 : vector<1x16xf32> to vector<16xf32>
      %swap3A_549 = vector.shape_cast %broadcast_in_dim3A_17 : vector<16xf32> to vector<1x16xf32>
      tpu.vector_store %arg10[%swap3A_545, %swap3A_546], %swap3A_549 {strides = array<i32>} : memref<64x128xf32, #tpu.memory_space<vmem>>, vector<1x16xf32>,
      %swap3A_550 = arith.index_cast %scan3A_520 : i32 to index
      %swap3A_551 = arith.constant 96 : index
      %swap3A_552 = tpu.vector_load %arg10[%swap3A_550, %swap3A_551] {strides = array<i32>} : memref<64x128xf32, #tpu.memory_space<vmem>>, vector<1x16xf32>,
      %swap3A_553 = vector.shape_cast %swap3A_552 : vector<1x16xf32> to vector<16xf32>
      %swap3A_554 = vector.shape_cast %broadcast_in_dim3A_17 : vector<16xf32> to vector<1x16xf32>
      tpu.vector_store %arg10[%swap3A_550, %swap3A_551], %swap3A_554 {strides = array<i32>} : memref<64x128xf32, #tpu.memory_space<vmem>>, vector<1x16xf32>,
      %swap3A_555 = arith.index_cast %scan3A_520 : i32 to index
      %swap3A_556 = arith.constant 112 : index
      %swap3A_557 = tpu.vector_load %arg10[%swap3A_555, %swap3A_556] {strides = array<i32>} : memref<64x128xf32, #tpu.memory_space<vmem>>, vector<1x16xf32>,
      %swap3A_558 = vector.shape_cast %swap3A_557 : vector<1x16xf32> to vector<16xf32>
      %swap3A_559 = vector.shape_cast %broadcast_in_dim3A_17 : vector<16xf32> to vector<1x16xf32>
      tpu.vector_store %arg10[%swap3A_555, %swap3A_556], %swap3A_559 {strides = array<i32>} : memref<64x128xf32, #tpu.memory_space<vmem>>, vector<1x16xf32>,
    }
    %scan3A_22 = arith.constant 64 : i32
    %mul3A_23 = arith.constant 640 : i32
    %mul3A_24 = arith.muli %arg1, %mul3A_23 : i32
    %add3A_25 = arith.constant 0 : i32
    %add3A_26 = arith.addi %mul3A_24, %add3A_25 : i32
    %dma_start3A = arith.constant 0 : i32
    %dma_start3A_27 = tpu.memref_slice %arg23[%add3A_26, %dma_start3A] : memref<10240x128xf32, #tpu.memory_space<vmem_shared>> -> memref<64x128xf32, #tpu.memory_space<vmem_shared>>
    %dma_start3A_28 = arith.constant 0 : i32
    %dma_start3A_29 = tpu.memref_slice %arg23[%add3A_26, %dma_start3A_28] : memref<10240x128xf32, #tpu.memory_space<vmem_shared>> -> memref<64x128xf32, #tpu.memory_space<vmem_shared>>
    tpu.enqueue_dma source(%arg10 : memref<64x128xf32, #tpu.memory_space<vmem>>) target(%dma_start3A_29 : memref<64x128xf32, #tpu.memory_space<vmem_shared>>) target_semaphore(%arg19 : memref<!tpu.dma_semaphore, #tpu.memory_space<semaphore_mem>>)
    %mul3A_30 = arith.constant 640 : i32
    %mul3A_31 = arith.muli %arg1, %mul3A_30 : i32
    %add3A_32 = arith.constant 64 : i32
    %add3A_33 = arith.addi %mul3A_31, %add3A_32 : i32
    %dma_start3A_34 = arith.constant 0 : i32
    %dma_start3A_35 = tpu.memref_slice %arg23[%add3A_33, %dma_start3A_34] : memref<10240x128xf32, #tpu.memory_space<vmem_shared>> -> memref<64x128xf32, #tpu.memory_space<vmem_shared>>
    %dma_start3A_36 = arith.constant 0 : i32
    %dma_start3A_37 = tpu.memref_slice %arg23[%add3A_33, %dma_start3A_36] : memref<10240x128xf32, #tpu.memory_space<vmem_shared>> -> memref<64x128xf32, #tpu.memory_space<vmem_shared>>
    tpu.enqueue_dma source(%arg10 : memref<64x128xf32, #tpu.memory_space<vmem>>) target(%dma_start3A_37 : memref<64x128xf32, #tpu.memory_space<vmem_shared>>) target_semaphore(%arg20 : memref<!tpu.dma_semaphore, #tpu.memory_space<semaphore_mem>>)
    %mul3A_38 = arith.constant 640 : i32
    %mul3A_39 = arith.muli %arg1, %mul3A_38 : i32
    %add3A_40 = arith.constant 128 : i32
    %add3A_41 = arith.addi %mul3A_39, %add3A_40 : i32
    %dma_start3A_42 = arith.constant 0 : i32
    %dma_start3A_43 = tpu.memref_slice %arg23[%add3A_41, %dma_start3A_42] : memref<10240x128xf32, #tpu.memory_space<vmem_shared>> -> memref<64x128xf32, #tpu.memory_space<vmem_shared>>
    %dma_start3A_44 = arith.constant 0 : i32
    %dma_start3A_45 = tpu.memref_slice %arg23[%add3A_41, %dma_start3A_44] : memref<10240x128xf32, #tpu.memory_space<vmem_shared>> -> memref<64x128xf32, #tpu.memory_space<vmem_shared>>
    tpu.enqueue_dma source(%arg10 : memref<64x128xf32, #tpu.memory_space<vmem>>) target(%dma_start3A_45 : memref<64x128xf32, #tpu.memory_space<vmem_shared>>) target_semaphore(%arg21 : memref<!tpu.dma_semaphore, #tpu.memory_space<semaphore_mem>>)
    %mul3A_46 = arith.constant 640 : i32
    %mul3A_47 = arith.muli %arg1, %mul3A_46 : i32
    %add3A_48 = arith.constant 192 : i32
    %add3A_49 = arith.addi %mul3A_47, %add3A_48 : i32
    %dma_start3A_50 = arith.constant 0 : i32
    %dma_start3A_51 = tpu.memref_slice %arg23[%add3A_49, %dma_start3A_50] : memref<10240x128xf32, #tpu.memory_space<vmem_shared>> -> memref<64x128xf32, #tpu.memory_space<vmem_shared>>
    %dma_start3A_52 = arith.constant 0 : i32
    %dma_start3A_53 = tpu.memref_slice %arg23[%add3A_49, %dma_start3A_52] : memref<10240x128xf32, #tpu.memory_space<vmem_shared>> -> memref<64x128xf32, #tpu.memory_space<vmem_shared>>
    tpu.enqueue_dma source(%arg10 : memref<64x128xf32, #tpu.memory_space<vmem>>) target(%dma_start3A_53 : memref<64x128xf32, #tpu.memory_space<vmem_shared>>) target_semaphore(%arg22 : memref<!tpu.dma_semaphore, #tpu.memory_space<semaphore_mem>>)
    %mul3A_54 = arith.constant 640 : i32
    %mul3A_55 = arith.muli %arg1, %mul3A_54 : i32
    %add3A_56 = arith.constant 256 : i32
    %add3A_57 = arith.addi %mul3A_55, %add3A_56 : i32
    %dma_start3A_58 = arith.constant 0 : i32
    %dma_start3A_59 = tpu.memref_slice %arg23[%add3A_57, %dma_start3A_58] : memref<10240x128xf32, #tpu.memory_space<vmem_shared>> -> memref<64x128xf32, #tpu.memory_space<vmem_shared>>
    %dma_start3A_60 = arith.constant 0 : i32
    %dma_start3A_61 = tpu.memref_slice %arg23[%add3A_57, %dma_start3A_60] : memref<10240x128xf32, #tpu.memory_space<vmem_shared>> -> memref<64x128xf32, #tpu.memory_space<vmem_shared>>
    tpu.enqueue_dma source(%arg10 : memref<64x128xf32, #tpu.memory_space<vmem>>) target(%dma_start3A_61 : memref<64x128xf32, #tpu.memory_space<vmem_shared>>) target_semaphore(%arg19 : memref<!tpu.dma_semaphore, #tpu.memory_space<semaphore_mem>>)
    %mul3A_62 = arith.constant 640 : i32
    %mul3A_63 = arith.muli %arg1, %mul3A_62 : i32
    %add3A_64 = arith.constant 320 : i32
    %add3A_65 = arith.addi %mul3A_63, %add3A_64 : i32
    %dma_start3A_66 = arith.constant 0 : i32
    %dma_start3A_67 = tpu.memref_slice %arg23[%add3A_65, %dma_start3A_66] : memref<10240x128xf32, #tpu.memory_space<vmem_shared>> -> memref<64x128xf32, #tpu.memory_space<vmem_shared>>
    %dma_start3A_68 = arith.constant 0 : i32
    %dma_start3A_69 = tpu.memref_slice %arg23[%add3A_65, %dma_start3A_68] : memref<10240x128xf32, #tpu.memory_space<vmem_shared>> -> memref<64x128xf32, #tpu.memory_space<vmem_shared>>
    tpu.enqueue_dma source(%arg10 : memref<64x128xf32, #tpu.memory_space<vmem>>) target(%dma_start3A_69 : memref<64x128xf32, #tpu.memory_space<vmem_shared>>) target_semaphore(%arg20 : memref<!tpu.dma_semaphore, #tpu.memory_space<semaphore_mem>>)
    %mul3A_70 = arith.constant 640 : i32
    %mul3A_71 = arith.muli %arg1, %mul3A_70 : i32
    %add3A_72 = arith.constant 384 : i32
    %add3A_73 = arith.addi %mul3A_71, %add3A_72 : i32
    %dma_start3A_74 = arith.constant 0 : i32
    %dma_start3A_75 = tpu.memref_slice %arg23[%add3A_73, %dma_start3A_74] : memref<10240x128xf32, #tpu.memory_space<vmem_shared>> -> memref<64x128xf32, #tpu.memory_space<vmem_shared>>
    %dma_start3A_76 = arith.constant 0 : i32
    %dma_start3A_77 = tpu.memref_slice %arg23[%add3A_73, %dma_start3A_76] : memref<10240x128xf32, #tpu.memory_space<vmem_shared>> -> memref<64x128xf32, #tpu.memory_space<vmem_shared>>
    tpu.enqueue_dma source(%arg10 : memref<64x128xf32, #tpu.memory_space<vmem>>) target(%dma_start3A_77 : memref<64x128xf32, #tpu.memory_space<vmem_shared>>) target_semaphore(%arg21 : memref<!tpu.dma_semaphore, #tpu.memory_space<semaphore_mem>>)
    %mul3A_78 = arith.constant 640 : i32
    %mul3A_79 = arith.muli %arg1, %mul3A_78 : i32
    %add3A_80 = arith.constant 448 : i32
    %add3A_81 = arith.addi %mul3A_79, %add3A_80 : i32
    %dma_start3A_82 = arith.constant 0 : i32
    %dma_start3A_83 = tpu.memref_slice %arg23[%add3A_81, %dma_start3A_82] : memref<10240x128xf32, #tpu.memory_space<vmem_shared>> -> memref<64x128xf32, #tpu.memory_space<vmem_shared>>
    %dma_start3A_84 = arith.constant 0 : i32
    %dma_start3A_85 = tpu.memref_slice %arg23[%add3A_81, %dma_start3A_84] : memref<10240x128xf32, #tpu.memory_space<vmem_shared>> -> memref<64x128xf32, #tpu.memory_space<vmem_shared>>
    tpu.enqueue_dma source(%arg10 : memref<64x128xf32, #tpu.memory_space<vmem>>) target(%dma_start3A_85 : memref<64x128xf32, #tpu.memory_space<vmem_shared>>) target_semaphore(%arg22 : memref<!tpu.dma_semaphore, #tpu.memory_space<semaphore_mem>>)
    %mul3A_86 = arith.constant 640 : i32
    %mul3A_87 = arith.muli %arg1, %mul3A_86 : i32
    %add3A_88 = arith.constant 512 : i32
    %add3A_89 = arith.addi %mul3A_87, %add3A_88 : i32
    %dma_start3A_90 = arith.constant 0 : i32
    %dma_start3A_91 = tpu.memref_slice %arg23[%add3A_89, %dma_start3A_90] : memref<10240x128xf32, #tpu.memory_space<vmem_shared>> -> memref<64x128xf32, #tpu.memory_space<vmem_shared>>
    %dma_start3A_92 = arith.constant 0 : i32
    %dma_start3A_93 = tpu.memref_slice %arg23[%add3A_89, %dma_start3A_92] : memref<10240x128xf32, #tpu.memory_space<vmem_shared>> -> memref<64x128xf32, #tpu.memory_space<vmem_shared>>
    tpu.enqueue_dma source(%arg10 : memref<64x128xf32, #tpu.memory_space<vmem>>) target(%dma_start3A_93 : memref<64x128xf32, #tpu.memory_space<vmem_shared>>) target_semaphore(%arg19 : memref<!tpu.dma_semaphore, #tpu.memory_space<semaphore_mem>>)
    %mul3A_94 = arith.constant 640 : i32
    %mul3A_95 = arith.muli %arg1, %mul3A_94 : i32
    %add3A_96 = arith.constant 576 : i32
    %add3A_97 = arith.addi %mul3A_95, %add3A_96 : i32
    %dma_start3A_98 = arith.constant 0 : i32
    %dma_start3A_99 = tpu.memref_slice %arg23[%add3A_97, %dma_start3A_98] : memref<10240x128xf32, #tpu.memory_space<vmem_shared>> -> memref<64x128xf32, #tpu.memory_space<vmem_shared>>
    %dma_start3A_100 = arith.constant 0 : i32
    %dma_start3A_101 = tpu.memref_slice %arg23[%add3A_97, %dma_start3A_100] : memref<10240x128xf32, #tpu.memory_space<vmem_shared>> -> memref<64x128xf32, #tpu.memory_space<vmem_shared>>
    tpu.enqueue_dma source(%arg10 : memref<64x128xf32, #tpu.memory_space<vmem>>) target(%dma_start3A_101 : memref<64x128xf32, #tpu.memory_space<vmem_shared>>) target_semaphore(%arg20 : memref<!tpu.dma_semaphore, #tpu.memory_space<semaphore_mem>>)
    %mul3A_102 = arith.constant 640 : i32
    %mul3A_103 = arith.muli %arg1, %mul3A_102 : i32
    %add3A_104 = arith.constant 0 : i32
    %add3A_105 = arith.addi %mul3A_103, %add3A_104 : i32
    %dma_wait3A = arith.constant 0 : i32
    %dma_wait3A_106 = tpu.memref_slice %arg23[%add3A_105, %dma_wait3A] : memref<10240x128xf32, #tpu.memory_space<vmem_shared>> -> memref<64x128xf32, #tpu.memory_space<vmem_shared>>
    %dma_wait3A_107 = arith.constant 0 : i32
    %dma_wait3A_108 = tpu.memref_slice %arg23[%add3A_105, %dma_wait3A_107] : memref<10240x128xf32, #tpu.memory_space<vmem_shared>> -> memref<64x128xf32, #tpu.memory_space<vmem_shared>>
    tpu.wait_dma2 semaphore(%arg19 : memref<!tpu.dma_semaphore, #tpu.memory_space<semaphore_mem>>) src(%arg10 : memref<64x128xf32, #tpu.memory_space<vmem>>) dst(%dma_wait3A_108 : memref<64x128xf32, #tpu.memory_space<vmem_shared>>)
    %mul3A_109 = arith.constant 640 : i32
    %mul3A_110 = arith.muli %arg1, %mul3A_109 : i32
    %add3A_111 = arith.constant 64 : i32
    %add3A_112 = arith.addi %mul3A_110, %add3A_111 : i32
    %dma_wait3A_113 = arith.constant 0 : i32
    %dma_wait3A_114 = tpu.memref_slice %arg23[%add3A_112, %dma_wait3A_113] : memref<10240x128xf32, #tpu.memory_space<vmem_shared>> -> memref<64x128xf32, #tpu.memory_space<vmem_shared>>
    %dma_wait3A_115 = arith.constant 0 : i32
    %dma_wait3A_116 = tpu.memref_slice %arg23[%add3A_112, %dma_wait3A_115] : memref<10240x128xf32, #tpu.memory_space<vmem_shared>> -> memref<64x128xf32, #tpu.memory_space<vmem_shared>>
    tpu.wait_dma2 semaphore(%arg20 : memref<!tpu.dma_semaphore, #tpu.memory_space<semaphore_mem>>) src(%arg10 : memref<64x128xf32, #tpu.memory_space<vmem>>) dst(%dma_wait3A_116 : memref<64x128xf32, #tpu.memory_space<vmem_shared>>)
    %mul3A_117 = arith.constant 640 : i32
    %mul3A_118 = arith.muli %arg1, %mul3A_117 : i32
    %add3A_119 = arith.constant 128 : i32
    %add3A_120 = arith.addi %mul3A_118, %add3A_119 : i32
    %dma_wait3A_121 = arith.constant 0 : i32
    %dma_wait3A_122 = tpu.memref_slice %arg23[%add3A_120, %dma_wait3A_121] : memref<10240x128xf32, #tpu.memory_space<vmem_shared>> -> memref<64x128xf32, #tpu.memory_space<vmem_shared>>
    %dma_wait3A_123 = arith.constant 0 : i32
    %dma_wait3A_124 = tpu.memref_slice %arg23[%add3A_120, %dma_wait3A_123] : memref<10240x128xf32, #tpu.memory_space<vmem_shared>> -> memref<64x128xf32, #tpu.memory_space<vmem_shared>>
    tpu.wait_dma2 semaphore(%arg21 : memref<!tpu.dma_semaphore, #tpu.memory_space<semaphore_mem>>) src(%arg10 : memref<64x128xf32, #tpu.memory_space<vmem>>) dst(%dma_wait3A_124 : memref<64x128xf32, #tpu.memory_space<vmem_shared>>)
    %mul3A_125 = arith.constant 640 : i32
    %mul3A_126 = arith.muli %arg1, %mul3A_125 : i32
    %add3A_127 = arith.constant 192 : i32
    %add3A_128 = arith.addi %mul3A_126, %add3A_127 : i32
    %dma_wait3A_129 = arith.constant 0 : i32
    %dma_wait3A_130 = tpu.memref_slice %arg23[%add3A_128, %dma_wait3A_129] : memref<10240x128xf32, #tpu.memory_space<vmem_shared>> -> memref<64x128xf32, #tpu.memory_space<vmem_shared>>
    %dma_wait3A_131 = arith.constant 0 : i32
    %dma_wait3A_132 = tpu.memref_slice %arg23[%add3A_128, %dma_wait3A_131] : memref<10240x128xf32, #tpu.memory_space<vmem_shared>> -> memref<64x128xf32, #tpu.memory_space<vmem_shared>>
    tpu.wait_dma2 semaphore(%arg22 : memref<!tpu.dma_semaphore, #tpu.memory_space<semaphore_mem>>) src(%arg10 : memref<64x128xf32, #tpu.memory_space<vmem>>) dst(%dma_wait3A_132 : memref<64x128xf32, #tpu.memory_space<vmem_shared>>)
    %mul3A_133 = arith.constant 640 : i32
    %mul3A_134 = arith.muli %arg1, %mul3A_133 : i32
    %add3A_135 = arith.constant 256 : i32
    %add3A_136 = arith.addi %mul3A_134, %add3A_135 : i32
    %dma_wait3A_137 = arith.constant 0 : i32
    %dma_wait3A_138 = tpu.memref_slice %arg23[%add3A_136, %dma_wait3A_137] : memref<10240x128xf32, #tpu.memory_space<vmem_shared>> -> memref<64x128xf32, #tpu.memory_space<vmem_shared>>
    %dma_wait3A_139 = arith.constant 0 : i32
    %dma_wait3A_140 = tpu.memref_slice %arg23[%add3A_136, %dma_wait3A_139] : memref<10240x128xf32, #tpu.memory_space<vmem_shared>> -> memref<64x128xf32, #tpu.memory_space<vmem_shared>>
    tpu.wait_dma2 semaphore(%arg19 : memref<!tpu.dma_semaphore, #tpu.memory_space<semaphore_mem>>) src(%arg10 : memref<64x128xf32, #tpu.memory_space<vmem>>) dst(%dma_wait3A_140 : memref<64x128xf32, #tpu.memory_space<vmem_shared>>)
    %mul3A_141 = arith.constant 640 : i32
    %mul3A_142 = arith.muli %arg1, %mul3A_141 : i32
    %add3A_143 = arith.constant 320 : i32
    %add3A_144 = arith.addi %mul3A_142, %add3A_143 : i32
    %dma_wait3A_145 = arith.constant 0 : i32
    %dma_wait3A_146 = tpu.memref_slice %arg23[%add3A_144, %dma_wait3A_145] : memref<10240x128xf32, #tpu.memory_space<vmem_shared>> -> memref<64x128xf32, #tpu.memory_space<vmem_shared>>
    %dma_wait3A_147 = arith.constant 0 : i32
    %dma_wait3A_148 = tpu.memref_slice %arg23[%add3A_144, %dma_wait3A_147] : memref<10240x128xf32, #tpu.memory_space<vmem_shared>> -> memref<64x128xf32, #tpu.memory_space<vmem_shared>>
    tpu.wait_dma2 semaphore(%arg20 : memref<!tpu.dma_semaphore, #tpu.memory_space<semaphore_mem>>) src(%arg10 : memref<64x128xf32, #tpu.memory_space<vmem>>) dst(%dma_wait3A_148 : memref<64x128xf32, #tpu.memory_space<vmem_shared>>)
    %mul3A_149 = arith.constant 640 : i32
    %mul3A_150 = arith.muli %arg1, %mul3A_149 : i32
    %add3A_151 = arith.constant 384 : i32
    %add3A_152 = arith.addi %mul3A_150, %add3A_151 : i32
    %dma_wait3A_153 = arith.constant 0 : i32
    %dma_wait3A_154 = tpu.memref_slice %arg23[%add3A_152, %dma_wait3A_153] : memref<10240x128xf32, #tpu.memory_space<vmem_shared>> -> memref<64x128xf32, #tpu.memory_space<vmem_shared>>
    %dma_wait3A_155 = arith.constant 0 : i32
    %dma_wait3A_156 = tpu.memref_slice %arg23[%add3A_152, %dma_wait3A_155] : memref<10240x128xf32, #tpu.memory_space<vmem_shared>> -> memref<64x128xf32, #tpu.memory_space<vmem_shared>>
    tpu.wait_dma2 semaphore(%arg21 : memref<!tpu.dma_semaphore, #tpu.memory_space<semaphore_mem>>) src(%arg10 : memref<64x128xf32, #tpu.memory_space<vmem>>) dst(%dma_wait3A_156 : memref<64x128xf32, #tpu.memory_space<vmem_shared>>)
    %mul3A_157 = arith.constant 640 : i32
    %mul3A_158 = arith.muli %arg1, %mul3A_157 : i32
    %add3A_159 = arith.constant 448 : i32
    %add3A_160 = arith.addi %mul3A_158, %add3A_159 : i32
    %dma_wait3A_161 = arith.constant 0 : i32
    %dma_wait3A_162 = tpu.memref_slice %arg23[%add3A_160, %dma_wait3A_161] : memref<10240x128xf32, #tpu.memory_space<vmem_shared>> -> memref<64x128xf32, #tpu.memory_space<vmem_shared>>
    %dma_wait3A_163 = arith.constant 0 : i32
    %dma_wait3A_164 = tpu.memref_slice %arg23[%add3A_160, %dma_wait3A_163] : memref<10240x128xf32, #tpu.memory_space<vmem_shared>> -> memref<64x128xf32, #tpu.memory_space<vmem_shared>>
    tpu.wait_dma2 semaphore(%arg22 : memref<!tpu.dma_semaphore, #tpu.memory_space<semaphore_mem>>) src(%arg10 : memref<64x128xf32, #tpu.memory_space<vmem>>) dst(%dma_wait3A_164 : memref<64x128xf32, #tpu.memory_space<vmem_shared>>)
    %mul3A_165 = arith.constant 640 : i32
    %mul3A_166 = arith.muli %arg1, %mul3A_165 : i32
    %add3A_167 = arith.constant 512 : i32
    %add3A_168 = arith.addi %mul3A_166, %add3A_167 : i32
    %dma_wait3A_169 = arith.constant 0 : i32
    %dma_wait3A_170 = tpu.memref_slice %arg23[%add3A_168, %dma_wait3A_169] : memref<10240x128xf32, #tpu.memory_space<vmem_shared>> -> memref<64x128xf32, #tpu.memory_space<vmem_shared>>
    %dma_wait3A_171 = arith.constant 0 : i32
    %dma_wait3A_172 = tpu.memref_slice %arg23[%add3A_168, %dma_wait3A_171] : memref<10240x128xf32, #tpu.memory_space<vmem_shared>> -> memref<64x128xf32, #tpu.memory_space<vmem_shared>>
    tpu.wait_dma2 semaphore(%arg19 : memref<!tpu.dma_semaphore, #tpu.memory_space<semaphore_mem>>) src(%arg10 : memref<64x128xf32, #tpu.memory_space<vmem>>) dst(%dma_wait3A_172 : memref<64x128xf32, #tpu.memory_space<vmem_shared>>)
    %mul3A_173 = arith.constant 640 : i32
    %mul3A_174 = arith.muli %arg1, %mul3A_173 : i32
    %add3A_175 = arith.constant 576 : i32
    %add3A_176 = arith.addi %mul3A_174, %add3A_175 : i32
    %dma_wait3A_177 = arith.constant 0 : i32
    %dma_wait3A_178 = tpu.memref_slice %arg23[%add3A_176, %dma_wait3A_177] : memref<10240x128xf32, #tpu.memory_space<vmem_shared>> -> memref<64x128xf32, #tpu.memory_space<vmem_shared>>
    %dma_wait3A_179 = arith.constant 0 : i32
    %dma_wait3A_180 = tpu.memref_slice %arg23[%add3A_176, %dma_wait3A_179] : memref<10240x128xf32, #tpu.memory_space<vmem_shared>> -> memref<64x128xf32, #tpu.memory_space<vmem_shared>>
    tpu.wait_dma2 semaphore(%arg20 : memref<!tpu.dma_semaphore, #tpu.memory_space<semaphore_mem>>) src(%arg10 : memref<64x128xf32, #tpu.memory_space<vmem>>) dst(%dma_wait3A_180 : memref<64x128xf32, #tpu.memory_space<vmem_shared>>)
    %lt3A_181 = arith.constant 31 : i32
    %lt3A_182 = arith.cmpi slt, %add3A, %lt3A_181 : i32
    %convert_element_type3A_183 = arith.extui %lt3A_182 : i1 to i32
    %cond3A_184 = arith.constant 0 : i32
    %cond3A_185 = arith.cmpi ne, %convert_element_type3A_183, %cond3A_184 : i32
    scf.if %cond3A_185 {
      %mul3A_520 = arith.constant 160 : i32
      %mul3A_521 = arith.muli %add3A, %mul3A_520 : i32
      %add3A_522 = arith.constant 0 : i32
      %add3A_523 = arith.addi %mul3A_521, %add3A_522 : i32
      %dma_wait3A_524 = arith.constant 0 : i32
      %dma_wait3A_525 = arith.constant 0 : i32
      %dma_wait3A_526 = tpu.memref_slice %arg3[%dma_wait3A_524, %add3A_523, %dma_wait3A_525] : memref<2x5000x64xi32, #tpu.memory_space<hbm>> -> memref<1x40x64xi32, #tpu.memory_space<hbm>>
      %dma_wait3A_527 = tpu.memref_squeeze %dma_wait3A_526 : memref<1x40x64xi32, #tpu.memory_space<hbm>> -> memref<40x64xi32, #tpu.memory_space<hbm>>
      %dma_wait3A_528 = arith.constant 0 : i32
      %dma_wait3A_529 = tpu.memref_slice %arg3[%dma_wait3A_524, %add3A_523, %dma_wait3A_528] : memref<2x5000x64xi32, #tpu.memory_space<hbm>> -> memref<1x40x64xi32, #tpu.memory_space<hbm>>
      %dma_wait3A_530 = tpu.memref_squeeze %dma_wait3A_529 : memref<1x40x64xi32, #tpu.memory_space<hbm>> -> memref<40x64xi32, #tpu.memory_space<hbm>>
      tpu.wait_dma2 semaphore(%arg14 : memref<!tpu.dma_semaphore, #tpu.memory_space<semaphore_mem>>) src(%dma_wait3A_530 : memref<40x64xi32, #tpu.memory_space<hbm>>) dst(%arg8 : memref<40x64xi32, #tpu.memory_space<vmem>>)
    } else {
    }
    %eq3A_186 = arith.constant 31 : i32
    %eq3A_187 = arith.cmpi eq, %add3A, %eq3A_186 : i32
    %convert_element_type3A_188 = arith.extui %eq3A_187 : i1 to i32
    %cond3A_189 = arith.constant 0 : i32
    %cond3A_190 = arith.cmpi ne, %convert_element_type3A_188, %cond3A_189 : i32
    scf.if %cond3A_190 {
      %dma_wait3A_520 = arith.constant 0 : i32
      %dma_wait3A_521 = arith.constant 0 : i32
      %dma_wait3A_522 = arith.constant 0 : i32
      %dma_wait3A_523 = tpu.memref_slice %arg8[%dma_wait3A_521, %dma_wait3A_522] : memref<40x64xi32, #tpu.memory_space<vmem>> -> memref<40x64xi32, #tpu.memory_space<vmem>>
      %dma_wait3A_524 = arith.constant 4960 : i32
      %dma_wait3A_525 = arith.constant 0 : i32
      %dma_wait3A_526 = tpu.memref_slice %arg3[%dma_wait3A_520, %dma_wait3A_524, %dma_wait3A_525] : memref<2x5000x64xi32, #tpu.memory_space<hbm>> -> memref<1x40x64xi32, #tpu.memory_space<hbm>>
      %dma_wait3A_527 = tpu.memref_squeeze %dma_wait3A_526 : memref<1x40x64xi32, #tpu.memory_space<hbm>> -> memref<40x64xi32, #tpu.memory_space<hbm>>
      %dma_wait3A_528 = arith.constant 0 : i32
      %dma_wait3A_529 = arith.constant 0 : i32
      %dma_wait3A_530 = tpu.memref_slice %arg8[%dma_wait3A_528, %dma_wait3A_529] : memref<40x64xi32, #tpu.memory_space<vmem>> -> memref<40x64xi32, #tpu.memory_space<vmem>>
      %dma_wait3A_531 = arith.constant 4960 : i32
      %dma_wait3A_532 = arith.constant 0 : i32
      %dma_wait3A_533 = tpu.memref_slice %arg3[%dma_wait3A_520, %dma_wait3A_531, %dma_wait3A_532] : memref<2x5000x64xi32, #tpu.memory_space<hbm>> -> memref<1x40x64xi32, #tpu.memory_space<hbm>>
      %dma_wait3A_534 = tpu.memref_squeeze %dma_wait3A_533 : memref<1x40x64xi32, #tpu.memory_space<hbm>> -> memref<40x64xi32, #tpu.memory_space<hbm>>
      tpu.wait_dma2 semaphore(%arg14 : memref<!tpu.dma_semaphore, #tpu.memory_space<semaphore_mem>>) src(%dma_wait3A_534 : memref<40x64xi32, #tpu.memory_space<hbm>>) dst(%dma_wait3A_530 : memref<40x64xi32, #tpu.memory_space<vmem>>)
    } else {
    }
    %lt3A_191 = arith.constant 31 : i32
    %lt3A_192 = arith.cmpi slt, %add3A, %lt3A_191 : i32
    %convert_element_type3A_193 = arith.extui %lt3A_192 : i1 to i32
    %cond3A_194 = arith.constant 0 : i32
    %cond3A_195 = arith.cmpi ne, %convert_element_type3A_193, %cond3A_194 : i32
    scf.if %cond3A_195 {
      %mul3A_520 = arith.constant 160 : i32
      %mul3A_521 = arith.muli %add3A, %mul3A_520 : i32
      %add3A_522 = arith.constant 0 : i32
      %add3A_523 = arith.addi %mul3A_521, %add3A_522 : i32
      %dma_wait3A_524 = arith.constant 1 : i32
      %dma_wait3A_525 = arith.constant 0 : i32
      %dma_wait3A_526 = tpu.memref_slice %arg3[%dma_wait3A_524, %add3A_523, %dma_wait3A_525] : memref<2x5000x64xi32, #tpu.memory_space<hbm>> -> memref<1x40x64xi32, #tpu.memory_space<hbm>>
      %dma_wait3A_527 = tpu.memref_squeeze %dma_wait3A_526 : memref<1x40x64xi32, #tpu.memory_space<hbm>> -> memref<40x64xi32, #tpu.memory_space<hbm>>
      %dma_wait3A_528 = arith.constant 0 : i32
      %dma_wait3A_529 = tpu.memref_slice %arg3[%dma_wait3A_524, %add3A_523, %dma_wait3A_528] : memref<2x5000x64xi32, #tpu.memory_space<hbm>> -> memref<1x40x64xi32, #tpu.memory_space<hbm>>
      %dma_wait3A_530 = tpu.memref_squeeze %dma_wait3A_529 : memref<1x40x64xi32, #tpu.memory_space<hbm>> -> memref<40x64xi32, #tpu.memory_space<hbm>>
      tpu.wait_dma2 semaphore(%arg14 : memref<!tpu.dma_semaphore, #tpu.memory_space<semaphore_mem>>) src(%dma_wait3A_530 : memref<40x64xi32, #tpu.memory_space<hbm>>) dst(%arg9 : memref<40x64xi32, #tpu.memory_space<vmem>>)
    } else {
    }
    %eq3A_196 = arith.constant 31 : i32
    %eq3A_197 = arith.cmpi eq, %add3A, %eq3A_196 : i32
    %convert_element_type3A_198 = arith.extui %eq3A_197 : i1 to i32
    %cond3A_199 = arith.constant 0 : i32
    %cond3A_200 = arith.cmpi ne, %convert_element_type3A_198, %cond3A_199 : i32
    scf.if %cond3A_200 {
      %dma_wait3A_520 = arith.constant 1 : i32
      %dma_wait3A_521 = arith.constant 0 : i32
      %dma_wait3A_522 = arith.constant 0 : i32
      %dma_wait3A_523 = tpu.memref_slice %arg9[%dma_wait3A_521, %dma_wait3A_522] : memref<40x64xi32, #tpu.memory_space<vmem>> -> memref<40x64xi32, #tpu.memory_space<vmem>>
      %dma_wait3A_524 = arith.constant 4960 : i32
      %dma_wait3A_525 = arith.constant 0 : i32
      %dma_wait3A_526 = tpu.memref_slice %arg3[%dma_wait3A_520, %dma_wait3A_524, %dma_wait3A_525] : memref<2x5000x64xi32, #tpu.memory_space<hbm>> -> memref<1x40x64xi32, #tpu.memory_space<hbm>>
      %dma_wait3A_527 = tpu.memref_squeeze %dma_wait3A_526 : memref<1x40x64xi32, #tpu.memory_space<hbm>> -> memref<40x64xi32, #tpu.memory_space<hbm>>
      %dma_wait3A_528 = arith.constant 0 : i32
      %dma_wait3A_529 = arith.constant 0 : i32
      %dma_wait3A_530 = tpu.memref_slice %arg9[%dma_wait3A_528, %dma_wait3A_529] : memref<40x64xi32, #tpu.memory_space<vmem>> -> memref<40x64xi32, #tpu.memory_space<vmem>>
      %dma_wait3A_531 = arith.constant 4960 : i32
      %dma_wait3A_532 = arith.constant 0 : i32
      %dma_wait3A_533 = tpu.memref_slice %arg3[%dma_wait3A_520, %dma_wait3A_531, %dma_wait3A_532] : memref<2x5000x64xi32, #tpu.memory_space<hbm>> -> memref<1x40x64xi32, #tpu.memory_space<hbm>>
      %dma_wait3A_534 = tpu.memref_squeeze %dma_wait3A_533 : memref<1x40x64xi32, #tpu.memory_space<hbm>> -> memref<40x64xi32, #tpu.memory_space<hbm>>
      tpu.wait_dma2 semaphore(%arg14 : memref<!tpu.dma_semaphore, #tpu.memory_space<semaphore_mem>>) src(%dma_wait3A_534 : memref<40x64xi32, #tpu.memory_space<hbm>>) dst(%dma_wait3A_530 : memref<40x64xi32, #tpu.memory_space<vmem>>)
    } else {
    }
    %barrier3A = arith.constant 0 : index
    tpu.barrier barrier_id(%barrier3A)
    %dma_start3A_201 = arith.constant 0 : i32
    %dma_start3A_202 = arith.constant 0 : i32
    %dma_start3A_203 = tpu.memref_slice %arg8[%dma_start3A_201, %dma_start3A_202] : memref<40x64xi32, #tpu.memory_space<vmem>> -> memref<1x64xi32, #tpu.memory_space<vmem>>
    %dma_start3A_204 = tpu.memref_squeeze %dma_start3A_203 : memref<1x64xi32, #tpu.memory_space<vmem>> -> memref<64xi32, #tpu.memory_space<vmem>>
    %dma_start3A_205 = arith.constant 0 : i32
    %dma_start3A_206 = arith.constant 0 : i32
    %dma_start3A_207 = tpu.memref_slice %arg2[%dma_start3A_205, %dma_start3A_206] : memref<10000x128xf32, #tpu.memory_space<hbm>> -> memref<10000x128xf32, #tpu.memory_space<hbm>>
    tpu.enqueue_indirect_dma source(%dma_start3A_207 : memref<10000x128xf32, #tpu.memory_space<hbm>>) target(%arg10 : memref<64x128xf32, #tpu.memory_space<vmem>>) offsets(%dma_start3A_204 : memref<64xi32, #tpu.memory_space<vmem>>) semaphore(%arg15 : memref<!tpu.dma_semaphore, #tpu.memory_space<semaphore_mem>>)
    %dma_start3A_208 = arith.constant 1 : i32
    %dma_start3A_209 = arith.constant 0 : i32
    %dma_start3A_210 = tpu.memref_slice %arg8[%dma_start3A_208, %dma_start3A_209] : memref<40x64xi32, #tpu.memory_space<vmem>> -> memref<1x64xi32, #tpu.memory_space<vmem>>
    %dma_start3A_211 = tpu.memref_squeeze %dma_start3A_210 : memref<1x64xi32, #tpu.memory_space<vmem>> -> memref<64xi32, #tpu.memory_space<vmem>>
    %dma_start3A_212 = arith.constant 0 : i32
    %dma_start3A_213 = arith.constant 0 : i32
    %dma_start3A_214 = tpu.memref_slice %arg2[%dma_start3A_212, %dma_start3A_213] : memref<10000x128xf32, #tpu.memory_space<hbm>> -> memref<10000x128xf32, #tpu.memory_space<hbm>>
    tpu.enqueue_indirect_dma source(%dma_start3A_214 : memref<10000x128xf32, #tpu.memory_space<hbm>>) target(%arg11 : memref<64x128xf32, #tpu.memory_space<vmem>>) offsets(%dma_start3A_211 : memref<64xi32, #tpu.memory_space<vmem>>) semaphore(%arg16 : memref<!tpu.dma_semaphore, #tpu.memory_space<semaphore_mem>>)
    %dma_start3A_215 = arith.constant 2 : i32
    %dma_start3A_216 = arith.constant 0 : i32
    %dma_start3A_217 = tpu.memref_slice %arg8[%dma_start3A_215, %dma_start3A_216] : memref<40x64xi32, #tpu.memory_space<vmem>> -> memref<1x64xi32, #tpu.memory_space<vmem>>
    %dma_start3A_218 = tpu.memref_squeeze %dma_start3A_217 : memref<1x64xi32, #tpu.memory_space<vmem>> -> memref<64xi32, #tpu.memory_space<vmem>>
    %dma_start3A_219 = arith.constant 0 : i32
    %dma_start3A_220 = arith.constant 0 : i32
    %dma_start3A_221 = tpu.memref_slice %arg2[%dma_start3A_219, %dma_start3A_220] : memref<10000x128xf32, #tpu.memory_space<hbm>> -> memref<10000x128xf32, #tpu.memory_space<hbm>>
    tpu.enqueue_indirect_dma source(%dma_start3A_221 : memref<10000x128xf32, #tpu.memory_space<hbm>>) target(%arg12 : memref<64x128xf32, #tpu.memory_space<vmem>>) offsets(%dma_start3A_218 : memref<64xi32, #tpu.memory_space<vmem>>) semaphore(%arg17 : memref<!tpu.dma_semaphore, #tpu.memory_space<semaphore_mem>>)
    %dma_start3A_222 = arith.constant 3 : i32
    %dma_start3A_223 = arith.constant 0 : i32
    %dma_start3A_224 = tpu.memref_slice %arg8[%dma_start3A_222, %dma_start3A_223] : memref<40x64xi32, #tpu.memory_space<vmem>> -> memref<1x64xi32, #tpu.memory_space<vmem>>
    %dma_start3A_225 = tpu.memref_squeeze %dma_start3A_224 : memref<1x64xi32, #tpu.memory_space<vmem>> -> memref<64xi32, #tpu.memory_space<vmem>>
    %dma_start3A_226 = arith.constant 0 : i32
    %dma_start3A_227 = arith.constant 0 : i32
    %dma_start3A_228 = tpu.memref_slice %arg2[%dma_start3A_226, %dma_start3A_227] : memref<10000x128xf32, #tpu.memory_space<hbm>> -> memref<10000x128xf32, #tpu.memory_space<hbm>>
    tpu.enqueue_indirect_dma source(%dma_start3A_228 : memref<10000x128xf32, #tpu.memory_space<hbm>>) target(%arg13 : memref<64x128xf32, #tpu.memory_space<vmem>>) offsets(%dma_start3A_225 : memref<64xi32, #tpu.memory_space<vmem>>) semaphore(%arg18 : memref<!tpu.dma_semaphore, #tpu.memory_space<semaphore_mem>>)
    %scan3A_229 = arith.constant 0 : i32
    %scan3A_230 = arith.constant 0 : i32
    %scan3A_231 = arith.constant 10 : i32
    %scan3A_232 = arith.addi %scan3A_230, %scan3A_231 : i32
    %scan3A_233 = arith.constant 1 : i32
    scf.for %scan3A_520 = %scan3A_230 to %scan3A_232 step %scan3A_233  : i32 {
      %mul3A_521 = arith.constant 4 : i32
      %mul3A_522 = arith.muli %mul3A_521, %scan3A_520 : i32
      %add3A_523 = arith.constant 0 : i32
      %add3A_524 = arith.addi %mul3A_522, %add3A_523 : i32
      %dma_wait3A_525 = arith.constant 0 : i32
      %dma_wait3A_526 = tpu.memref_slice %arg8[%add3A_524, %dma_wait3A_525] : memref<40x64xi32, #tpu.memory_space<vmem>> -> memref<1x64xi32, #tpu.memory_space<vmem>>
      %dma_wait3A_527 = tpu.memref_squeeze %dma_wait3A_526 : memref<1x64xi32, #tpu.memory_space<vmem>> -> memref<64xi32, #tpu.memory_space<vmem>>
      %dma_wait3A_528 = arith.constant 0 : i32
      %dma_wait3A_529 = arith.constant 0 : i32
      %dma_wait3A_530 = tpu.memref_slice %arg2[%dma_wait3A_528, %dma_wait3A_529] : memref<10000x128xf32, #tpu.memory_space<hbm>> -> memref<10000x128xf32, #tpu.memory_space<hbm>>
      tpu.wait_indirect_dma semaphore(%arg15 : memref<!tpu.dma_semaphore, #tpu.memory_space<semaphore_mem>>) src(%dma_wait3A_530 : memref<10000x128xf32, #tpu.memory_space<hbm>>) dst(%arg10 : memref<64x128xf32, #tpu.memory_space<vmem>>)
      %add3A_531 = arith.constant 0 : i32
      %add3A_532 = arith.addi %mul3A_522, %add3A_531 : i32
      %dma_start3A_533 = arith.constant 0 : i32
      %dma_start3A_534 = tpu.memref_slice %arg9[%add3A_532, %dma_start3A_533] : memref<40x64xi32, #tpu.memory_space<vmem>> -> memref<1x64xi32, #tpu.memory_space<vmem>>
      %dma_start3A_535 = tpu.memref_squeeze %dma_start3A_534 : memref<1x64xi32, #tpu.memory_space<vmem>> -> memref<64xi32, #tpu.memory_space<vmem>>
      %dma_start3A_536 = arith.constant 0 : i32
      %dma_start3A_537 = arith.constant 0 : i32
      %dma_start3A_538 = tpu.memref_slice %arg23[%dma_start3A_536, %dma_start3A_537] : memref<10240x128xf32, #tpu.memory_space<vmem_shared>> -> memref<10240x128xf32, #tpu.memory_space<vmem_shared>>
      tpu.enqueue_indirect_dma source(%arg10 : memref<64x128xf32, #tpu.memory_space<vmem>>) target(%dma_start3A_538 : memref<10240x128xf32, #tpu.memory_space<vmem_shared>>) offsets(%dma_start3A_535 : memref<64xi32, #tpu.memory_space<vmem>>) semaphore(%arg19 : memref<!tpu.dma_semaphore, #tpu.memory_space<semaphore_mem>>) {add = true}
      %add3A_539 = arith.constant 1 : i32
      %add3A_540 = arith.addi %mul3A_522, %add3A_539 : i32
      %dma_wait3A_541 = arith.constant 0 : i32
      %dma_wait3A_542 = tpu.memref_slice %arg8[%add3A_540, %dma_wait3A_541] : memref<40x64xi32, #tpu.memory_space<vmem>> -> memref<1x64xi32, #tpu.memory_space<vmem>>
      %dma_wait3A_543 = tpu.memref_squeeze %dma_wait3A_542 : memref<1x64xi32, #tpu.memory_space<vmem>> -> memref<64xi32, #tpu.memory_space<vmem>>
      %dma_wait3A_544 = arith.constant 0 : i32
      %dma_wait3A_545 = arith.constant 0 : i32
      %dma_wait3A_546 = tpu.memref_slice %arg2[%dma_wait3A_544, %dma_wait3A_545] : memref<10000x128xf32, #tpu.memory_space<hbm>> -> memref<10000x128xf32, #tpu.memory_space<hbm>>
      tpu.wait_indirect_dma semaphore(%arg16 : memref<!tpu.dma_semaphore, #tpu.memory_space<semaphore_mem>>) src(%dma_wait3A_546 : memref<10000x128xf32, #tpu.memory_space<hbm>>) dst(%arg11 : memref<64x128xf32, #tpu.memory_space<vmem>>)
      %add3A_547 = arith.constant 1 : i32
      %add3A_548 = arith.addi %mul3A_522, %add3A_547 : i32
      %dma_start3A_549 = arith.constant 0 : i32
      %dma_start3A_550 = tpu.memref_slice %arg9[%add3A_548, %dma_start3A_549] : memref<40x64xi32, #tpu.memory_space<vmem>> -> memref<1x64xi32, #tpu.memory_space<vmem>>
      %dma_start3A_551 = tpu.memref_squeeze %dma_start3A_550 : memref<1x64xi32, #tpu.memory_space<vmem>> -> memref<64xi32, #tpu.memory_space<vmem>>
      %dma_start3A_552 = arith.constant 0 : i32
      %dma_start3A_553 = arith.constant 0 : i32
      %dma_start3A_554 = tpu.memref_slice %arg23[%dma_start3A_552, %dma_start3A_553] : memref<10240x128xf32, #tpu.memory_space<vmem_shared>> -> memref<10240x128xf32, #tpu.memory_space<vmem_shared>>
      tpu.enqueue_indirect_dma source(%arg11 : memref<64x128xf32, #tpu.memory_space<vmem>>) target(%dma_start3A_554 : memref<10240x128xf32, #tpu.memory_space<vmem_shared>>) offsets(%dma_start3A_551 : memref<64xi32, #tpu.memory_space<vmem>>) semaphore(%arg20 : memref<!tpu.dma_semaphore, #tpu.memory_space<semaphore_mem>>) {add = true}
      %add3A_555 = arith.constant 2 : i32
      %add3A_556 = arith.addi %mul3A_522, %add3A_555 : i32
      %dma_wait3A_557 = arith.constant 0 : i32
      %dma_wait3A_558 = tpu.memref_slice %arg8[%add3A_556, %dma_wait3A_557] : memref<40x64xi32, #tpu.memory_space<vmem>> -> memref<1x64xi32, #tpu.memory_space<vmem>>
      %dma_wait3A_559 = tpu.memref_squeeze %dma_wait3A_558 : memref<1x64xi32, #tpu.memory_space<vmem>> -> memref<64xi32, #tpu.memory_space<vmem>>
      %dma_wait3A_560 = arith.constant 0 : i32
      %dma_wait3A_561 = arith.constant 0 : i32
      %dma_wait3A_562 = tpu.memref_slice %arg2[%dma_wait3A_560, %dma_wait3A_561] : memref<10000x128xf32, #tpu.memory_space<hbm>> -> memref<10000x128xf32, #tpu.memory_space<hbm>>
      tpu.wait_indirect_dma semaphore(%arg17 : memref<!tpu.dma_semaphore, #tpu.memory_space<semaphore_mem>>) src(%dma_wait3A_562 : memref<10000x128xf32, #tpu.memory_space<hbm>>) dst(%arg12 : memref<64x128xf32, #tpu.memory_space<vmem>>)
      %add3A_563 = arith.constant 2 : i32
      %add3A_564 = arith.addi %mul3A_522, %add3A_563 : i32
      %dma_start3A_565 = arith.constant 0 : i32
      %dma_start3A_566 = tpu.memref_slice %arg9[%add3A_564, %dma_start3A_565] : memref<40x64xi32, #tpu.memory_space<vmem>> -> memref<1x64xi32, #tpu.memory_space<vmem>>
      %dma_start3A_567 = tpu.memref_squeeze %dma_start3A_566 : memref<1x64xi32, #tpu.memory_space<vmem>> -> memref<64xi32, #tpu.memory_space<vmem>>
      %dma_start3A_568 = arith.constant 0 : i32
      %dma_start3A_569 = arith.constant 0 : i32
      %dma_start3A_570 = tpu.memref_slice %arg23[%dma_start3A_568, %dma_start3A_569] : memref<10240x128xf32, #tpu.memory_space<vmem_shared>> -> memref<10240x128xf32, #tpu.memory_space<vmem_shared>>
      tpu.enqueue_indirect_dma source(%arg12 : memref<64x128xf32, #tpu.memory_space<vmem>>) target(%dma_start3A_570 : memref<10240x128xf32, #tpu.memory_space<vmem_shared>>) offsets(%dma_start3A_567 : memref<64xi32, #tpu.memory_space<vmem>>) semaphore(%arg21 : memref<!tpu.dma_semaphore, #tpu.memory_space<semaphore_mem>>) {add = true}
      %add3A_571 = arith.constant 3 : i32
      %add3A_572 = arith.addi %mul3A_522, %add3A_571 : i32
      %dma_wait3A_573 = arith.constant 0 : i32
      %dma_wait3A_574 = tpu.memref_slice %arg8[%add3A_572, %dma_wait3A_573] : memref<40x64xi32, #tpu.memory_space<vmem>> -> memref<1x64xi32, #tpu.memory_space<vmem>>
      %dma_wait3A_575 = tpu.memref_squeeze %dma_wait3A_574 : memref<1x64xi32, #tpu.memory_space<vmem>> -> memref<64xi32, #tpu.memory_space<vmem>>
      %dma_wait3A_576 = arith.constant 0 : i32
      %dma_wait3A_577 = arith.constant 0 : i32
      %dma_wait3A_578 = tpu.memref_slice %arg2[%dma_wait3A_576, %dma_wait3A_577] : memref<10000x128xf32, #tpu.memory_space<hbm>> -> memref<10000x128xf32, #tpu.memory_space<hbm>>
      tpu.wait_indirect_dma semaphore(%arg18 : memref<!tpu.dma_semaphore, #tpu.memory_space<semaphore_mem>>) src(%dma_wait3A_578 : memref<10000x128xf32, #tpu.memory_space<hbm>>) dst(%arg13 : memref<64x128xf32, #tpu.memory_space<vmem>>)
      %add3A_579 = arith.constant 3 : i32
      %add3A_580 = arith.addi %mul3A_522, %add3A_579 : i32
      %dma_start3A_581 = arith.constant 0 : i32
      %dma_start3A_582 = tpu.memref_slice %arg9[%add3A_580, %dma_start3A_581] : memref<40x64xi32, #tpu.memory_space<vmem>> -> memref<1x64xi32, #tpu.memory_space<vmem>>
      %dma_start3A_583 = tpu.memref_squeeze %dma_start3A_582 : memref<1x64xi32, #tpu.memory_space<vmem>> -> memref<64xi32, #tpu.memory_space<vmem>>
      %dma_start3A_584 = arith.constant 0 : i32
      %dma_start3A_585 = arith.constant 0 : i32
      %dma_start3A_586 = tpu.memref_slice %arg23[%dma_start3A_584, %dma_start3A_585] : memref<10240x128xf32, #tpu.memory_space<vmem_shared>> -> memref<10240x128xf32, #tpu.memory_space<vmem_shared>>
      tpu.enqueue_indirect_dma source(%arg13 : memref<64x128xf32, #tpu.memory_space<vmem>>) target(%dma_start3A_586 : memref<10240x128xf32, #tpu.memory_space<vmem_shared>>) offsets(%dma_start3A_583 : memref<64xi32, #tpu.memory_space<vmem>>) semaphore(%arg22 : memref<!tpu.dma_semaphore, #tpu.memory_space<semaphore_mem>>) {add = true}
      %lt3A_587 = arith.constant 9 : i32
      %lt3A_588 = arith.cmpi slt, %scan3A_520, %lt3A_587 : i32
      %convert_element_type3A_589 = arith.extui %lt3A_588 : i1 to i32
      %cond3A_590 = arith.constant 0 : i32
      %cond3A_591 = arith.cmpi ne, %convert_element_type3A_589, %cond3A_590 : i32
      scf.if %cond3A_591 {
        %add3A_592 = arith.constant 0 : i32
        %add3A_593 = arith.addi %mul3A_522, %add3A_592 : i32
        %dma_wait3A_594 = arith.constant 0 : i32
        %dma_wait3A_595 = tpu.memref_slice %arg9[%add3A_593, %dma_wait3A_594] : memref<40x64xi32, #tpu.memory_space<vmem>> -> memref<1x64xi32, #tpu.memory_space<vmem>>
        %dma_wait3A_596 = tpu.memref_squeeze %dma_wait3A_595 : memref<1x64xi32, #tpu.memory_space<vmem>> -> memref<64xi32, #tpu.memory_space<vmem>>
        %dma_wait3A_597 = arith.constant 0 : i32
        %dma_wait3A_598 = arith.constant 0 : i32
        %dma_wait3A_599 = tpu.memref_slice %arg23[%dma_wait3A_597, %dma_wait3A_598] : memref<10240x128xf32, #tpu.memory_space<vmem_shared>> -> memref<10240x128xf32, #tpu.memory_space<vmem_shared>>
        tpu.wait_indirect_dma semaphore(%arg19 : memref<!tpu.dma_semaphore, #tpu.memory_space<semaphore_mem>>) src(%arg10 : memref<64x128xf32, #tpu.memory_space<vmem>>) dst(%dma_wait3A_599 : memref<10240x128xf32, #tpu.memory_space<vmem_shared>>)
        %add3A_600 = arith.constant 4 : i32
        %add3A_601 = arith.addi %mul3A_522, %add3A_600 : i32
        %add3A_602 = arith.constant 0 : i32
        %add3A_603 = arith.addi %add3A_601, %add3A_602 : i32
        %dma_start3A_604 = arith.constant 0 : i32
        %dma_start3A_605 = tpu.memref_slice %arg8[%add3A_603, %dma_start3A_604] : memref<40x64xi32, #tpu.memory_space<vmem>> -> memref<1x64xi32, #tpu.memory_space<vmem>>
        %dma_start3A_606 = tpu.memref_squeeze %dma_start3A_605 : memref<1x64xi32, #tpu.memory_space<vmem>> -> memref<64xi32, #tpu.memory_space<vmem>>
        %dma_start3A_607 = arith.constant 0 : i32
        %dma_start3A_608 = arith.constant 0 : i32
        %dma_start3A_609 = tpu.memref_slice %arg2[%dma_start3A_607, %dma_start3A_608] : memref<10000x128xf32, #tpu.memory_space<hbm>> -> memref<10000x128xf32, #tpu.memory_space<hbm>>
        tpu.enqueue_indirect_dma source(%dma_start3A_609 : memref<10000x128xf32, #tpu.memory_space<hbm>>) target(%arg10 : memref<64x128xf32, #tpu.memory_space<vmem>>) offsets(%dma_start3A_606 : memref<64xi32, #tpu.memory_space<vmem>>) semaphore(%arg15 : memref<!tpu.dma_semaphore, #tpu.memory_space<semaphore_mem>>)
        %add3A_610 = arith.constant 1 : i32
        %add3A_611 = arith.addi %mul3A_522, %add3A_610 : i32
        %dma_wait3A_612 = arith.constant 0 : i32
        %dma_wait3A_613 = tpu.memref_slice %arg9[%add3A_611, %dma_wait3A_612] : memref<40x64xi32, #tpu.memory_space<vmem>> -> memref<1x64xi32, #tpu.memory_space<vmem>>
        %dma_wait3A_614 = tpu.memref_squeeze %dma_wait3A_613 : memref<1x64xi32, #tpu.memory_space<vmem>> -> memref<64xi32, #tpu.memory_space<vmem>>
        %dma_wait3A_615 = arith.constant 0 : i32
        %dma_wait3A_616 = arith.constant 0 : i32
        %dma_wait3A_617 = tpu.memref_slice %arg23[%dma_wait3A_615, %dma_wait3A_616] : memref<10240x128xf32, #tpu.memory_space<vmem_shared>> -> memref<10240x128xf32, #tpu.memory_space<vmem_shared>>
        tpu.wait_indirect_dma semaphore(%arg20 : memref<!tpu.dma_semaphore, #tpu.memory_space<semaphore_mem>>) src(%arg11 : memref<64x128xf32, #tpu.memory_space<vmem>>) dst(%dma_wait3A_617 : memref<10240x128xf32, #tpu.memory_space<vmem_shared>>)
        %add3A_618 = arith.constant 4 : i32
        %add3A_619 = arith.addi %mul3A_522, %add3A_618 : i32
        %add3A_620 = arith.constant 1 : i32
        %add3A_621 = arith.addi %add3A_619, %add3A_620 : i32
        %dma_start3A_622 = arith.constant 0 : i32
        %dma_start3A_623 = tpu.memref_slice %arg8[%add3A_621, %dma_start3A_622] : memref<40x64xi32, #tpu.memory_space<vmem>> -> memref<1x64xi32, #tpu.memory_space<vmem>>
        %dma_start3A_624 = tpu.memref_squeeze %dma_start3A_623 : memref<1x64xi32, #tpu.memory_space<vmem>> -> memref<64xi32, #tpu.memory_space<vmem>>
        %dma_start3A_625 = arith.constant 0 : i32
        %dma_start3A_626 = arith.constant 0 : i32
        %dma_start3A_627 = tpu.memref_slice %arg2[%dma_start3A_625, %dma_start3A_626] : memref<10000x128xf32, #tpu.memory_space<hbm>> -> memref<10000x128xf32, #tpu.memory_space<hbm>>
        tpu.enqueue_indirect_dma source(%dma_start3A_627 : memref<10000x128xf32, #tpu.memory_space<hbm>>) target(%arg11 : memref<64x128xf32, #tpu.memory_space<vmem>>) offsets(%dma_start3A_624 : memref<64xi32, #tpu.memory_space<vmem>>) semaphore(%arg16 : memref<!tpu.dma_semaphore, #tpu.memory_space<semaphore_mem>>)
        %add3A_628 = arith.constant 2 : i32
        %add3A_629 = arith.addi %mul3A_522, %add3A_628 : i32
        %dma_wait3A_630 = arith.constant 0 : i32
        %dma_wait3A_631 = tpu.memref_slice %arg9[%add3A_629, %dma_wait3A_630] : memref<40x64xi32, #tpu.memory_space<vmem>> -> memref<1x64xi32, #tpu.memory_space<vmem>>
        %dma_wait3A_632 = tpu.memref_squeeze %dma_wait3A_631 : memref<1x64xi32, #tpu.memory_space<vmem>> -> memref<64xi32, #tpu.memory_space<vmem>>
        %dma_wait3A_633 = arith.constant 0 : i32
        %dma_wait3A_634 = arith.constant 0 : i32
        %dma_wait3A_635 = tpu.memref_slice %arg23[%dma_wait3A_633, %dma_wait3A_634] : memref<10240x128xf32, #tpu.memory_space<vmem_shared>> -> memref<10240x128xf32, #tpu.memory_space<vmem_shared>>
        tpu.wait_indirect_dma semaphore(%arg21 : memref<!tpu.dma_semaphore, #tpu.memory_space<semaphore_mem>>) src(%arg12 : memref<64x128xf32, #tpu.memory_space<vmem>>) dst(%dma_wait3A_635 : memref<10240x128xf32, #tpu.memory_space<vmem_shared>>)
        %add3A_636 = arith.constant 4 : i32
        %add3A_637 = arith.addi %mul3A_522, %add3A_636 : i32
        %add3A_638 = arith.constant 2 : i32
        %add3A_639 = arith.addi %add3A_637, %add3A_638 : i32
        %dma_start3A_640 = arith.constant 0 : i32
        %dma_start3A_641 = tpu.memref_slice %arg8[%add3A_639, %dma_start3A_640] : memref<40x64xi32, #tpu.memory_space<vmem>> -> memref<1x64xi32, #tpu.memory_space<vmem>>
        %dma_start3A_642 = tpu.memref_squeeze %dma_start3A_641 : memref<1x64xi32, #tpu.memory_space<vmem>> -> memref<64xi32, #tpu.memory_space<vmem>>
        %dma_start3A_643 = arith.constant 0 : i32
        %dma_start3A_644 = arith.constant 0 : i32
        %dma_start3A_645 = tpu.memref_slice %arg2[%dma_start3A_643, %dma_start3A_644] : memref<10000x128xf32, #tpu.memory_space<hbm>> -> memref<10000x128xf32, #tpu.memory_space<hbm>>
        tpu.enqueue_indirect_dma source(%dma_start3A_645 : memref<10000x128xf32, #tpu.memory_space<hbm>>) target(%arg12 : memref<64x128xf32, #tpu.memory_space<vmem>>) offsets(%dma_start3A_642 : memref<64xi32, #tpu.memory_space<vmem>>) semaphore(%arg17 : memref<!tpu.dma_semaphore, #tpu.memory_space<semaphore_mem>>)
        %add3A_646 = arith.constant 3 : i32
        %add3A_647 = arith.addi %mul3A_522, %add3A_646 : i32
        %dma_wait3A_648 = arith.constant 0 : i32
        %dma_wait3A_649 = tpu.memref_slice %arg9[%add3A_647, %dma_wait3A_648] : memref<40x64xi32, #tpu.memory_space<vmem>> -> memref<1x64xi32, #tpu.memory_space<vmem>>
        %dma_wait3A_650 = tpu.memref_squeeze %dma_wait3A_649 : memref<1x64xi32, #tpu.memory_space<vmem>> -> memref<64xi32, #tpu.memory_space<vmem>>
        %dma_wait3A_651 = arith.constant 0 : i32
        %dma_wait3A_652 = arith.constant 0 : i32
        %dma_wait3A_653 = tpu.memref_slice %arg23[%dma_wait3A_651, %dma_wait3A_652] : memref<10240x128xf32, #tpu.memory_space<vmem_shared>> -> memref<10240x128xf32, #tpu.memory_space<vmem_shared>>
        tpu.wait_indirect_dma semaphore(%arg22 : memref<!tpu.dma_semaphore, #tpu.memory_space<semaphore_mem>>) src(%arg13 : memref<64x128xf32, #tpu.memory_space<vmem>>) dst(%dma_wait3A_653 : memref<10240x128xf32, #tpu.memory_space<vmem_shared>>)
        %add3A_654 = arith.constant 4 : i32
        %add3A_655 = arith.addi %mul3A_522, %add3A_654 : i32
        %add3A_656 = arith.constant 3 : i32
        %add3A_657 = arith.addi %add3A_655, %add3A_656 : i32
        %dma_start3A_658 = arith.constant 0 : i32
        %dma_start3A_659 = tpu.memref_slice %arg8[%add3A_657, %dma_start3A_658] : memref<40x64xi32, #tpu.memory_space<vmem>> -> memref<1x64xi32, #tpu.memory_space<vmem>>
        %dma_start3A_660 = tpu.memref_squeeze %dma_start3A_659 : memref<1x64xi32, #tpu.memory_space<vmem>> -> memref<64xi32, #tpu.memory_space<vmem>>
        %dma_start3A_661 = arith.constant 0 : i32
        %dma_start3A_662 = arith.constant 0 : i32
        %dma_start3A_663 = tpu.memref_slice %arg2[%dma_start3A_661, %dma_start3A_662] : memref<10000x128xf32, #tpu.memory_space<hbm>> -> memref<10000x128xf32, #tpu.memory_space<hbm>>
        tpu.enqueue_indirect_dma source(%dma_start3A_663 : memref<10000x128xf32, #tpu.memory_space<hbm>>) target(%arg13 : memref<64x128xf32, #tpu.memory_space<vmem>>) offsets(%dma_start3A_660 : memref<64xi32, #tpu.memory_space<vmem>>) semaphore(%arg18 : memref<!tpu.dma_semaphore, #tpu.memory_space<semaphore_mem>>)
      } else {
      }
    }
    %scan3A_234 = arith.constant 10 : i32
    %dma_wait3A_235 = arith.constant 36 : i32
    %dma_wait3A_236 = arith.constant 0 : i32
    %dma_wait3A_237 = tpu.memref_slice %arg9[%dma_wait3A_235, %dma_wait3A_236] : memref<40x64xi32, #tpu.memory_space<vmem>> -> memref<1x64xi32, #tpu.memory_space<vmem>>
    %dma_wait3A_238 = tpu.memref_squeeze %dma_wait3A_237 : memref<1x64xi32, #tpu.memory_space<vmem>> -> memref<64xi32, #tpu.memory_space<vmem>>
    %dma_wait3A_239 = arith.constant 0 : i32
    %dma_wait3A_240 = arith.constant 0 : i32
    %dma_wait3A_241 = tpu.memref_slice %arg23[%dma_wait3A_239, %dma_wait3A_240] : memref<10240x128xf32, #tpu.memory_space<vmem_shared>> -> memref<10240x128xf32, #tpu.memory_space<vmem_shared>>
    tpu.wait_indirect_dma semaphore(%arg19 : memref<!tpu.dma_semaphore, #tpu.memory_space<semaphore_mem>>) src(%arg10 : memref<64x128xf32, #tpu.memory_space<vmem>>) dst(%dma_wait3A_241 : memref<10240x128xf32, #tpu.memory_space<vmem_shared>>)
    %dma_wait3A_242 = arith.constant 37 : i32
    %dma_wait3A_243 = arith.constant 0 : i32
    %dma_wait3A_244 = tpu.memref_slice %arg9[%dma_wait3A_242, %dma_wait3A_243] : memref<40x64xi32, #tpu.memory_space<vmem>> -> memref<1x64xi32, #tpu.memory_space<vmem>>
    %dma_wait3A_245 = tpu.memref_squeeze %dma_wait3A_244 : memref<1x64xi32, #tpu.memory_space<vmem>> -> memref<64xi32, #tpu.memory_space<vmem>>
    %dma_wait3A_246 = arith.constant 0 : i32
    %dma_wait3A_247 = arith.constant 0 : i32
    %dma_wait3A_248 = tpu.memref_slice %arg23[%dma_wait3A_246, %dma_wait3A_247] : memref<10240x128xf32, #tpu.memory_space<vmem_shared>> -> memref<10240x128xf32, #tpu.memory_space<vmem_shared>>
    tpu.wait_indirect_dma semaphore(%arg20 : memref<!tpu.dma_semaphore, #tpu.memory_space<semaphore_mem>>) src(%arg11 : memref<64x128xf32, #tpu.memory_space<vmem>>) dst(%dma_wait3A_248 : memref<10240x128xf32, #tpu.memory_space<vmem_shared>>)
    %dma_wait3A_249 = arith.constant 38 : i32
    %dma_wait3A_250 = arith.constant 0 : i32
    %dma_wait3A_251 = tpu.memref_slice %arg9[%dma_wait3A_249, %dma_wait3A_250] : memref<40x64xi32, #tpu.memory_space<vmem>> -> memref<1x64xi32, #tpu.memory_space<vmem>>
    %dma_wait3A_252 = tpu.memref_squeeze %dma_wait3A_251 : memref<1x64xi32, #tpu.memory_space<vmem>> -> memref<64xi32, #tpu.memory_space<vmem>>
    %dma_wait3A_253 = arith.constant 0 : i32
    %dma_wait3A_254 = arith.constant 0 : i32
    %dma_wait3A_255 = tpu.memref_slice %arg23[%dma_wait3A_253, %dma_wait3A_254] : memref<10240x128xf32, #tpu.memory_space<vmem_shared>> -> memref<10240x128xf32, #tpu.memory_space<vmem_shared>>
    tpu.wait_indirect_dma semaphore(%arg21 : memref<!tpu.dma_semaphore, #tpu.memory_space<semaphore_mem>>) src(%arg12 : memref<64x128xf32, #tpu.memory_space<vmem>>) dst(%dma_wait3A_255 : memref<10240x128xf32, #tpu.memory_space<vmem_shared>>)
    %dma_wait3A_256 = arith.constant 39 : i32
    %dma_wait3A_257 = arith.constant 0 : i32
    %dma_wait3A_258 = tpu.memref_slice %arg9[%dma_wait3A_256, %dma_wait3A_257] : memref<40x64xi32, #tpu.memory_space<vmem>> -> memref<1x64xi32, #tpu.memory_space<vmem>>
    %dma_wait3A_259 = tpu.memref_squeeze %dma_wait3A_258 : memref<1x64xi32, #tpu.memory_space<vmem>> -> memref<64xi32, #tpu.memory_space<vmem>>
    %dma_wait3A_260 = arith.constant 0 : i32
    %dma_wait3A_261 = arith.constant 0 : i32
    %dma_wait3A_262 = tpu.memref_slice %arg23[%dma_wait3A_260, %dma_wait3A_261] : memref<10240x128xf32, #tpu.memory_space<vmem_shared>> -> memref<10240x128xf32, #tpu.memory_space<vmem_shared>>
    tpu.wait_indirect_dma semaphore(%arg22 : memref<!tpu.dma_semaphore, #tpu.memory_space<semaphore_mem>>) src(%arg13 : memref<64x128xf32, #tpu.memory_space<vmem>>) dst(%dma_wait3A_262 : memref<10240x128xf32, #tpu.memory_space<vmem_shared>>)
    %lt3A_263 = arith.constant 31 : i32
    %lt3A_264 = arith.cmpi slt, %add3A, %lt3A_263 : i32
    %convert_element_type3A_265 = arith.extui %lt3A_264 : i1 to i32
    %cond3A_266 = arith.constant 0 : i32
    %cond3A_267 = arith.cmpi ne, %convert_element_type3A_265, %cond3A_266 : i32
    scf.if %cond3A_267 {
      %mul3A_520 = arith.constant 160 : i32
      %mul3A_521 = arith.muli %add3A, %mul3A_520 : i32
      %add3A_522 = arith.constant 40 : i32
      %add3A_523 = arith.addi %mul3A_521, %add3A_522 : i32
      %run_scoped3A = arith.constant 0 : i32
      "tpu.region"() ({
        %run_scoped3A_524 = tpu.sem_alloc : memref<!tpu.dma_semaphore, #tpu.memory_space<semaphore_mem>>
        %dma_start3A_525 = arith.constant 0 : i32
        %dma_start3A_526 = tpu.memref_slice %arg3[%run_scoped3A, %add3A_523, %dma_start3A_525] : memref<2x5000x64xi32, #tpu.memory_space<hbm>> -> memref<1x40x64xi32, #tpu.memory_space<hbm>>
        %dma_start3A_527 = tpu.memref_squeeze %dma_start3A_526 : memref<1x40x64xi32, #tpu.memory_space<hbm>> -> memref<40x64xi32, #tpu.memory_space<hbm>>
        %dma_start3A_528 = arith.constant 0 : i32
        %dma_start3A_529 = tpu.memref_slice %arg3[%run_scoped3A, %add3A_523, %dma_start3A_528] : memref<2x5000x64xi32, #tpu.memory_space<hbm>> -> memref<1x40x64xi32, #tpu.memory_space<hbm>>
        %dma_start3A_530 = tpu.memref_squeeze %dma_start3A_529 : memref<1x40x64xi32, #tpu.memory_space<hbm>> -> memref<40x64xi32, #tpu.memory_space<hbm>>
        tpu.enqueue_dma source(%dma_start3A_530 : memref<40x64xi32, #tpu.memory_space<hbm>>) target(%arg8 : memref<40x64xi32, #tpu.memory_space<vmem>>) target_semaphore(%run_scoped3A_524 : memref<!tpu.dma_semaphore, #tpu.memory_space<semaphore_mem>>)
        %dma_wait3A_531 = arith.constant 0 : i32
        %dma_wait3A_532 = tpu.memref_slice %arg3[%run_scoped3A, %add3A_523, %dma_wait3A_531] : memref<2x5000x64xi32, #tpu.memory_space<hbm>> -> memref<1x40x64xi32, #tpu.memory_space<hbm>>
        %dma_wait3A_533 = tpu.memref_squeeze %dma_wait3A_532 : memref<1x40x64xi32, #tpu.memory_space<hbm>> -> memref<40x64xi32, #tpu.memory_space<hbm>>
        %dma_wait3A_534 = arith.constant 0 : i32
        %dma_wait3A_535 = tpu.memref_slice %arg3[%run_scoped3A, %add3A_523, %dma_wait3A_534] : memref<2x5000x64xi32, #tpu.memory_space<hbm>> -> memref<1x40x64xi32, #tpu.memory_space<hbm>>
        %dma_wait3A_536 = tpu.memref_squeeze %dma_wait3A_535 : memref<1x40x64xi32, #tpu.memory_space<hbm>> -> memref<40x64xi32, #tpu.memory_space<hbm>>
        tpu.wait_dma2 semaphore(%run_scoped3A_524 : memref<!tpu.dma_semaphore, #tpu.memory_space<semaphore_mem>>) src(%dma_wait3A_536 : memref<40x64xi32, #tpu.memory_space<hbm>>) dst(%arg8 : memref<40x64xi32, #tpu.memory_space<vmem>>)
        tpu.yield
      }) : () -> ()
    } else {
    }
    %eq3A_268 = arith.constant 31 : i32
    %eq3A_269 = arith.cmpi eq, %add3A, %eq3A_268 : i32
    %convert_element_type3A_270 = arith.extui %eq3A_269 : i1 to i32
    %cond3A_271 = arith.constant 0 : i32
    %cond3A_272 = arith.cmpi ne, %convert_element_type3A_270, %cond3A_271 : i32
    scf.if %cond3A_272 {
      "tpu.region"() ({
        %run_scoped3A = tpu.sem_alloc : memref<!tpu.dma_semaphore, #tpu.memory_space<semaphore_mem>>
        %dma_start3A_520 = arith.constant 0 : i32
        %dma_start3A_521 = arith.constant 0 : i32
        %dma_start3A_522 = tpu.memref_slice %arg8[%dma_start3A_520, %dma_start3A_521] : memref<40x64xi32, #tpu.memory_space<vmem>> -> memref<40x64xi32, #tpu.memory_space<vmem>>
        %dma_start3A_523 = arith.constant 0 : i32
        %dma_start3A_524 = arith.constant 0 : i32
        %dma_start3A_525 = tpu.memref_slice %arg4[%dma_start3A_523, %dma_start3A_524] : memref<120x64xi32, #tpu.memory_space<hbm>> -> memref<40x64xi32, #tpu.memory_space<hbm>>
        %dma_start3A_526 = arith.constant 0 : i32
        %dma_start3A_527 = arith.constant 0 : i32
        %dma_start3A_528 = tpu.memref_slice %arg8[%dma_start3A_526, %dma_start3A_527] : memref<40x64xi32, #tpu.memory_space<vmem>> -> memref<40x64xi32, #tpu.memory_space<vmem>>
        %dma_start3A_529 = arith.constant 0 : i32
        %dma_start3A_530 = arith.constant 0 : i32
        %dma_start3A_531 = tpu.memref_slice %arg4[%dma_start3A_529, %dma_start3A_530] : memref<120x64xi32, #tpu.memory_space<hbm>> -> memref<40x64xi32, #tpu.memory_space<hbm>>
        tpu.enqueue_dma source(%dma_start3A_531 : memref<40x64xi32, #tpu.memory_space<hbm>>) target(%dma_start3A_528 : memref<40x64xi32, #tpu.memory_space<vmem>>) target_semaphore(%run_scoped3A : memref<!tpu.dma_semaphore, #tpu.memory_space<semaphore_mem>>)
        %dma_wait3A_532 = arith.constant 0 : i32
        %dma_wait3A_533 = arith.constant 0 : i32
        %dma_wait3A_534 = tpu.memref_slice %arg8[%dma_wait3A_532, %dma_wait3A_533] : memref<40x64xi32, #tpu.memory_space<vmem>> -> memref<40x64xi32, #tpu.memory_space<vmem>>
        %dma_wait3A_535 = arith.constant 0 : i32
        %dma_wait3A_536 = arith.constant 0 : i32
        %dma_wait3A_537 = tpu.memref_slice %arg4[%dma_wait3A_535, %dma_wait3A_536] : memref<120x64xi32, #tpu.memory_space<hbm>> -> memref<40x64xi32, #tpu.memory_space<hbm>>
        %dma_wait3A_538 = arith.constant 0 : i32
        %dma_wait3A_539 = arith.constant 0 : i32
        %dma_wait3A_540 = tpu.memref_slice %arg8[%dma_wait3A_538, %dma_wait3A_539] : memref<40x64xi32, #tpu.memory_space<vmem>> -> memref<40x64xi32, #tpu.memory_space<vmem>>
        %dma_wait3A_541 = arith.constant 0 : i32
        %dma_wait3A_542 = arith.constant 0 : i32
        %dma_wait3A_543 = tpu.memref_slice %arg4[%dma_wait3A_541, %dma_wait3A_542] : memref<120x64xi32, #tpu.memory_space<hbm>> -> memref<40x64xi32, #tpu.memory_space<hbm>>
        tpu.wait_dma2 semaphore(%run_scoped3A : memref<!tpu.dma_semaphore, #tpu.memory_space<semaphore_mem>>) src(%dma_wait3A_543 : memref<40x64xi32, #tpu.memory_space<hbm>>) dst(%dma_wait3A_540 : memref<40x64xi32, #tpu.memory_space<vmem>>)
        tpu.yield
      }) : () -> ()
    } else {
    }
    %lt3A_273 = arith.constant 31 : i32
    %lt3A_274 = arith.cmpi slt, %add3A, %lt3A_273 : i32
    %convert_element_type3A_275 = arith.extui %lt3A_274 : i1 to i32
    %cond3A_276 = arith.constant 0 : i32
    %cond3A_277 = arith.cmpi ne, %convert_element_type3A_275, %cond3A_276 : i32
    scf.if %cond3A_277 {
      %mul3A_520 = arith.constant 160 : i32
      %mul3A_521 = arith.muli %add3A, %mul3A_520 : i32
      %add3A_522 = arith.constant 40 : i32
      %add3A_523 = arith.addi %mul3A_521, %add3A_522 : i32
      %run_scoped3A = arith.constant 1 : i32
      "tpu.region"() ({
        %run_scoped3A_524 = tpu.sem_alloc : memref<!tpu.dma_semaphore, #tpu.memory_space<semaphore_mem>>
        %dma_start3A_525 = arith.constant 0 : i32
        %dma_start3A_526 = tpu.memref_slice %arg3[%run_scoped3A, %add3A_523, %dma_start3A_525] : memref<2x5000x64xi32, #tpu.memory_space<hbm>> -> memref<1x40x64xi32, #tpu.memory_space<hbm>>
        %dma_start3A_527 = tpu.memref_squeeze %dma_start3A_526 : memref<1x40x64xi32, #tpu.memory_space<hbm>> -> memref<40x64xi32, #tpu.memory_space<hbm>>
        %dma_start3A_528 = arith.constant 0 : i32
        %dma_start3A_529 = tpu.memref_slice %arg3[%run_scoped3A, %add3A_523, %dma_start3A_528] : memref<2x5000x64xi32, #tpu.memory_space<hbm>> -> memref<1x40x64xi32, #tpu.memory_space<hbm>>
        %dma_start3A_530 = tpu.memref_squeeze %dma_start3A_529 : memref<1x40x64xi32, #tpu.memory_space<hbm>> -> memref<40x64xi32, #tpu.memory_space<hbm>>
        tpu.enqueue_dma source(%dma_start3A_530 : memref<40x64xi32, #tpu.memory_space<hbm>>) target(%arg9 : memref<40x64xi32, #tpu.memory_space<vmem>>) target_semaphore(%run_scoped3A_524 : memref<!tpu.dma_semaphore, #tpu.memory_space<semaphore_mem>>)
        %dma_wait3A_531 = arith.constant 0 : i32
        %dma_wait3A_532 = tpu.memref_slice %arg3[%run_scoped3A, %add3A_523, %dma_wait3A_531] : memref<2x5000x64xi32, #tpu.memory_space<hbm>> -> memref<1x40x64xi32, #tpu.memory_space<hbm>>
        %dma_wait3A_533 = tpu.memref_squeeze %dma_wait3A_532 : memref<1x40x64xi32, #tpu.memory_space<hbm>> -> memref<40x64xi32, #tpu.memory_space<hbm>>
        %dma_wait3A_534 = arith.constant 0 : i32
        %dma_wait3A_535 = tpu.memref_slice %arg3[%run_scoped3A, %add3A_523, %dma_wait3A_534] : memref<2x5000x64xi32, #tpu.memory_space<hbm>> -> memref<1x40x64xi32, #tpu.memory_space<hbm>>
        %dma_wait3A_536 = tpu.memref_squeeze %dma_wait3A_535 : memref<1x40x64xi32, #tpu.memory_space<hbm>> -> memref<40x64xi32, #tpu.memory_space<hbm>>
        tpu.wait_dma2 semaphore(%run_scoped3A_524 : memref<!tpu.dma_semaphore, #tpu.memory_space<semaphore_mem>>) src(%dma_wait3A_536 : memref<40x64xi32, #tpu.memory_space<hbm>>) dst(%arg9 : memref<40x64xi32, #tpu.memory_space<vmem>>)
        tpu.yield
      }) : () -> ()
    } else {
    }
    %eq3A_278 = arith.constant 31 : i32
    %eq3A_279 = arith.cmpi eq, %add3A, %eq3A_278 : i32
    %convert_element_type3A_280 = arith.extui %eq3A_279 : i1 to i32
    %cond3A_281 = arith.constant 0 : i32
    %cond3A_282 = arith.cmpi ne, %convert_element_type3A_280, %cond3A_281 : i32
    scf.if %cond3A_282 {
      "tpu.region"() ({
        %run_scoped3A = tpu.sem_alloc : memref<!tpu.dma_semaphore, #tpu.memory_space<semaphore_mem>>
        %dma_start3A_520 = arith.constant 0 : i32
        %dma_start3A_521 = arith.constant 0 : i32
        %dma_start3A_522 = tpu.memref_slice %arg9[%dma_start3A_520, %dma_start3A_521] : memref<40x64xi32, #tpu.memory_space<vmem>> -> memref<40x64xi32, #tpu.memory_space<vmem>>
        %dma_start3A_523 = arith.constant 0 : i32
        %dma_start3A_524 = arith.constant 0 : i32
        %dma_start3A_525 = tpu.memref_slice %arg5[%dma_start3A_523, %dma_start3A_524] : memref<120x64xi32, #tpu.memory_space<hbm>> -> memref<40x64xi32, #tpu.memory_space<hbm>>
        %dma_start3A_526 = arith.constant 0 : i32
        %dma_start3A_527 = arith.constant 0 : i32
        %dma_start3A_528 = tpu.memref_slice %arg9[%dma_start3A_526, %dma_start3A_527] : memref<40x64xi32, #tpu.memory_space<vmem>> -> memref<40x64xi32, #tpu.memory_space<vmem>>
        %dma_start3A_529 = arith.constant 0 : i32
        %dma_start3A_530 = arith.constant 0 : i32
        %dma_start3A_531 = tpu.memref_slice %arg5[%dma_start3A_529, %dma_start3A_530] : memref<120x64xi32, #tpu.memory_space<hbm>> -> memref<40x64xi32, #tpu.memory_space<hbm>>
        tpu.enqueue_dma source(%dma_start3A_531 : memref<40x64xi32, #tpu.memory_space<hbm>>) target(%dma_start3A_528 : memref<40x64xi32, #tpu.memory_space<vmem>>) target_semaphore(%run_scoped3A : memref<!tpu.dma_semaphore, #tpu.memory_space<semaphore_mem>>)
        %dma_wait3A_532 = arith.constant 0 : i32
        %dma_wait3A_533 = arith.constant 0 : i32
        %dma_wait3A_534 = tpu.memref_slice %arg9[%dma_wait3A_532, %dma_wait3A_533] : memref<40x64xi32, #tpu.memory_space<vmem>> -> memref<40x64xi32, #tpu.memory_space<vmem>>
        %dma_wait3A_535 = arith.constant 0 : i32
        %dma_wait3A_536 = arith.constant 0 : i32
        %dma_wait3A_537 = tpu.memref_slice %arg5[%dma_wait3A_535, %dma_wait3A_536] : memref<120x64xi32, #tpu.memory_space<hbm>> -> memref<40x64xi32, #tpu.memory_space<hbm>>
        %dma_wait3A_538 = arith.constant 0 : i32
        %dma_wait3A_539 = arith.constant 0 : i32
        %dma_wait3A_540 = tpu.memref_slice %arg9[%dma_wait3A_538, %dma_wait3A_539] : memref<40x64xi32, #tpu.memory_space<vmem>> -> memref<40x64xi32, #tpu.memory_space<vmem>>
        %dma_wait3A_541 = arith.constant 0 : i32
        %dma_wait3A_542 = arith.constant 0 : i32
        %dma_wait3A_543 = tpu.memref_slice %arg5[%dma_wait3A_541, %dma_wait3A_542] : memref<120x64xi32, #tpu.memory_space<hbm>> -> memref<40x64xi32, #tpu.memory_space<hbm>>
        tpu.wait_dma2 semaphore(%run_scoped3A : memref<!tpu.dma_semaphore, #tpu.memory_space<semaphore_mem>>) src(%dma_wait3A_543 : memref<40x64xi32, #tpu.memory_space<hbm>>) dst(%dma_wait3A_540 : memref<40x64xi32, #tpu.memory_space<vmem>>)
        tpu.yield
      }) : () -> ()
    } else {
    }
    %dma_start3A_283 = arith.constant 0 : i32
    %dma_start3A_284 = arith.constant 0 : i32
    %dma_start3A_285 = tpu.memref_slice %arg8[%dma_start3A_283, %dma_start3A_284] : memref<40x64xi32, #tpu.memory_space<vmem>> -> memref<1x64xi32, #tpu.memory_space<vmem>>
    %dma_start3A_286 = tpu.memref_squeeze %dma_start3A_285 : memref<1x64xi32, #tpu.memory_space<vmem>> -> memref<64xi32, #tpu.memory_space<vmem>>
    %dma_start3A_287 = arith.constant 0 : i32
    %dma_start3A_288 = arith.constant 0 : i32
    %dma_start3A_289 = tpu.memref_slice %arg2[%dma_start3A_287, %dma_start3A_288] : memref<10000x128xf32, #tpu.memory_space<hbm>> -> memref<10000x128xf32, #tpu.memory_space<hbm>>
    tpu.enqueue_indirect_dma source(%dma_start3A_289 : memref<10000x128xf32, #tpu.memory_space<hbm>>) target(%arg10 : memref<64x128xf32, #tpu.memory_space<vmem>>) offsets(%dma_start3A_286 : memref<64xi32, #tpu.memory_space<vmem>>) semaphore(%arg15 : memref<!tpu.dma_semaphore, #tpu.memory_space<semaphore_mem>>)
    %dma_start3A_290 = arith.constant 1 : i32
    %dma_start3A_291 = arith.constant 0 : i32
    %dma_start3A_292 = tpu.memref_slice %arg8[%dma_start3A_290, %dma_start3A_291] : memref<40x64xi32, #tpu.memory_space<vmem>> -> memref<1x64xi32, #tpu.memory_space<vmem>>
    %dma_start3A_293 = tpu.memref_squeeze %dma_start3A_292 : memref<1x64xi32, #tpu.memory_space<vmem>> -> memref<64xi32, #tpu.memory_space<vmem>>
    %dma_start3A_294 = arith.constant 0 : i32
    %dma_start3A_295 = arith.constant 0 : i32
    %dma_start3A_296 = tpu.memref_slice %arg2[%dma_start3A_294, %dma_start3A_295] : memref<10000x128xf32, #tpu.memory_space<hbm>> -> memref<10000x128xf32, #tpu.memory_space<hbm>>
    tpu.enqueue_indirect_dma source(%dma_start3A_296 : memref<10000x128xf32, #tpu.memory_space<hbm>>) target(%arg11 : memref<64x128xf32, #tpu.memory_space<vmem>>) offsets(%dma_start3A_293 : memref<64xi32, #tpu.memory_space<vmem>>) semaphore(%arg16 : memref<!tpu.dma_semaphore, #tpu.memory_space<semaphore_mem>>)
    %dma_start3A_297 = arith.constant 2 : i32
    %dma_start3A_298 = arith.constant 0 : i32
    %dma_start3A_299 = tpu.memref_slice %arg8[%dma_start3A_297, %dma_start3A_298] : memref<40x64xi32, #tpu.memory_space<vmem>> -> memref<1x64xi32, #tpu.memory_space<vmem>>
    %dma_start3A_300 = tpu.memref_squeeze %dma_start3A_299 : memref<1x64xi32, #tpu.memory_space<vmem>> -> memref<64xi32, #tpu.memory_space<vmem>>
    %dma_start3A_301 = arith.constant 0 : i32
    %dma_start3A_302 = arith.constant 0 : i32
    %dma_start3A_303 = tpu.memref_slice %arg2[%dma_start3A_301, %dma_start3A_302] : memref<10000x128xf32, #tpu.memory_space<hbm>> -> memref<10000x128xf32, #tpu.memory_space<hbm>>
    tpu.enqueue_indirect_dma source(%dma_start3A_303 : memref<10000x128xf32, #tpu.memory_space<hbm>>) target(%arg12 : memref<64x128xf32, #tpu.memory_space<vmem>>) offsets(%dma_start3A_300 : memref<64xi32, #tpu.memory_space<vmem>>) semaphore(%arg17 : memref<!tpu.dma_semaphore, #tpu.memory_space<semaphore_mem>>)
    %dma_start3A_304 = arith.constant 3 : i32
    %dma_start3A_305 = arith.constant 0 : i32
    %dma_start3A_306 = tpu.memref_slice %arg8[%dma_start3A_304, %dma_start3A_305] : memref<40x64xi32, #tpu.memory_space<vmem>> -> memref<1x64xi32, #tpu.memory_space<vmem>>
    %dma_start3A_307 = tpu.memref_squeeze %dma_start3A_306 : memref<1x64xi32, #tpu.memory_space<vmem>> -> memref<64xi32, #tpu.memory_space<vmem>>
    %dma_start3A_308 = arith.constant 0 : i32
    %dma_start3A_309 = arith.constant 0 : i32
    %dma_start3A_310 = tpu.memref_slice %arg2[%dma_start3A_308, %dma_start3A_309] : memref<10000x128xf32, #tpu.memory_space<hbm>> -> memref<10000x128xf32, #tpu.memory_space<hbm>>
    tpu.enqueue_indirect_dma source(%dma_start3A_310 : memref<10000x128xf32, #tpu.memory_space<hbm>>) target(%arg13 : memref<64x128xf32, #tpu.memory_space<vmem>>) offsets(%dma_start3A_307 : memref<64xi32, #tpu.memory_space<vmem>>) semaphore(%arg18 : memref<!tpu.dma_semaphore, #tpu.memory_space<semaphore_mem>>)
    %scan3A_311 = arith.constant 0 : i32
    %scan3A_312 = arith.constant 0 : i32
    %scan3A_313 = arith.constant 10 : i32
    %scan3A_314 = arith.addi %scan3A_312, %scan3A_313 : i32
    %scan3A_315 = arith.constant 1 : i32
    scf.for %scan3A_520 = %scan3A_312 to %scan3A_314 step %scan3A_315  : i32 {
      %mul3A_521 = arith.constant 4 : i32
      %mul3A_522 = arith.muli %mul3A_521, %scan3A_520 : i32
      %add3A_523 = arith.constant 0 : i32
      %add3A_524 = arith.addi %mul3A_522, %add3A_523 : i32
      %dma_wait3A_525 = arith.constant 0 : i32
      %dma_wait3A_526 = tpu.memref_slice %arg8[%add3A_524, %dma_wait3A_525] : memref<40x64xi32, #tpu.memory_space<vmem>> -> memref<1x64xi32, #tpu.memory_space<vmem>>
      %dma_wait3A_527 = tpu.memref_squeeze %dma_wait3A_526 : memref<1x64xi32, #tpu.memory_space<vmem>> -> memref<64xi32, #tpu.memory_space<vmem>>
      %dma_wait3A_528 = arith.constant 0 : i32
      %dma_wait3A_529 = arith.constant 0 : i32
      %dma_wait3A_530 = tpu.memref_slice %arg2[%dma_wait3A_528, %dma_wait3A_529] : memref<10000x128xf32, #tpu.memory_space<hbm>> -> memref<10000x128xf32, #tpu.memory_space<hbm>>
      tpu.wait_indirect_dma semaphore(%arg15 : memref<!tpu.dma_semaphore, #tpu.memory_space<semaphore_mem>>) src(%dma_wait3A_530 : memref<10000x128xf32, #tpu.memory_space<hbm>>) dst(%arg10 : memref<64x128xf32, #tpu.memory_space<vmem>>)
      %add3A_531 = arith.constant 0 : i32
      %add3A_532 = arith.addi %mul3A_522, %add3A_531 : i32
      %dma_start3A_533 = arith.constant 0 : i32
      %dma_start3A_534 = tpu.memref_slice %arg9[%add3A_532, %dma_start3A_533] : memref<40x64xi32, #tpu.memory_space<vmem>> -> memref<1x64xi32, #tpu.memory_space<vmem>>
      %dma_start3A_535 = tpu.memref_squeeze %dma_start3A_534 : memref<1x64xi32, #tpu.memory_space<vmem>> -> memref<64xi32, #tpu.memory_space<vmem>>
      %dma_start3A_536 = arith.constant 0 : i32
      %dma_start3A_537 = arith.constant 0 : i32
      %dma_start3A_538 = tpu.memref_slice %arg23[%dma_start3A_536, %dma_start3A_537] : memref<10240x128xf32, #tpu.memory_space<vmem_shared>> -> memref<10240x128xf32, #tpu.memory_space<vmem_shared>>
      tpu.enqueue_indirect_dma source(%arg10 : memref<64x128xf32, #tpu.memory_space<vmem>>) target(%dma_start3A_538 : memref<10240x128xf32, #tpu.memory_space<vmem_shared>>) offsets(%dma_start3A_535 : memref<64xi32, #tpu.memory_space<vmem>>) semaphore(%arg19 : memref<!tpu.dma_semaphore, #tpu.memory_space<semaphore_mem>>) {add = true}
      %add3A_539 = arith.constant 1 : i32
      %add3A_540 = arith.addi %mul3A_522, %add3A_539 : i32
      %dma_wait3A_541 = arith.constant 0 : i32
      %dma_wait3A_542 = tpu.memref_slice %arg8[%add3A_540, %dma_wait3A_541] : memref<40x64xi32, #tpu.memory_space<vmem>> -> memref<1x64xi32, #tpu.memory_space<vmem>>
      %dma_wait3A_543 = tpu.memref_squeeze %dma_wait3A_542 : memref<1x64xi32, #tpu.memory_space<vmem>> -> memref<64xi32, #tpu.memory_space<vmem>>
      %dma_wait3A_544 = arith.constant 0 : i32
      %dma_wait3A_545 = arith.constant 0 : i32
      %dma_wait3A_546 = tpu.memref_slice %arg2[%dma_wait3A_544, %dma_wait3A_545] : memref<10000x128xf32, #tpu.memory_space<hbm>> -> memref<10000x128xf32, #tpu.memory_space<hbm>>
      tpu.wait_indirect_dma semaphore(%arg16 : memref<!tpu.dma_semaphore, #tpu.memory_space<semaphore_mem>>) src(%dma_wait3A_546 : memref<10000x128xf32, #tpu.memory_space<hbm>>) dst(%arg11 : memref<64x128xf32, #tpu.memory_space<vmem>>)
      %add3A_547 = arith.constant 1 : i32
      %add3A_548 = arith.addi %mul3A_522, %add3A_547 : i32
      %dma_start3A_549 = arith.constant 0 : i32
      %dma_start3A_550 = tpu.memref_slice %arg9[%add3A_548, %dma_start3A_549] : memref<40x64xi32, #tpu.memory_space<vmem>> -> memref<1x64xi32, #tpu.memory_space<vmem>>
      %dma_start3A_551 = tpu.memref_squeeze %dma_start3A_550 : memref<1x64xi32, #tpu.memory_space<vmem>> -> memref<64xi32, #tpu.memory_space<vmem>>
      %dma_start3A_552 = arith.constant 0 : i32
      %dma_start3A_553 = arith.constant 0 : i32
      %dma_start3A_554 = tpu.memref_slice %arg23[%dma_start3A_552, %dma_start3A_553] : memref<10240x128xf32, #tpu.memory_space<vmem_shared>> -> memref<10240x128xf32, #tpu.memory_space<vmem_shared>>
      tpu.enqueue_indirect_dma source(%arg11 : memref<64x128xf32, #tpu.memory_space<vmem>>) target(%dma_start3A_554 : memref<10240x128xf32, #tpu.memory_space<vmem_shared>>) offsets(%dma_start3A_551 : memref<64xi32, #tpu.memory_space<vmem>>) semaphore(%arg20 : memref<!tpu.dma_semaphore, #tpu.memory_space<semaphore_mem>>) {add = true}
      %add3A_555 = arith.constant 2 : i32
      %add3A_556 = arith.addi %mul3A_522, %add3A_555 : i32
      %dma_wait3A_557 = arith.constant 0 : i32
      %dma_wait3A_558 = tpu.memref_slice %arg8[%add3A_556, %dma_wait3A_557] : memref<40x64xi32, #tpu.memory_space<vmem>> -> memref<1x64xi32, #tpu.memory_space<vmem>>
      %dma_wait3A_559 = tpu.memref_squeeze %dma_wait3A_558 : memref<1x64xi32, #tpu.memory_space<vmem>> -> memref<64xi32, #tpu.memory_space<vmem>>
      %dma_wait3A_560 = arith.constant 0 : i32
      %dma_wait3A_561 = arith.constant 0 : i32
      %dma_wait3A_562 = tpu.memref_slice %arg2[%dma_wait3A_560, %dma_wait3A_561] : memref<10000x128xf32, #tpu.memory_space<hbm>> -> memref<10000x128xf32, #tpu.memory_space<hbm>>
      tpu.wait_indirect_dma semaphore(%arg17 : memref<!tpu.dma_semaphore, #tpu.memory_space<semaphore_mem>>) src(%dma_wait3A_562 : memref<10000x128xf32, #tpu.memory_space<hbm>>) dst(%arg12 : memref<64x128xf32, #tpu.memory_space<vmem>>)
      %add3A_563 = arith.constant 2 : i32
      %add3A_564 = arith.addi %mul3A_522, %add3A_563 : i32
      %dma_start3A_565 = arith.constant 0 : i32
      %dma_start3A_566 = tpu.memref_slice %arg9[%add3A_564, %dma_start3A_565] : memref<40x64xi32, #tpu.memory_space<vmem>> -> memref<1x64xi32, #tpu.memory_space<vmem>>
      %dma_start3A_567 = tpu.memref_squeeze %dma_start3A_566 : memref<1x64xi32, #tpu.memory_space<vmem>> -> memref<64xi32, #tpu.memory_space<vmem>>
      %dma_start3A_568 = arith.constant 0 : i32
      %dma_start3A_569 = arith.constant 0 : i32
      %dma_start3A_570 = tpu.memref_slice %arg23[%dma_start3A_568, %dma_start3A_569] : memref<10240x128xf32, #tpu.memory_space<vmem_shared>> -> memref<10240x128xf32, #tpu.memory_space<vmem_shared>>
      tpu.enqueue_indirect_dma source(%arg12 : memref<64x128xf32, #tpu.memory_space<vmem>>) target(%dma_start3A_570 : memref<10240x128xf32, #tpu.memory_space<vmem_shared>>) offsets(%dma_start3A_567 : memref<64xi32, #tpu.memory_space<vmem>>) semaphore(%arg21 : memref<!tpu.dma_semaphore, #tpu.memory_space<semaphore_mem>>) {add = true}
      %add3A_571 = arith.constant 3 : i32
      %add3A_572 = arith.addi %mul3A_522, %add3A_571 : i32
      %dma_wait3A_573 = arith.constant 0 : i32
      %dma_wait3A_574 = tpu.memref_slice %arg8[%add3A_572, %dma_wait3A_573] : memref<40x64xi32, #tpu.memory_space<vmem>> -> memref<1x64xi32, #tpu.memory_space<vmem>>
      %dma_wait3A_575 = tpu.memref_squeeze %dma_wait3A_574 : memref<1x64xi32, #tpu.memory_space<vmem>> -> memref<64xi32, #tpu.memory_space<vmem>>
      %dma_wait3A_576 = arith.constant 0 : i32
      %dma_wait3A_577 = arith.constant 0 : i32
      %dma_wait3A_578 = tpu.memref_slice %arg2[%dma_wait3A_576, %dma_wait3A_577] : memref<10000x128xf32, #tpu.memory_space<hbm>> -> memref<10000x128xf32, #tpu.memory_space<hbm>>
      tpu.wait_indirect_dma semaphore(%arg18 : memref<!tpu.dma_semaphore, #tpu.memory_space<semaphore_mem>>) src(%dma_wait3A_578 : memref<10000x128xf32, #tpu.memory_space<hbm>>) dst(%arg13 : memref<64x128xf32, #tpu.memory_space<vmem>>)
      %add3A_579 = arith.constant 3 : i32
      %add3A_580 = arith.addi %mul3A_522, %add3A_579 : i32
      %dma_start3A_581 = arith.constant 0 : i32
      %dma_start3A_582 = tpu.memref_slice %arg9[%add3A_580, %dma_start3A_581] : memref<40x64xi32, #tpu.memory_space<vmem>> -> memref<1x64xi32, #tpu.memory_space<vmem>>
      %dma_start3A_583 = tpu.memref_squeeze %dma_start3A_582 : memref<1x64xi32, #tpu.memory_space<vmem>> -> memref<64xi32, #tpu.memory_space<vmem>>
      %dma_start3A_584 = arith.constant 0 : i32
      %dma_start3A_585 = arith.constant 0 : i32
      %dma_start3A_586 = tpu.memref_slice %arg23[%dma_start3A_584, %dma_start3A_585] : memref<10240x128xf32, #tpu.memory_space<vmem_shared>> -> memref<10240x128xf32, #tpu.memory_space<vmem_shared>>
      tpu.enqueue_indirect_dma source(%arg13 : memref<64x128xf32, #tpu.memory_space<vmem>>) target(%dma_start3A_586 : memref<10240x128xf32, #tpu.memory_space<vmem_shared>>) offsets(%dma_start3A_583 : memref<64xi32, #tpu.memory_space<vmem>>) semaphore(%arg22 : memref<!tpu.dma_semaphore, #tpu.memory_space<semaphore_mem>>) {add = true}
      %lt3A_587 = arith.constant 9 : i32
      %lt3A_588 = arith.cmpi slt, %scan3A_520, %lt3A_587 : i32
      %convert_element_type3A_589 = arith.extui %lt3A_588 : i1 to i32
      %cond3A_590 = arith.constant 0 : i32
      %cond3A_591 = arith.cmpi ne, %convert_element_type3A_589, %cond3A_590 : i32
      scf.if %cond3A_591 {
        %add3A_592 = arith.constant 0 : i32
        %add3A_593 = arith.addi %mul3A_522, %add3A_592 : i32
        %dma_wait3A_594 = arith.constant 0 : i32
        %dma_wait3A_595 = tpu.memref_slice %arg9[%add3A_593, %dma_wait3A_594] : memref<40x64xi32, #tpu.memory_space<vmem>> -> memref<1x64xi32, #tpu.memory_space<vmem>>
        %dma_wait3A_596 = tpu.memref_squeeze %dma_wait3A_595 : memref<1x64xi32, #tpu.memory_space<vmem>> -> memref<64xi32, #tpu.memory_space<vmem>>
        %dma_wait3A_597 = arith.constant 0 : i32
        %dma_wait3A_598 = arith.constant 0 : i32
        %dma_wait3A_599 = tpu.memref_slice %arg23[%dma_wait3A_597, %dma_wait3A_598] : memref<10240x128xf32, #tpu.memory_space<vmem_shared>> -> memref<10240x128xf32, #tpu.memory_space<vmem_shared>>
        tpu.wait_indirect_dma semaphore(%arg19 : memref<!tpu.dma_semaphore, #tpu.memory_space<semaphore_mem>>) src(%arg10 : memref<64x128xf32, #tpu.memory_space<vmem>>) dst(%dma_wait3A_599 : memref<10240x128xf32, #tpu.memory_space<vmem_shared>>)
        %add3A_600 = arith.constant 4 : i32
        %add3A_601 = arith.addi %mul3A_522, %add3A_600 : i32
        %add3A_602 = arith.constant 0 : i32
        %add3A_603 = arith.addi %add3A_601, %add3A_602 : i32
        %dma_start3A_604 = arith.constant 0 : i32
        %dma_start3A_605 = tpu.memref_slice %arg8[%add3A_603, %dma_start3A_604] : memref<40x64xi32, #tpu.memory_space<vmem>> -> memref<1x64xi32, #tpu.memory_space<vmem>>
        %dma_start3A_606 = tpu.memref_squeeze %dma_start3A_605 : memref<1x64xi32, #tpu.memory_space<vmem>> -> memref<64xi32, #tpu.memory_space<vmem>>
        %dma_start3A_607 = arith.constant 0 : i32
        %dma_start3A_608 = arith.constant 0 : i32
        %dma_start3A_609 = tpu.memref_slice %arg2[%dma_start3A_607, %dma_start3A_608] : memref<10000x128xf32, #tpu.memory_space<hbm>> -> memref<10000x128xf32, #tpu.memory_space<hbm>>
        tpu.enqueue_indirect_dma source(%dma_start3A_609 : memref<10000x128xf32, #tpu.memory_space<hbm>>) target(%arg10 : memref<64x128xf32, #tpu.memory_space<vmem>>) offsets(%dma_start3A_606 : memref<64xi32, #tpu.memory_space<vmem>>) semaphore(%arg15 : memref<!tpu.dma_semaphore, #tpu.memory_space<semaphore_mem>>)
        %add3A_610 = arith.constant 1 : i32
        %add3A_611 = arith.addi %mul3A_522, %add3A_610 : i32
        %dma_wait3A_612 = arith.constant 0 : i32
        %dma_wait3A_613 = tpu.memref_slice %arg9[%add3A_611, %dma_wait3A_612] : memref<40x64xi32, #tpu.memory_space<vmem>> -> memref<1x64xi32, #tpu.memory_space<vmem>>
        %dma_wait3A_614 = tpu.memref_squeeze %dma_wait3A_613 : memref<1x64xi32, #tpu.memory_space<vmem>> -> memref<64xi32, #tpu.memory_space<vmem>>
        %dma_wait3A_615 = arith.constant 0 : i32
        %dma_wait3A_616 = arith.constant 0 : i32
        %dma_wait3A_617 = tpu.memref_slice %arg23[%dma_wait3A_615, %dma_wait3A_616] : memref<10240x128xf32, #tpu.memory_space<vmem_shared>> -> memref<10240x128xf32, #tpu.memory_space<vmem_shared>>
        tpu.wait_indirect_dma semaphore(%arg20 : memref<!tpu.dma_semaphore, #tpu.memory_space<semaphore_mem>>) src(%arg11 : memref<64x128xf32, #tpu.memory_space<vmem>>) dst(%dma_wait3A_617 : memref<10240x128xf32, #tpu.memory_space<vmem_shared>>)
        %add3A_618 = arith.constant 4 : i32
        %add3A_619 = arith.addi %mul3A_522, %add3A_618 : i32
        %add3A_620 = arith.constant 1 : i32
        %add3A_621 = arith.addi %add3A_619, %add3A_620 : i32
        %dma_start3A_622 = arith.constant 0 : i32
        %dma_start3A_623 = tpu.memref_slice %arg8[%add3A_621, %dma_start3A_622] : memref<40x64xi32, #tpu.memory_space<vmem>> -> memref<1x64xi32, #tpu.memory_space<vmem>>
        %dma_start3A_624 = tpu.memref_squeeze %dma_start3A_623 : memref<1x64xi32, #tpu.memory_space<vmem>> -> memref<64xi32, #tpu.memory_space<vmem>>
        %dma_start3A_625 = arith.constant 0 : i32
        %dma_start3A_626 = arith.constant 0 : i32
        %dma_start3A_627 = tpu.memref_slice %arg2[%dma_start3A_625, %dma_start3A_626] : memref<10000x128xf32, #tpu.memory_space<hbm>> -> memref<10000x128xf32, #tpu.memory_space<hbm>>
        tpu.enqueue_indirect_dma source(%dma_start3A_627 : memref<10000x128xf32, #tpu.memory_space<hbm>>) target(%arg11 : memref<64x128xf32, #tpu.memory_space<vmem>>) offsets(%dma_start3A_624 : memref<64xi32, #tpu.memory_space<vmem>>) semaphore(%arg16 : memref<!tpu.dma_semaphore, #tpu.memory_space<semaphore_mem>>)
        %add3A_628 = arith.constant 2 : i32
        %add3A_629 = arith.addi %mul3A_522, %add3A_628 : i32
        %dma_wait3A_630 = arith.constant 0 : i32
        %dma_wait3A_631 = tpu.memref_slice %arg9[%add3A_629, %dma_wait3A_630] : memref<40x64xi32, #tpu.memory_space<vmem>> -> memref<1x64xi32, #tpu.memory_space<vmem>>
        %dma_wait3A_632 = tpu.memref_squeeze %dma_wait3A_631 : memref<1x64xi32, #tpu.memory_space<vmem>> -> memref<64xi32, #tpu.memory_space<vmem>>
        %dma_wait3A_633 = arith.constant 0 : i32
        %dma_wait3A_634 = arith.constant 0 : i32
        %dma_wait3A_635 = tpu.memref_slice %arg23[%dma_wait3A_633, %dma_wait3A_634] : memref<10240x128xf32, #tpu.memory_space<vmem_shared>> -> memref<10240x128xf32, #tpu.memory_space<vmem_shared>>
        tpu.wait_indirect_dma semaphore(%arg21 : memref<!tpu.dma_semaphore, #tpu.memory_space<semaphore_mem>>) src(%arg12 : memref<64x128xf32, #tpu.memory_space<vmem>>) dst(%dma_wait3A_635 : memref<10240x128xf32, #tpu.memory_space<vmem_shared>>)
        %add3A_636 = arith.constant 4 : i32
        %add3A_637 = arith.addi %mul3A_522, %add3A_636 : i32
        %add3A_638 = arith.constant 2 : i32
        %add3A_639 = arith.addi %add3A_637, %add3A_638 : i32
        %dma_start3A_640 = arith.constant 0 : i32
        %dma_start3A_641 = tpu.memref_slice %arg8[%add3A_639, %dma_start3A_640] : memref<40x64xi32, #tpu.memory_space<vmem>> -> memref<1x64xi32, #tpu.memory_space<vmem>>
        %dma_start3A_642 = tpu.memref_squeeze %dma_start3A_641 : memref<1x64xi32, #tpu.memory_space<vmem>> -> memref<64xi32, #tpu.memory_space<vmem>>
        %dma_start3A_643 = arith.constant 0 : i32
        %dma_start3A_644 = arith.constant 0 : i32
        %dma_start3A_645 = tpu.memref_slice %arg2[%dma_start3A_643, %dma_start3A_644] : memref<10000x128xf32, #tpu.memory_space<hbm>> -> memref<10000x128xf32, #tpu.memory_space<hbm>>
        tpu.enqueue_indirect_dma source(%dma_start3A_645 : memref<10000x128xf32, #tpu.memory_space<hbm>>) target(%arg12 : memref<64x128xf32, #tpu.memory_space<vmem>>) offsets(%dma_start3A_642 : memref<64xi32, #tpu.memory_space<vmem>>) semaphore(%arg17 : memref<!tpu.dma_semaphore, #tpu.memory_space<semaphore_mem>>)
        %add3A_646 = arith.constant 3 : i32
        %add3A_647 = arith.addi %mul3A_522, %add3A_646 : i32
        %dma_wait3A_648 = arith.constant 0 : i32
        %dma_wait3A_649 = tpu.memref_slice %arg9[%add3A_647, %dma_wait3A_648] : memref<40x64xi32, #tpu.memory_space<vmem>> -> memref<1x64xi32, #tpu.memory_space<vmem>>
        %dma_wait3A_650 = tpu.memref_squeeze %dma_wait3A_649 : memref<1x64xi32, #tpu.memory_space<vmem>> -> memref<64xi32, #tpu.memory_space<vmem>>
        %dma_wait3A_651 = arith.constant 0 : i32
        %dma_wait3A_652 = arith.constant 0 : i32
        %dma_wait3A_653 = tpu.memref_slice %arg23[%dma_wait3A_651, %dma_wait3A_652] : memref<10240x128xf32, #tpu.memory_space<vmem_shared>> -> memref<10240x128xf32, #tpu.memory_space<vmem_shared>>
        tpu.wait_indirect_dma semaphore(%arg22 : memref<!tpu.dma_semaphore, #tpu.memory_space<semaphore_mem>>) src(%arg13 : memref<64x128xf32, #tpu.memory_space<vmem>>) dst(%dma_wait3A_653 : memref<10240x128xf32, #tpu.memory_space<vmem_shared>>)
        %add3A_654 = arith.constant 4 : i32
        %add3A_655 = arith.addi %mul3A_522, %add3A_654 : i32
        %add3A_656 = arith.constant 3 : i32
        %add3A_657 = arith.addi %add3A_655, %add3A_656 : i32
        %dma_start3A_658 = arith.constant 0 : i32
        %dma_start3A_659 = tpu.memref_slice %arg8[%add3A_657, %dma_start3A_658] : memref<40x64xi32, #tpu.memory_space<vmem>> -> memref<1x64xi32, #tpu.memory_space<vmem>>
        %dma_start3A_660 = tpu.memref_squeeze %dma_start3A_659 : memref<1x64xi32, #tpu.memory_space<vmem>> -> memref<64xi32, #tpu.memory_space<vmem>>
        %dma_start3A_661 = arith.constant 0 : i32
        %dma_start3A_662 = arith.constant 0 : i32
        %dma_start3A_663 = tpu.memref_slice %arg2[%dma_start3A_661, %dma_start3A_662] : memref<10000x128xf32, #tpu.memory_space<hbm>> -> memref<10000x128xf32, #tpu.memory_space<hbm>>
        tpu.enqueue_indirect_dma source(%dma_start3A_663 : memref<10000x128xf32, #tpu.memory_space<hbm>>) target(%arg13 : memref<64x128xf32, #tpu.memory_space<vmem>>) offsets(%dma_start3A_660 : memref<64xi32, #tpu.memory_space<vmem>>) semaphore(%arg18 : memref<!tpu.dma_semaphore, #tpu.memory_space<semaphore_mem>>)
      } else {
      }
    }
    %scan3A_316 = arith.constant 10 : i32
    %dma_wait3A_317 = arith.constant 36 : i32
    %dma_wait3A_318 = arith.constant 0 : i32
    %dma_wait3A_319 = tpu.memref_slice %arg9[%dma_wait3A_317, %dma_wait3A_318] : memref<40x64xi32, #tpu.memory_space<vmem>> -> memref<1x64xi32, #tpu.memory_space<vmem>>
    %dma_wait3A_320 = tpu.memref_squeeze %dma_wait3A_319 : memref<1x64xi32, #tpu.memory_space<vmem>> -> memref<64xi32, #tpu.memory_space<vmem>>
    %dma_wait3A_321 = arith.constant 0 : i32
    %dma_wait3A_322 = arith.constant 0 : i32
    %dma_wait3A_323 = tpu.memref_slice %arg23[%dma_wait3A_321, %dma_wait3A_322] : memref<10240x128xf32, #tpu.memory_space<vmem_shared>> -> memref<10240x128xf32, #tpu.memory_space<vmem_shared>>
    tpu.wait_indirect_dma semaphore(%arg19 : memref<!tpu.dma_semaphore, #tpu.memory_space<semaphore_mem>>) src(%arg10 : memref<64x128xf32, #tpu.memory_space<vmem>>) dst(%dma_wait3A_323 : memref<10240x128xf32, #tpu.memory_space<vmem_shared>>)
    %dma_wait3A_324 = arith.constant 37 : i32
    %dma_wait3A_325 = arith.constant 0 : i32
    %dma_wait3A_326 = tpu.memref_slice %arg9[%dma_wait3A_324, %dma_wait3A_325] : memref<40x64xi32, #tpu.memory_space<vmem>> -> memref<1x64xi32, #tpu.memory_space<vmem>>
    %dma_wait3A_327 = tpu.memref_squeeze %dma_wait3A_326 : memref<1x64xi32, #tpu.memory_space<vmem>> -> memref<64xi32, #tpu.memory_space<vmem>>
    %dma_wait3A_328 = arith.constant 0 : i32
    %dma_wait3A_329 = arith.constant 0 : i32
    %dma_wait3A_330 = tpu.memref_slice %arg23[%dma_wait3A_328, %dma_wait3A_329] : memref<10240x128xf32, #tpu.memory_space<vmem_shared>> -> memref<10240x128xf32, #tpu.memory_space<vmem_shared>>
    tpu.wait_indirect_dma semaphore(%arg20 : memref<!tpu.dma_semaphore, #tpu.memory_space<semaphore_mem>>) src(%arg11 : memref<64x128xf32, #tpu.memory_space<vmem>>) dst(%dma_wait3A_330 : memref<10240x128xf32, #tpu.memory_space<vmem_shared>>)
    %dma_wait3A_331 = arith.constant 38 : i32
    %dma_wait3A_332 = arith.constant 0 : i32
    %dma_wait3A_333 = tpu.memref_slice %arg9[%dma_wait3A_331, %dma_wait3A_332] : memref<40x64xi32, #tpu.memory_space<vmem>> -> memref<1x64xi32, #tpu.memory_space<vmem>>
    %dma_wait3A_334 = tpu.memref_squeeze %dma_wait3A_333 : memref<1x64xi32, #tpu.memory_space<vmem>> -> memref<64xi32, #tpu.memory_space<vmem>>
    %dma_wait3A_335 = arith.constant 0 : i32
    %dma_wait3A_336 = arith.constant 0 : i32
    %dma_wait3A_337 = tpu.memref_slice %arg23[%dma_wait3A_335, %dma_wait3A_336] : memref<10240x128xf32, #tpu.memory_space<vmem_shared>> -> memref<10240x128xf32, #tpu.memory_space<vmem_shared>>
    tpu.wait_indirect_dma semaphore(%arg21 : memref<!tpu.dma_semaphore, #tpu.memory_space<semaphore_mem>>) src(%arg12 : memref<64x128xf32, #tpu.memory_space<vmem>>) dst(%dma_wait3A_337 : memref<10240x128xf32, #tpu.memory_space<vmem_shared>>)
    %dma_wait3A_338 = arith.constant 39 : i32
    %dma_wait3A_339 = arith.constant 0 : i32
    %dma_wait3A_340 = tpu.memref_slice %arg9[%dma_wait3A_338, %dma_wait3A_339] : memref<40x64xi32, #tpu.memory_space<vmem>> -> memref<1x64xi32, #tpu.memory_space<vmem>>
    %dma_wait3A_341 = tpu.memref_squeeze %dma_wait3A_340 : memref<1x64xi32, #tpu.memory_space<vmem>> -> memref<64xi32, #tpu.memory_space<vmem>>
    %dma_wait3A_342 = arith.constant 0 : i32
    %dma_wait3A_343 = arith.constant 0 : i32
    %dma_wait3A_344 = tpu.memref_slice %arg23[%dma_wait3A_342, %dma_wait3A_343] : memref<10240x128xf32, #tpu.memory_space<vmem_shared>> -> memref<10240x128xf32, #tpu.memory_space<vmem_shared>>
    tpu.wait_indirect_dma semaphore(%arg22 : memref<!tpu.dma_semaphore, #tpu.memory_space<semaphore_mem>>) src(%arg13 : memref<64x128xf32, #tpu.memory_space<vmem>>) dst(%dma_wait3A_344 : memref<10240x128xf32, #tpu.memory_space<vmem_shared>>)
    %lt3A_345 = arith.constant 31 : i32
    %lt3A_346 = arith.cmpi slt, %add3A, %lt3A_345 : i32
    %convert_element_type3A_347 = arith.extui %lt3A_346 : i1 to i32
    %cond3A_348 = arith.constant 0 : i32
    %cond3A_349 = arith.cmpi ne, %convert_element_type3A_347, %cond3A_348 : i32
    scf.if %cond3A_349 {
      %mul3A_520 = arith.constant 160 : i32
      %mul3A_521 = arith.muli %add3A, %mul3A_520 : i32
      %add3A_522 = arith.constant 80 : i32
      %add3A_523 = arith.addi %mul3A_521, %add3A_522 : i32
      %run_scoped3A = arith.constant 0 : i32
      "tpu.region"() ({
        %run_scoped3A_524 = tpu.sem_alloc : memref<!tpu.dma_semaphore, #tpu.memory_space<semaphore_mem>>
        %dma_start3A_525 = arith.constant 0 : i32
        %dma_start3A_526 = tpu.memref_slice %arg3[%run_scoped3A, %add3A_523, %dma_start3A_525] : memref<2x5000x64xi32, #tpu.memory_space<hbm>> -> memref<1x40x64xi32, #tpu.memory_space<hbm>>
        %dma_start3A_527 = tpu.memref_squeeze %dma_start3A_526 : memref<1x40x64xi32, #tpu.memory_space<hbm>> -> memref<40x64xi32, #tpu.memory_space<hbm>>
        %dma_start3A_528 = arith.constant 0 : i32
        %dma_start3A_529 = tpu.memref_slice %arg3[%run_scoped3A, %add3A_523, %dma_start3A_528] : memref<2x5000x64xi32, #tpu.memory_space<hbm>> -> memref<1x40x64xi32, #tpu.memory_space<hbm>>
        %dma_start3A_530 = tpu.memref_squeeze %dma_start3A_529 : memref<1x40x64xi32, #tpu.memory_space<hbm>> -> memref<40x64xi32, #tpu.memory_space<hbm>>
        tpu.enqueue_dma source(%dma_start3A_530 : memref<40x64xi32, #tpu.memory_space<hbm>>) target(%arg8 : memref<40x64xi32, #tpu.memory_space<vmem>>) target_semaphore(%run_scoped3A_524 : memref<!tpu.dma_semaphore, #tpu.memory_space<semaphore_mem>>)
        %dma_wait3A_531 = arith.constant 0 : i32
        %dma_wait3A_532 = tpu.memref_slice %arg3[%run_scoped3A, %add3A_523, %dma_wait3A_531] : memref<2x5000x64xi32, #tpu.memory_space<hbm>> -> memref<1x40x64xi32, #tpu.memory_space<hbm>>
        %dma_wait3A_533 = tpu.memref_squeeze %dma_wait3A_532 : memref<1x40x64xi32, #tpu.memory_space<hbm>> -> memref<40x64xi32, #tpu.memory_space<hbm>>
        %dma_wait3A_534 = arith.constant 0 : i32
        %dma_wait3A_535 = tpu.memref_slice %arg3[%run_scoped3A, %add3A_523, %dma_wait3A_534] : memref<2x5000x64xi32, #tpu.memory_space<hbm>> -> memref<1x40x64xi32, #tpu.memory_space<hbm>>
        %dma_wait3A_536 = tpu.memref_squeeze %dma_wait3A_535 : memref<1x40x64xi32, #tpu.memory_space<hbm>> -> memref<40x64xi32, #tpu.memory_space<hbm>>
        tpu.wait_dma2 semaphore(%run_scoped3A_524 : memref<!tpu.dma_semaphore, #tpu.memory_space<semaphore_mem>>) src(%dma_wait3A_536 : memref<40x64xi32, #tpu.memory_space<hbm>>) dst(%arg8 : memref<40x64xi32, #tpu.memory_space<vmem>>)
        tpu.yield
      }) : () -> ()
    } else {
    }
    %eq3A_350 = arith.constant 31 : i32
    %eq3A_351 = arith.cmpi eq, %add3A, %eq3A_350 : i32
    %convert_element_type3A_352 = arith.extui %eq3A_351 : i1 to i32
    %cond3A_353 = arith.constant 0 : i32
    %cond3A_354 = arith.cmpi ne, %convert_element_type3A_352, %cond3A_353 : i32
    scf.if %cond3A_354 {
      "tpu.region"() ({
        %run_scoped3A = tpu.sem_alloc : memref<!tpu.dma_semaphore, #tpu.memory_space<semaphore_mem>>
        %dma_start3A_520 = arith.constant 0 : i32
        %dma_start3A_521 = arith.constant 0 : i32
        %dma_start3A_522 = tpu.memref_slice %arg8[%dma_start3A_520, %dma_start3A_521] : memref<40x64xi32, #tpu.memory_space<vmem>> -> memref<40x64xi32, #tpu.memory_space<vmem>>
        %dma_start3A_523 = arith.constant 40 : i32
        %dma_start3A_524 = arith.constant 0 : i32
        %dma_start3A_525 = tpu.memref_slice %arg4[%dma_start3A_523, %dma_start3A_524] : memref<120x64xi32, #tpu.memory_space<hbm>> -> memref<40x64xi32, #tpu.memory_space<hbm>>
        %dma_start3A_526 = arith.constant 0 : i32
        %dma_start3A_527 = arith.constant 0 : i32
        %dma_start3A_528 = tpu.memref_slice %arg8[%dma_start3A_526, %dma_start3A_527] : memref<40x64xi32, #tpu.memory_space<vmem>> -> memref<40x64xi32, #tpu.memory_space<vmem>>
        %dma_start3A_529 = arith.constant 40 : i32
        %dma_start3A_530 = arith.constant 0 : i32
        %dma_start3A_531 = tpu.memref_slice %arg4[%dma_start3A_529, %dma_start3A_530] : memref<120x64xi32, #tpu.memory_space<hbm>> -> memref<40x64xi32, #tpu.memory_space<hbm>>
        tpu.enqueue_dma source(%dma_start3A_531 : memref<40x64xi32, #tpu.memory_space<hbm>>) target(%dma_start3A_528 : memref<40x64xi32, #tpu.memory_space<vmem>>) target_semaphore(%run_scoped3A : memref<!tpu.dma_semaphore, #tpu.memory_space<semaphore_mem>>)
        %dma_wait3A_532 = arith.constant 0 : i32
        %dma_wait3A_533 = arith.constant 0 : i32
        %dma_wait3A_534 = tpu.memref_slice %arg8[%dma_wait3A_532, %dma_wait3A_533] : memref<40x64xi32, #tpu.memory_space<vmem>> -> memref<40x64xi32, #tpu.memory_space<vmem>>
        %dma_wait3A_535 = arith.constant 40 : i32
        %dma_wait3A_536 = arith.constant 0 : i32
        %dma_wait3A_537 = tpu.memref_slice %arg4[%dma_wait3A_535, %dma_wait3A_536] : memref<120x64xi32, #tpu.memory_space<hbm>> -> memref<40x64xi32, #tpu.memory_space<hbm>>
        %dma_wait3A_538 = arith.constant 0 : i32
        %dma_wait3A_539 = arith.constant 0 : i32
        %dma_wait3A_540 = tpu.memref_slice %arg8[%dma_wait3A_538, %dma_wait3A_539] : memref<40x64xi32, #tpu.memory_space<vmem>> -> memref<40x64xi32, #tpu.memory_space<vmem>>
        %dma_wait3A_541 = arith.constant 40 : i32
        %dma_wait3A_542 = arith.constant 0 : i32
        %dma_wait3A_543 = tpu.memref_slice %arg4[%dma_wait3A_541, %dma_wait3A_542] : memref<120x64xi32, #tpu.memory_space<hbm>> -> memref<40x64xi32, #tpu.memory_space<hbm>>
        tpu.wait_dma2 semaphore(%run_scoped3A : memref<!tpu.dma_semaphore, #tpu.memory_space<semaphore_mem>>) src(%dma_wait3A_543 : memref<40x64xi32, #tpu.memory_space<hbm>>) dst(%dma_wait3A_540 : memref<40x64xi32, #tpu.memory_space<vmem>>)
        tpu.yield
      }) : () -> ()
    } else {
    }
    %lt3A_355 = arith.constant 31 : i32
    %lt3A_356 = arith.cmpi slt, %add3A, %lt3A_355 : i32
    %convert_element_type3A_357 = arith.extui %lt3A_356 : i1 to i32
    %cond3A_358 = arith.constant 0 : i32
    %cond3A_359 = arith.cmpi ne, %convert_element_type3A_357, %cond3A_358 : i32
    scf.if %cond3A_359 {
      %mul3A_520 = arith.constant 160 : i32
      %mul3A_521 = arith.muli %add3A, %mul3A_520 : i32
      %add3A_522 = arith.constant 80 : i32
      %add3A_523 = arith.addi %mul3A_521, %add3A_522 : i32
      %run_scoped3A = arith.constant 1 : i32
      "tpu.region"() ({
        %run_scoped3A_524 = tpu.sem_alloc : memref<!tpu.dma_semaphore, #tpu.memory_space<semaphore_mem>>
        %dma_start3A_525 = arith.constant 0 : i32
        %dma_start3A_526 = tpu.memref_slice %arg3[%run_scoped3A, %add3A_523, %dma_start3A_525] : memref<2x5000x64xi32, #tpu.memory_space<hbm>> -> memref<1x40x64xi32, #tpu.memory_space<hbm>>
        %dma_start3A_527 = tpu.memref_squeeze %dma_start3A_526 : memref<1x40x64xi32, #tpu.memory_space<hbm>> -> memref<40x64xi32, #tpu.memory_space<hbm>>
        %dma_start3A_528 = arith.constant 0 : i32
        %dma_start3A_529 = tpu.memref_slice %arg3[%run_scoped3A, %add3A_523, %dma_start3A_528] : memref<2x5000x64xi32, #tpu.memory_space<hbm>> -> memref<1x40x64xi32, #tpu.memory_space<hbm>>
        %dma_start3A_530 = tpu.memref_squeeze %dma_start3A_529 : memref<1x40x64xi32, #tpu.memory_space<hbm>> -> memref<40x64xi32, #tpu.memory_space<hbm>>
        tpu.enqueue_dma source(%dma_start3A_530 : memref<40x64xi32, #tpu.memory_space<hbm>>) target(%arg9 : memref<40x64xi32, #tpu.memory_space<vmem>>) target_semaphore(%run_scoped3A_524 : memref<!tpu.dma_semaphore, #tpu.memory_space<semaphore_mem>>)
        %dma_wait3A_531 = arith.constant 0 : i32
        %dma_wait3A_532 = tpu.memref_slice %arg3[%run_scoped3A, %add3A_523, %dma_wait3A_531] : memref<2x5000x64xi32, #tpu.memory_space<hbm>> -> memref<1x40x64xi32, #tpu.memory_space<hbm>>
        %dma_wait3A_533 = tpu.memref_squeeze %dma_wait3A_532 : memref<1x40x64xi32, #tpu.memory_space<hbm>> -> memref<40x64xi32, #tpu.memory_space<hbm>>
        %dma_wait3A_534 = arith.constant 0 : i32
        %dma_wait3A_535 = tpu.memref_slice %arg3[%run_scoped3A, %add3A_523, %dma_wait3A_534] : memref<2x5000x64xi32, #tpu.memory_space<hbm>> -> memref<1x40x64xi32, #tpu.memory_space<hbm>>
        %dma_wait3A_536 = tpu.memref_squeeze %dma_wait3A_535 : memref<1x40x64xi32, #tpu.memory_space<hbm>> -> memref<40x64xi32, #tpu.memory_space<hbm>>
        tpu.wait_dma2 semaphore(%run_scoped3A_524 : memref<!tpu.dma_semaphore, #tpu.memory_space<semaphore_mem>>) src(%dma_wait3A_536 : memref<40x64xi32, #tpu.memory_space<hbm>>) dst(%arg9 : memref<40x64xi32, #tpu.memory_space<vmem>>)
        tpu.yield
      }) : () -> ()
    } else {
    }
    %eq3A_360 = arith.constant 31 : i32
    %eq3A_361 = arith.cmpi eq, %add3A, %eq3A_360 : i32
    %convert_element_type3A_362 = arith.extui %eq3A_361 : i1 to i32
    %cond3A_363 = arith.constant 0 : i32
    %cond3A_364 = arith.cmpi ne, %convert_element_type3A_362, %cond3A_363 : i32
    scf.if %cond3A_364 {
      "tpu.region"() ({
        %run_scoped3A = tpu.sem_alloc : memref<!tpu.dma_semaphore, #tpu.memory_space<semaphore_mem>>
        %dma_start3A_520 = arith.constant 0 : i32
        %dma_start3A_521 = arith.constant 0 : i32
        %dma_start3A_522 = tpu.memref_slice %arg9[%dma_start3A_520, %dma_start3A_521] : memref<40x64xi32, #tpu.memory_space<vmem>> -> memref<40x64xi32, #tpu.memory_space<vmem>>
        %dma_start3A_523 = arith.constant 40 : i32
        %dma_start3A_524 = arith.constant 0 : i32
        %dma_start3A_525 = tpu.memref_slice %arg5[%dma_start3A_523, %dma_start3A_524] : memref<120x64xi32, #tpu.memory_space<hbm>> -> memref<40x64xi32, #tpu.memory_space<hbm>>
        %dma_start3A_526 = arith.constant 0 : i32
        %dma_start3A_527 = arith.constant 0 : i32
        %dma_start3A_528 = tpu.memref_slice %arg9[%dma_start3A_526, %dma_start3A_527] : memref<40x64xi32, #tpu.memory_space<vmem>> -> memref<40x64xi32, #tpu.memory_space<vmem>>
        %dma_start3A_529 = arith.constant 40 : i32
        %dma_start3A_530 = arith.constant 0 : i32
        %dma_start3A_531 = tpu.memref_slice %arg5[%dma_start3A_529, %dma_start3A_530] : memref<120x64xi32, #tpu.memory_space<hbm>> -> memref<40x64xi32, #tpu.memory_space<hbm>>
        tpu.enqueue_dma source(%dma_start3A_531 : memref<40x64xi32, #tpu.memory_space<hbm>>) target(%dma_start3A_528 : memref<40x64xi32, #tpu.memory_space<vmem>>) target_semaphore(%run_scoped3A : memref<!tpu.dma_semaphore, #tpu.memory_space<semaphore_mem>>)
        %dma_wait3A_532 = arith.constant 0 : i32
        %dma_wait3A_533 = arith.constant 0 : i32
        %dma_wait3A_534 = tpu.memref_slice %arg9[%dma_wait3A_532, %dma_wait3A_533] : memref<40x64xi32, #tpu.memory_space<vmem>> -> memref<40x64xi32, #tpu.memory_space<vmem>>
        %dma_wait3A_535 = arith.constant 40 : i32
        %dma_wait3A_536 = arith.constant 0 : i32
        %dma_wait3A_537 = tpu.memref_slice %arg5[%dma_wait3A_535, %dma_wait3A_536] : memref<120x64xi32, #tpu.memory_space<hbm>> -> memref<40x64xi32, #tpu.memory_space<hbm>>
        %dma_wait3A_538 = arith.constant 0 : i32
        %dma_wait3A_539 = arith.constant 0 : i32
        %dma_wait3A_540 = tpu.memref_slice %arg9[%dma_wait3A_538, %dma_wait3A_539] : memref<40x64xi32, #tpu.memory_space<vmem>> -> memref<40x64xi32, #tpu.memory_space<vmem>>
        %dma_wait3A_541 = arith.constant 40 : i32
        %dma_wait3A_542 = arith.constant 0 : i32
        %dma_wait3A_543 = tpu.memref_slice %arg5[%dma_wait3A_541, %dma_wait3A_542] : memref<120x64xi32, #tpu.memory_space<hbm>> -> memref<40x64xi32, #tpu.memory_space<hbm>>
        tpu.wait_dma2 semaphore(%run_scoped3A : memref<!tpu.dma_semaphore, #tpu.memory_space<semaphore_mem>>) src(%dma_wait3A_543 : memref<40x64xi32, #tpu.memory_space<hbm>>) dst(%dma_wait3A_540 : memref<40x64xi32, #tpu.memory_space<vmem>>)
        tpu.yield
      }) : () -> ()
    } else {
    }
    %dma_start3A_365 = arith.constant 0 : i32
    %dma_start3A_366 = arith.constant 0 : i32
    %dma_start3A_367 = tpu.memref_slice %arg8[%dma_start3A_365, %dma_start3A_366] : memref<40x64xi32, #tpu.memory_space<vmem>> -> memref<1x64xi32, #tpu.memory_space<vmem>>
    %dma_start3A_368 = tpu.memref_squeeze %dma_start3A_367 : memref<1x64xi32, #tpu.memory_space<vmem>> -> memref<64xi32, #tpu.memory_space<vmem>>
    %dma_start3A_369 = arith.constant 0 : i32
    %dma_start3A_370 = arith.constant 0 : i32
    %dma_start3A_371 = tpu.memref_slice %arg2[%dma_start3A_369, %dma_start3A_370] : memref<10000x128xf32, #tpu.memory_space<hbm>> -> memref<10000x128xf32, #tpu.memory_space<hbm>>
    tpu.enqueue_indirect_dma source(%dma_start3A_371 : memref<10000x128xf32, #tpu.memory_space<hbm>>) target(%arg10 : memref<64x128xf32, #tpu.memory_space<vmem>>) offsets(%dma_start3A_368 : memref<64xi32, #tpu.memory_space<vmem>>) semaphore(%arg15 : memref<!tpu.dma_semaphore, #tpu.memory_space<semaphore_mem>>)
    %dma_start3A_372 = arith.constant 1 : i32
    %dma_start3A_373 = arith.constant 0 : i32
    %dma_start3A_374 = tpu.memref_slice %arg8[%dma_start3A_372, %dma_start3A_373] : memref<40x64xi32, #tpu.memory_space<vmem>> -> memref<1x64xi32, #tpu.memory_space<vmem>>
    %dma_start3A_375 = tpu.memref_squeeze %dma_start3A_374 : memref<1x64xi32, #tpu.memory_space<vmem>> -> memref<64xi32, #tpu.memory_space<vmem>>
    %dma_start3A_376 = arith.constant 0 : i32
    %dma_start3A_377 = arith.constant 0 : i32
    %dma_start3A_378 = tpu.memref_slice %arg2[%dma_start3A_376, %dma_start3A_377] : memref<10000x128xf32, #tpu.memory_space<hbm>> -> memref<10000x128xf32, #tpu.memory_space<hbm>>
    tpu.enqueue_indirect_dma source(%dma_start3A_378 : memref<10000x128xf32, #tpu.memory_space<hbm>>) target(%arg11 : memref<64x128xf32, #tpu.memory_space<vmem>>) offsets(%dma_start3A_375 : memref<64xi32, #tpu.memory_space<vmem>>) semaphore(%arg16 : memref<!tpu.dma_semaphore, #tpu.memory_space<semaphore_mem>>)
    %dma_start3A_379 = arith.constant 2 : i32
    %dma_start3A_380 = arith.constant 0 : i32
    %dma_start3A_381 = tpu.memref_slice %arg8[%dma_start3A_379, %dma_start3A_380] : memref<40x64xi32, #tpu.memory_space<vmem>> -> memref<1x64xi32, #tpu.memory_space<vmem>>
    %dma_start3A_382 = tpu.memref_squeeze %dma_start3A_381 : memref<1x64xi32, #tpu.memory_space<vmem>> -> memref<64xi32, #tpu.memory_space<vmem>>
    %dma_start3A_383 = arith.constant 0 : i32
    %dma_start3A_384 = arith.constant 0 : i32
    %dma_start3A_385 = tpu.memref_slice %arg2[%dma_start3A_383, %dma_start3A_384] : memref<10000x128xf32, #tpu.memory_space<hbm>> -> memref<10000x128xf32, #tpu.memory_space<hbm>>
    tpu.enqueue_indirect_dma source(%dma_start3A_385 : memref<10000x128xf32, #tpu.memory_space<hbm>>) target(%arg12 : memref<64x128xf32, #tpu.memory_space<vmem>>) offsets(%dma_start3A_382 : memref<64xi32, #tpu.memory_space<vmem>>) semaphore(%arg17 : memref<!tpu.dma_semaphore, #tpu.memory_space<semaphore_mem>>)
    %dma_start3A_386 = arith.constant 3 : i32
    %dma_start3A_387 = arith.constant 0 : i32
    %dma_start3A_388 = tpu.memref_slice %arg8[%dma_start3A_386, %dma_start3A_387] : memref<40x64xi32, #tpu.memory_space<vmem>> -> memref<1x64xi32, #tpu.memory_space<vmem>>
    %dma_start3A_389 = tpu.memref_squeeze %dma_start3A_388 : memref<1x64xi32, #tpu.memory_space<vmem>> -> memref<64xi32, #tpu.memory_space<vmem>>
    %dma_start3A_390 = arith.constant 0 : i32
    %dma_start3A_391 = arith.constant 0 : i32
    %dma_start3A_392 = tpu.memref_slice %arg2[%dma_start3A_390, %dma_start3A_391] : memref<10000x128xf32, #tpu.memory_space<hbm>> -> memref<10000x128xf32, #tpu.memory_space<hbm>>
    tpu.enqueue_indirect_dma source(%dma_start3A_392 : memref<10000x128xf32, #tpu.memory_space<hbm>>) target(%arg13 : memref<64x128xf32, #tpu.memory_space<vmem>>) offsets(%dma_start3A_389 : memref<64xi32, #tpu.memory_space<vmem>>) semaphore(%arg18 : memref<!tpu.dma_semaphore, #tpu.memory_space<semaphore_mem>>)
    %scan3A_393 = arith.constant 0 : i32
    %scan3A_394 = arith.constant 0 : i32
    %scan3A_395 = arith.constant 10 : i32
    %scan3A_396 = arith.addi %scan3A_394, %scan3A_395 : i32
    %scan3A_397 = arith.constant 1 : i32
    scf.for %scan3A_520 = %scan3A_394 to %scan3A_396 step %scan3A_397  : i32 {
      %mul3A_521 = arith.constant 4 : i32
      %mul3A_522 = arith.muli %mul3A_521, %scan3A_520 : i32
      %add3A_523 = arith.constant 0 : i32
      %add3A_524 = arith.addi %mul3A_522, %add3A_523 : i32
      %dma_wait3A_525 = arith.constant 0 : i32
      %dma_wait3A_526 = tpu.memref_slice %arg8[%add3A_524, %dma_wait3A_525] : memref<40x64xi32, #tpu.memory_space<vmem>> -> memref<1x64xi32, #tpu.memory_space<vmem>>
      %dma_wait3A_527 = tpu.memref_squeeze %dma_wait3A_526 : memref<1x64xi32, #tpu.memory_space<vmem>> -> memref<64xi32, #tpu.memory_space<vmem>>
      %dma_wait3A_528 = arith.constant 0 : i32
      %dma_wait3A_529 = arith.constant 0 : i32
      %dma_wait3A_530 = tpu.memref_slice %arg2[%dma_wait3A_528, %dma_wait3A_529] : memref<10000x128xf32, #tpu.memory_space<hbm>> -> memref<10000x128xf32, #tpu.memory_space<hbm>>
      tpu.wait_indirect_dma semaphore(%arg15 : memref<!tpu.dma_semaphore, #tpu.memory_space<semaphore_mem>>) src(%dma_wait3A_530 : memref<10000x128xf32, #tpu.memory_space<hbm>>) dst(%arg10 : memref<64x128xf32, #tpu.memory_space<vmem>>)
      %add3A_531 = arith.constant 0 : i32
      %add3A_532 = arith.addi %mul3A_522, %add3A_531 : i32
      %dma_start3A_533 = arith.constant 0 : i32
      %dma_start3A_534 = tpu.memref_slice %arg9[%add3A_532, %dma_start3A_533] : memref<40x64xi32, #tpu.memory_space<vmem>> -> memref<1x64xi32, #tpu.memory_space<vmem>>
      %dma_start3A_535 = tpu.memref_squeeze %dma_start3A_534 : memref<1x64xi32, #tpu.memory_space<vmem>> -> memref<64xi32, #tpu.memory_space<vmem>>
      %dma_start3A_536 = arith.constant 0 : i32
      %dma_start3A_537 = arith.constant 0 : i32
      %dma_start3A_538 = tpu.memref_slice %arg23[%dma_start3A_536, %dma_start3A_537] : memref<10240x128xf32, #tpu.memory_space<vmem_shared>> -> memref<10240x128xf32, #tpu.memory_space<vmem_shared>>
      tpu.enqueue_indirect_dma source(%arg10 : memref<64x128xf32, #tpu.memory_space<vmem>>) target(%dma_start3A_538 : memref<10240x128xf32, #tpu.memory_space<vmem_shared>>) offsets(%dma_start3A_535 : memref<64xi32, #tpu.memory_space<vmem>>) semaphore(%arg19 : memref<!tpu.dma_semaphore, #tpu.memory_space<semaphore_mem>>) {add = true}
      %add3A_539 = arith.constant 1 : i32
      %add3A_540 = arith.addi %mul3A_522, %add3A_539 : i32
      %dma_wait3A_541 = arith.constant 0 : i32
      %dma_wait3A_542 = tpu.memref_slice %arg8[%add3A_540, %dma_wait3A_541] : memref<40x64xi32, #tpu.memory_space<vmem>> -> memref<1x64xi32, #tpu.memory_space<vmem>>
      %dma_wait3A_543 = tpu.memref_squeeze %dma_wait3A_542 : memref<1x64xi32, #tpu.memory_space<vmem>> -> memref<64xi32, #tpu.memory_space<vmem>>
      %dma_wait3A_544 = arith.constant 0 : i32
      %dma_wait3A_545 = arith.constant 0 : i32
      %dma_wait3A_546 = tpu.memref_slice %arg2[%dma_wait3A_544, %dma_wait3A_545] : memref<10000x128xf32, #tpu.memory_space<hbm>> -> memref<10000x128xf32, #tpu.memory_space<hbm>>
      tpu.wait_indirect_dma semaphore(%arg16 : memref<!tpu.dma_semaphore, #tpu.memory_space<semaphore_mem>>) src(%dma_wait3A_546 : memref<10000x128xf32, #tpu.memory_space<hbm>>) dst(%arg11 : memref<64x128xf32, #tpu.memory_space<vmem>>)
      %add3A_547 = arith.constant 1 : i32
      %add3A_548 = arith.addi %mul3A_522, %add3A_547 : i32
      %dma_start3A_549 = arith.constant 0 : i32
      %dma_start3A_550 = tpu.memref_slice %arg9[%add3A_548, %dma_start3A_549] : memref<40x64xi32, #tpu.memory_space<vmem>> -> memref<1x64xi32, #tpu.memory_space<vmem>>
      %dma_start3A_551 = tpu.memref_squeeze %dma_start3A_550 : memref<1x64xi32, #tpu.memory_space<vmem>> -> memref<64xi32, #tpu.memory_space<vmem>>
      %dma_start3A_552 = arith.constant 0 : i32
      %dma_start3A_553 = arith.constant 0 : i32
      %dma_start3A_554 = tpu.memref_slice %arg23[%dma_start3A_552, %dma_start3A_553] : memref<10240x128xf32, #tpu.memory_space<vmem_shared>> -> memref<10240x128xf32, #tpu.memory_space<vmem_shared>>
      tpu.enqueue_indirect_dma source(%arg11 : memref<64x128xf32, #tpu.memory_space<vmem>>) target(%dma_start3A_554 : memref<10240x128xf32, #tpu.memory_space<vmem_shared>>) offsets(%dma_start3A_551 : memref<64xi32, #tpu.memory_space<vmem>>) semaphore(%arg20 : memref<!tpu.dma_semaphore, #tpu.memory_space<semaphore_mem>>) {add = true}
      %add3A_555 = arith.constant 2 : i32
      %add3A_556 = arith.addi %mul3A_522, %add3A_555 : i32
      %dma_wait3A_557 = arith.constant 0 : i32
      %dma_wait3A_558 = tpu.memref_slice %arg8[%add3A_556, %dma_wait3A_557] : memref<40x64xi32, #tpu.memory_space<vmem>> -> memref<1x64xi32, #tpu.memory_space<vmem>>
      %dma_wait3A_559 = tpu.memref_squeeze %dma_wait3A_558 : memref<1x64xi32, #tpu.memory_space<vmem>> -> memref<64xi32, #tpu.memory_space<vmem>>
      %dma_wait3A_560 = arith.constant 0 : i32
      %dma_wait3A_561 = arith.constant 0 : i32
      %dma_wait3A_562 = tpu.memref_slice %arg2[%dma_wait3A_560, %dma_wait3A_561] : memref<10000x128xf32, #tpu.memory_space<hbm>> -> memref<10000x128xf32, #tpu.memory_space<hbm>>
      tpu.wait_indirect_dma semaphore(%arg17 : memref<!tpu.dma_semaphore, #tpu.memory_space<semaphore_mem>>) src(%dma_wait3A_562 : memref<10000x128xf32, #tpu.memory_space<hbm>>) dst(%arg12 : memref<64x128xf32, #tpu.memory_space<vmem>>)
      %add3A_563 = arith.constant 2 : i32
      %add3A_564 = arith.addi %mul3A_522, %add3A_563 : i32
      %dma_start3A_565 = arith.constant 0 : i32
      %dma_start3A_566 = tpu.memref_slice %arg9[%add3A_564, %dma_start3A_565] : memref<40x64xi32, #tpu.memory_space<vmem>> -> memref<1x64xi32, #tpu.memory_space<vmem>>
      %dma_start3A_567 = tpu.memref_squeeze %dma_start3A_566 : memref<1x64xi32, #tpu.memory_space<vmem>> -> memref<64xi32, #tpu.memory_space<vmem>>
      %dma_start3A_568 = arith.constant 0 : i32
      %dma_start3A_569 = arith.constant 0 : i32
      %dma_start3A_570 = tpu.memref_slice %arg23[%dma_start3A_568, %dma_start3A_569] : memref<10240x128xf32, #tpu.memory_space<vmem_shared>> -> memref<10240x128xf32, #tpu.memory_space<vmem_shared>>
      tpu.enqueue_indirect_dma source(%arg12 : memref<64x128xf32, #tpu.memory_space<vmem>>) target(%dma_start3A_570 : memref<10240x128xf32, #tpu.memory_space<vmem_shared>>) offsets(%dma_start3A_567 : memref<64xi32, #tpu.memory_space<vmem>>) semaphore(%arg21 : memref<!tpu.dma_semaphore, #tpu.memory_space<semaphore_mem>>) {add = true}
      %add3A_571 = arith.constant 3 : i32
      %add3A_572 = arith.addi %mul3A_522, %add3A_571 : i32
      %dma_wait3A_573 = arith.constant 0 : i32
      %dma_wait3A_574 = tpu.memref_slice %arg8[%add3A_572, %dma_wait3A_573] : memref<40x64xi32, #tpu.memory_space<vmem>> -> memref<1x64xi32, #tpu.memory_space<vmem>>
      %dma_wait3A_575 = tpu.memref_squeeze %dma_wait3A_574 : memref<1x64xi32, #tpu.memory_space<vmem>> -> memref<64xi32, #tpu.memory_space<vmem>>
      %dma_wait3A_576 = arith.constant 0 : i32
      %dma_wait3A_577 = arith.constant 0 : i32
      %dma_wait3A_578 = tpu.memref_slice %arg2[%dma_wait3A_576, %dma_wait3A_577] : memref<10000x128xf32, #tpu.memory_space<hbm>> -> memref<10000x128xf32, #tpu.memory_space<hbm>>
      tpu.wait_indirect_dma semaphore(%arg18 : memref<!tpu.dma_semaphore, #tpu.memory_space<semaphore_mem>>) src(%dma_wait3A_578 : memref<10000x128xf32, #tpu.memory_space<hbm>>) dst(%arg13 : memref<64x128xf32, #tpu.memory_space<vmem>>)
      %add3A_579 = arith.constant 3 : i32
      %add3A_580 = arith.addi %mul3A_522, %add3A_579 : i32
      %dma_start3A_581 = arith.constant 0 : i32
      %dma_start3A_582 = tpu.memref_slice %arg9[%add3A_580, %dma_start3A_581] : memref<40x64xi32, #tpu.memory_space<vmem>> -> memref<1x64xi32, #tpu.memory_space<vmem>>
      %dma_start3A_583 = tpu.memref_squeeze %dma_start3A_582 : memref<1x64xi32, #tpu.memory_space<vmem>> -> memref<64xi32, #tpu.memory_space<vmem>>
      %dma_start3A_584 = arith.constant 0 : i32
      %dma_start3A_585 = arith.constant 0 : i32
      %dma_start3A_586 = tpu.memref_slice %arg23[%dma_start3A_584, %dma_start3A_585] : memref<10240x128xf32, #tpu.memory_space<vmem_shared>> -> memref<10240x128xf32, #tpu.memory_space<vmem_shared>>
      tpu.enqueue_indirect_dma source(%arg13 : memref<64x128xf32, #tpu.memory_space<vmem>>) target(%dma_start3A_586 : memref<10240x128xf32, #tpu.memory_space<vmem_shared>>) offsets(%dma_start3A_583 : memref<64xi32, #tpu.memory_space<vmem>>) semaphore(%arg22 : memref<!tpu.dma_semaphore, #tpu.memory_space<semaphore_mem>>) {add = true}
      %lt3A_587 = arith.constant 9 : i32
      %lt3A_588 = arith.cmpi slt, %scan3A_520, %lt3A_587 : i32
      %convert_element_type3A_589 = arith.extui %lt3A_588 : i1 to i32
      %cond3A_590 = arith.constant 0 : i32
      %cond3A_591 = arith.cmpi ne, %convert_element_type3A_589, %cond3A_590 : i32
      scf.if %cond3A_591 {
        %add3A_592 = arith.constant 0 : i32
        %add3A_593 = arith.addi %mul3A_522, %add3A_592 : i32
        %dma_wait3A_594 = arith.constant 0 : i32
        %dma_wait3A_595 = tpu.memref_slice %arg9[%add3A_593, %dma_wait3A_594] : memref<40x64xi32, #tpu.memory_space<vmem>> -> memref<1x64xi32, #tpu.memory_space<vmem>>
        %dma_wait3A_596 = tpu.memref_squeeze %dma_wait3A_595 : memref<1x64xi32, #tpu.memory_space<vmem>> -> memref<64xi32, #tpu.memory_space<vmem>>
        %dma_wait3A_597 = arith.constant 0 : i32
        %dma_wait3A_598 = arith.constant 0 : i32
        %dma_wait3A_599 = tpu.memref_slice %arg23[%dma_wait3A_597, %dma_wait3A_598] : memref<10240x128xf32, #tpu.memory_space<vmem_shared>> -> memref<10240x128xf32, #tpu.memory_space<vmem_shared>>
        tpu.wait_indirect_dma semaphore(%arg19 : memref<!tpu.dma_semaphore, #tpu.memory_space<semaphore_mem>>) src(%arg10 : memref<64x128xf32, #tpu.memory_space<vmem>>) dst(%dma_wait3A_599 : memref<10240x128xf32, #tpu.memory_space<vmem_shared>>)
        %add3A_600 = arith.constant 4 : i32
        %add3A_601 = arith.addi %mul3A_522, %add3A_600 : i32
        %add3A_602 = arith.constant 0 : i32
        %add3A_603 = arith.addi %add3A_601, %add3A_602 : i32
        %dma_start3A_604 = arith.constant 0 : i32
        %dma_start3A_605 = tpu.memref_slice %arg8[%add3A_603, %dma_start3A_604] : memref<40x64xi32, #tpu.memory_space<vmem>> -> memref<1x64xi32, #tpu.memory_space<vmem>>
        %dma_start3A_606 = tpu.memref_squeeze %dma_start3A_605 : memref<1x64xi32, #tpu.memory_space<vmem>> -> memref<64xi32, #tpu.memory_space<vmem>>
        %dma_start3A_607 = arith.constant 0 : i32
        %dma_start3A_608 = arith.constant 0 : i32
        %dma_start3A_609 = tpu.memref_slice %arg2[%dma_start3A_607, %dma_start3A_608] : memref<10000x128xf32, #tpu.memory_space<hbm>> -> memref<10000x128xf32, #tpu.memory_space<hbm>>
        tpu.enqueue_indirect_dma source(%dma_start3A_609 : memref<10000x128xf32, #tpu.memory_space<hbm>>) target(%arg10 : memref<64x128xf32, #tpu.memory_space<vmem>>) offsets(%dma_start3A_606 : memref<64xi32, #tpu.memory_space<vmem>>) semaphore(%arg15 : memref<!tpu.dma_semaphore, #tpu.memory_space<semaphore_mem>>)
        %add3A_610 = arith.constant 1 : i32
        %add3A_611 = arith.addi %mul3A_522, %add3A_610 : i32
        %dma_wait3A_612 = arith.constant 0 : i32
        %dma_wait3A_613 = tpu.memref_slice %arg9[%add3A_611, %dma_wait3A_612] : memref<40x64xi32, #tpu.memory_space<vmem>> -> memref<1x64xi32, #tpu.memory_space<vmem>>
        %dma_wait3A_614 = tpu.memref_squeeze %dma_wait3A_613 : memref<1x64xi32, #tpu.memory_space<vmem>> -> memref<64xi32, #tpu.memory_space<vmem>>
        %dma_wait3A_615 = arith.constant 0 : i32
        %dma_wait3A_616 = arith.constant 0 : i32
        %dma_wait3A_617 = tpu.memref_slice %arg23[%dma_wait3A_615, %dma_wait3A_616] : memref<10240x128xf32, #tpu.memory_space<vmem_shared>> -> memref<10240x128xf32, #tpu.memory_space<vmem_shared>>
        tpu.wait_indirect_dma semaphore(%arg20 : memref<!tpu.dma_semaphore, #tpu.memory_space<semaphore_mem>>) src(%arg11 : memref<64x128xf32, #tpu.memory_space<vmem>>) dst(%dma_wait3A_617 : memref<10240x128xf32, #tpu.memory_space<vmem_shared>>)
        %add3A_618 = arith.constant 4 : i32
        %add3A_619 = arith.addi %mul3A_522, %add3A_618 : i32
        %add3A_620 = arith.constant 1 : i32
        %add3A_621 = arith.addi %add3A_619, %add3A_620 : i32
        %dma_start3A_622 = arith.constant 0 : i32
        %dma_start3A_623 = tpu.memref_slice %arg8[%add3A_621, %dma_start3A_622] : memref<40x64xi32, #tpu.memory_space<vmem>> -> memref<1x64xi32, #tpu.memory_space<vmem>>
        %dma_start3A_624 = tpu.memref_squeeze %dma_start3A_623 : memref<1x64xi32, #tpu.memory_space<vmem>> -> memref<64xi32, #tpu.memory_space<vmem>>
        %dma_start3A_625 = arith.constant 0 : i32
        %dma_start3A_626 = arith.constant 0 : i32
        %dma_start3A_627 = tpu.memref_slice %arg2[%dma_start3A_625, %dma_start3A_626] : memref<10000x128xf32, #tpu.memory_space<hbm>> -> memref<10000x128xf32, #tpu.memory_space<hbm>>
        tpu.enqueue_indirect_dma source(%dma_start3A_627 : memref<10000x128xf32, #tpu.memory_space<hbm>>) target(%arg11 : memref<64x128xf32, #tpu.memory_space<vmem>>) offsets(%dma_start3A_624 : memref<64xi32, #tpu.memory_space<vmem>>) semaphore(%arg16 : memref<!tpu.dma_semaphore, #tpu.memory_space<semaphore_mem>>)
        %add3A_628 = arith.constant 2 : i32
        %add3A_629 = arith.addi %mul3A_522, %add3A_628 : i32
        %dma_wait3A_630 = arith.constant 0 : i32
        %dma_wait3A_631 = tpu.memref_slice %arg9[%add3A_629, %dma_wait3A_630] : memref<40x64xi32, #tpu.memory_space<vmem>> -> memref<1x64xi32, #tpu.memory_space<vmem>>
        %dma_wait3A_632 = tpu.memref_squeeze %dma_wait3A_631 : memref<1x64xi32, #tpu.memory_space<vmem>> -> memref<64xi32, #tpu.memory_space<vmem>>
        %dma_wait3A_633 = arith.constant 0 : i32
        %dma_wait3A_634 = arith.constant 0 : i32
        %dma_wait3A_635 = tpu.memref_slice %arg23[%dma_wait3A_633, %dma_wait3A_634] : memref<10240x128xf32, #tpu.memory_space<vmem_shared>> -> memref<10240x128xf32, #tpu.memory_space<vmem_shared>>
        tpu.wait_indirect_dma semaphore(%arg21 : memref<!tpu.dma_semaphore, #tpu.memory_space<semaphore_mem>>) src(%arg12 : memref<64x128xf32, #tpu.memory_space<vmem>>) dst(%dma_wait3A_635 : memref<10240x128xf32, #tpu.memory_space<vmem_shared>>)
        %add3A_636 = arith.constant 4 : i32
        %add3A_637 = arith.addi %mul3A_522, %add3A_636 : i32
        %add3A_638 = arith.constant 2 : i32
        %add3A_639 = arith.addi %add3A_637, %add3A_638 : i32
        %dma_start3A_640 = arith.constant 0 : i32
        %dma_start3A_641 = tpu.memref_slice %arg8[%add3A_639, %dma_start3A_640] : memref<40x64xi32, #tpu.memory_space<vmem>> -> memref<1x64xi32, #tpu.memory_space<vmem>>
        %dma_start3A_642 = tpu.memref_squeeze %dma_start3A_641 : memref<1x64xi32, #tpu.memory_space<vmem>> -> memref<64xi32, #tpu.memory_space<vmem>>
        %dma_start3A_643 = arith.constant 0 : i32
        %dma_start3A_644 = arith.constant 0 : i32
        %dma_start3A_645 = tpu.memref_slice %arg2[%dma_start3A_643, %dma_start3A_644] : memref<10000x128xf32, #tpu.memory_space<hbm>> -> memref<10000x128xf32, #tpu.memory_space<hbm>>
        tpu.enqueue_indirect_dma source(%dma_start3A_645 : memref<10000x128xf32, #tpu.memory_space<hbm>>) target(%arg12 : memref<64x128xf32, #tpu.memory_space<vmem>>) offsets(%dma_start3A_642 : memref<64xi32, #tpu.memory_space<vmem>>) semaphore(%arg17 : memref<!tpu.dma_semaphore, #tpu.memory_space<semaphore_mem>>)
        %add3A_646 = arith.constant 3 : i32
        %add3A_647 = arith.addi %mul3A_522, %add3A_646 : i32
        %dma_wait3A_648 = arith.constant 0 : i32
        %dma_wait3A_649 = tpu.memref_slice %arg9[%add3A_647, %dma_wait3A_648] : memref<40x64xi32, #tpu.memory_space<vmem>> -> memref<1x64xi32, #tpu.memory_space<vmem>>
        %dma_wait3A_650 = tpu.memref_squeeze %dma_wait3A_649 : memref<1x64xi32, #tpu.memory_space<vmem>> -> memref<64xi32, #tpu.memory_space<vmem>>
        %dma_wait3A_651 = arith.constant 0 : i32
        %dma_wait3A_652 = arith.constant 0 : i32
        %dma_wait3A_653 = tpu.memref_slice %arg23[%dma_wait3A_651, %dma_wait3A_652] : memref<10240x128xf32, #tpu.memory_space<vmem_shared>> -> memref<10240x128xf32, #tpu.memory_space<vmem_shared>>
        tpu.wait_indirect_dma semaphore(%arg22 : memref<!tpu.dma_semaphore, #tpu.memory_space<semaphore_mem>>) src(%arg13 : memref<64x128xf32, #tpu.memory_space<vmem>>) dst(%dma_wait3A_653 : memref<10240x128xf32, #tpu.memory_space<vmem_shared>>)
        %add3A_654 = arith.constant 4 : i32
        %add3A_655 = arith.addi %mul3A_522, %add3A_654 : i32
        %add3A_656 = arith.constant 3 : i32
        %add3A_657 = arith.addi %add3A_655, %add3A_656 : i32
        %dma_start3A_658 = arith.constant 0 : i32
        %dma_start3A_659 = tpu.memref_slice %arg8[%add3A_657, %dma_start3A_658] : memref<40x64xi32, #tpu.memory_space<vmem>> -> memref<1x64xi32, #tpu.memory_space<vmem>>
        %dma_start3A_660 = tpu.memref_squeeze %dma_start3A_659 : memref<1x64xi32, #tpu.memory_space<vmem>> -> memref<64xi32, #tpu.memory_space<vmem>>
        %dma_start3A_661 = arith.constant 0 : i32
        %dma_start3A_662 = arith.constant 0 : i32
        %dma_start3A_663 = tpu.memref_slice %arg2[%dma_start3A_661, %dma_start3A_662] : memref<10000x128xf32, #tpu.memory_space<hbm>> -> memref<10000x128xf32, #tpu.memory_space<hbm>>
        tpu.enqueue_indirect_dma source(%dma_start3A_663 : memref<10000x128xf32, #tpu.memory_space<hbm>>) target(%arg13 : memref<64x128xf32, #tpu.memory_space<vmem>>) offsets(%dma_start3A_660 : memref<64xi32, #tpu.memory_space<vmem>>) semaphore(%arg18 : memref<!tpu.dma_semaphore, #tpu.memory_space<semaphore_mem>>)
      } else {
      }
    }
    %scan3A_398 = arith.constant 10 : i32
    %dma_wait3A_399 = arith.constant 36 : i32
    %dma_wait3A_400 = arith.constant 0 : i32
    %dma_wait3A_401 = tpu.memref_slice %arg9[%dma_wait3A_399, %dma_wait3A_400] : memref<40x64xi32, #tpu.memory_space<vmem>> -> memref<1x64xi32, #tpu.memory_space<vmem>>
    %dma_wait3A_402 = tpu.memref_squeeze %dma_wait3A_401 : memref<1x64xi32, #tpu.memory_space<vmem>> -> memref<64xi32, #tpu.memory_space<vmem>>
    %dma_wait3A_403 = arith.constant 0 : i32
    %dma_wait3A_404 = arith.constant 0 : i32
    %dma_wait3A_405 = tpu.memref_slice %arg23[%dma_wait3A_403, %dma_wait3A_404] : memref<10240x128xf32, #tpu.memory_space<vmem_shared>> -> memref<10240x128xf32, #tpu.memory_space<vmem_shared>>
    tpu.wait_indirect_dma semaphore(%arg19 : memref<!tpu.dma_semaphore, #tpu.memory_space<semaphore_mem>>) src(%arg10 : memref<64x128xf32, #tpu.memory_space<vmem>>) dst(%dma_wait3A_405 : memref<10240x128xf32, #tpu.memory_space<vmem_shared>>)
    %dma_wait3A_406 = arith.constant 37 : i32
    %dma_wait3A_407 = arith.constant 0 : i32
    %dma_wait3A_408 = tpu.memref_slice %arg9[%dma_wait3A_406, %dma_wait3A_407] : memref<40x64xi32, #tpu.memory_space<vmem>> -> memref<1x64xi32, #tpu.memory_space<vmem>>
    %dma_wait3A_409 = tpu.memref_squeeze %dma_wait3A_408 : memref<1x64xi32, #tpu.memory_space<vmem>> -> memref<64xi32, #tpu.memory_space<vmem>>
    %dma_wait3A_410 = arith.constant 0 : i32
    %dma_wait3A_411 = arith.constant 0 : i32
    %dma_wait3A_412 = tpu.memref_slice %arg23[%dma_wait3A_410, %dma_wait3A_411] : memref<10240x128xf32, #tpu.memory_space<vmem_shared>> -> memref<10240x128xf32, #tpu.memory_space<vmem_shared>>
    tpu.wait_indirect_dma semaphore(%arg20 : memref<!tpu.dma_semaphore, #tpu.memory_space<semaphore_mem>>) src(%arg11 : memref<64x128xf32, #tpu.memory_space<vmem>>) dst(%dma_wait3A_412 : memref<10240x128xf32, #tpu.memory_space<vmem_shared>>)
    %dma_wait3A_413 = arith.constant 38 : i32
    %dma_wait3A_414 = arith.constant 0 : i32
    %dma_wait3A_415 = tpu.memref_slice %arg9[%dma_wait3A_413, %dma_wait3A_414] : memref<40x64xi32, #tpu.memory_space<vmem>> -> memref<1x64xi32, #tpu.memory_space<vmem>>
    %dma_wait3A_416 = tpu.memref_squeeze %dma_wait3A_415 : memref<1x64xi32, #tpu.memory_space<vmem>> -> memref<64xi32, #tpu.memory_space<vmem>>
    %dma_wait3A_417 = arith.constant 0 : i32
    %dma_wait3A_418 = arith.constant 0 : i32
    %dma_wait3A_419 = tpu.memref_slice %arg23[%dma_wait3A_417, %dma_wait3A_418] : memref<10240x128xf32, #tpu.memory_space<vmem_shared>> -> memref<10240x128xf32, #tpu.memory_space<vmem_shared>>
    tpu.wait_indirect_dma semaphore(%arg21 : memref<!tpu.dma_semaphore, #tpu.memory_space<semaphore_mem>>) src(%arg12 : memref<64x128xf32, #tpu.memory_space<vmem>>) dst(%dma_wait3A_419 : memref<10240x128xf32, #tpu.memory_space<vmem_shared>>)
    %dma_wait3A_420 = arith.constant 39 : i32
    %dma_wait3A_421 = arith.constant 0 : i32
    %dma_wait3A_422 = tpu.memref_slice %arg9[%dma_wait3A_420, %dma_wait3A_421] : memref<40x64xi32, #tpu.memory_space<vmem>> -> memref<1x64xi32, #tpu.memory_space<vmem>>
    %dma_wait3A_423 = tpu.memref_squeeze %dma_wait3A_422 : memref<1x64xi32, #tpu.memory_space<vmem>> -> memref<64xi32, #tpu.memory_space<vmem>>
    %dma_wait3A_424 = arith.constant 0 : i32
    %dma_wait3A_425 = arith.constant 0 : i32
    %dma_wait3A_426 = tpu.memref_slice %arg23[%dma_wait3A_424, %dma_wait3A_425] : memref<10240x128xf32, #tpu.memory_space<vmem_shared>> -> memref<10240x128xf32, #tpu.memory_space<vmem_shared>>
    tpu.wait_indirect_dma semaphore(%arg22 : memref<!tpu.dma_semaphore, #tpu.memory_space<semaphore_mem>>) src(%arg13 : memref<64x128xf32, #tpu.memory_space<vmem>>) dst(%dma_wait3A_426 : memref<10240x128xf32, #tpu.memory_space<vmem_shared>>)
    %lt3A_427 = arith.constant 31 : i32
    %lt3A_428 = arith.cmpi slt, %add3A, %lt3A_427 : i32
    %convert_element_type3A_429 = arith.extui %lt3A_428 : i1 to i32
    %cond3A_430 = arith.constant 0 : i32
    %cond3A_431 = arith.cmpi ne, %convert_element_type3A_429, %cond3A_430 : i32
    scf.if %cond3A_431 {
      %mul3A_520 = arith.constant 160 : i32
      %mul3A_521 = arith.muli %add3A, %mul3A_520 : i32
      %add3A_522 = arith.constant 120 : i32
      %add3A_523 = arith.addi %mul3A_521, %add3A_522 : i32
      %run_scoped3A = arith.constant 0 : i32
      "tpu.region"() ({
        %run_scoped3A_524 = tpu.sem_alloc : memref<!tpu.dma_semaphore, #tpu.memory_space<semaphore_mem>>
        %dma_start3A_525 = arith.constant 0 : i32
        %dma_start3A_526 = tpu.memref_slice %arg3[%run_scoped3A, %add3A_523, %dma_start3A_525] : memref<2x5000x64xi32, #tpu.memory_space<hbm>> -> memref<1x40x64xi32, #tpu.memory_space<hbm>>
        %dma_start3A_527 = tpu.memref_squeeze %dma_start3A_526 : memref<1x40x64xi32, #tpu.memory_space<hbm>> -> memref<40x64xi32, #tpu.memory_space<hbm>>
        %dma_start3A_528 = arith.constant 0 : i32
        %dma_start3A_529 = tpu.memref_slice %arg3[%run_scoped3A, %add3A_523, %dma_start3A_528] : memref<2x5000x64xi32, #tpu.memory_space<hbm>> -> memref<1x40x64xi32, #tpu.memory_space<hbm>>
        %dma_start3A_530 = tpu.memref_squeeze %dma_start3A_529 : memref<1x40x64xi32, #tpu.memory_space<hbm>> -> memref<40x64xi32, #tpu.memory_space<hbm>>
        tpu.enqueue_dma source(%dma_start3A_530 : memref<40x64xi32, #tpu.memory_space<hbm>>) target(%arg8 : memref<40x64xi32, #tpu.memory_space<vmem>>) target_semaphore(%run_scoped3A_524 : memref<!tpu.dma_semaphore, #tpu.memory_space<semaphore_mem>>)
        %dma_wait3A_531 = arith.constant 0 : i32
        %dma_wait3A_532 = tpu.memref_slice %arg3[%run_scoped3A, %add3A_523, %dma_wait3A_531] : memref<2x5000x64xi32, #tpu.memory_space<hbm>> -> memref<1x40x64xi32, #tpu.memory_space<hbm>>
        %dma_wait3A_533 = tpu.memref_squeeze %dma_wait3A_532 : memref<1x40x64xi32, #tpu.memory_space<hbm>> -> memref<40x64xi32, #tpu.memory_space<hbm>>
        %dma_wait3A_534 = arith.constant 0 : i32
        %dma_wait3A_535 = tpu.memref_slice %arg3[%run_scoped3A, %add3A_523, %dma_wait3A_534] : memref<2x5000x64xi32, #tpu.memory_space<hbm>> -> memref<1x40x64xi32, #tpu.memory_space<hbm>>
        %dma_wait3A_536 = tpu.memref_squeeze %dma_wait3A_535 : memref<1x40x64xi32, #tpu.memory_space<hbm>> -> memref<40x64xi32, #tpu.memory_space<hbm>>
        tpu.wait_dma2 semaphore(%run_scoped3A_524 : memref<!tpu.dma_semaphore, #tpu.memory_space<semaphore_mem>>) src(%dma_wait3A_536 : memref<40x64xi32, #tpu.memory_space<hbm>>) dst(%arg8 : memref<40x64xi32, #tpu.memory_space<vmem>>)
        tpu.yield
      }) : () -> ()
    } else {
    }
    %eq3A_432 = arith.constant 31 : i32
    %eq3A_433 = arith.cmpi eq, %add3A, %eq3A_432 : i32
    %convert_element_type3A_434 = arith.extui %eq3A_433 : i1 to i32
    %cond3A_435 = arith.constant 0 : i32
    %cond3A_436 = arith.cmpi ne, %convert_element_type3A_434, %cond3A_435 : i32
    scf.if %cond3A_436 {
      "tpu.region"() ({
        %run_scoped3A = tpu.sem_alloc : memref<!tpu.dma_semaphore, #tpu.memory_space<semaphore_mem>>
        %dma_start3A_520 = arith.constant 0 : i32
        %dma_start3A_521 = arith.constant 0 : i32
        %dma_start3A_522 = tpu.memref_slice %arg8[%dma_start3A_520, %dma_start3A_521] : memref<40x64xi32, #tpu.memory_space<vmem>> -> memref<40x64xi32, #tpu.memory_space<vmem>>
        %dma_start3A_523 = arith.constant 80 : i32
        %dma_start3A_524 = arith.constant 0 : i32
        %dma_start3A_525 = tpu.memref_slice %arg4[%dma_start3A_523, %dma_start3A_524] : memref<120x64xi32, #tpu.memory_space<hbm>> -> memref<40x64xi32, #tpu.memory_space<hbm>>
        %dma_start3A_526 = arith.constant 0 : i32
        %dma_start3A_527 = arith.constant 0 : i32
        %dma_start3A_528 = tpu.memref_slice %arg8[%dma_start3A_526, %dma_start3A_527] : memref<40x64xi32, #tpu.memory_space<vmem>> -> memref<40x64xi32, #tpu.memory_space<vmem>>
        %dma_start3A_529 = arith.constant 80 : i32
        %dma_start3A_530 = arith.constant 0 : i32
        %dma_start3A_531 = tpu.memref_slice %arg4[%dma_start3A_529, %dma_start3A_530] : memref<120x64xi32, #tpu.memory_space<hbm>> -> memref<40x64xi32, #tpu.memory_space<hbm>>
        tpu.enqueue_dma source(%dma_start3A_531 : memref<40x64xi32, #tpu.memory_space<hbm>>) target(%dma_start3A_528 : memref<40x64xi32, #tpu.memory_space<vmem>>) target_semaphore(%run_scoped3A : memref<!tpu.dma_semaphore, #tpu.memory_space<semaphore_mem>>)
        %dma_wait3A_532 = arith.constant 0 : i32
        %dma_wait3A_533 = arith.constant 0 : i32
        %dma_wait3A_534 = tpu.memref_slice %arg8[%dma_wait3A_532, %dma_wait3A_533] : memref<40x64xi32, #tpu.memory_space<vmem>> -> memref<40x64xi32, #tpu.memory_space<vmem>>
        %dma_wait3A_535 = arith.constant 80 : i32
        %dma_wait3A_536 = arith.constant 0 : i32
        %dma_wait3A_537 = tpu.memref_slice %arg4[%dma_wait3A_535, %dma_wait3A_536] : memref<120x64xi32, #tpu.memory_space<hbm>> -> memref<40x64xi32, #tpu.memory_space<hbm>>
        %dma_wait3A_538 = arith.constant 0 : i32
        %dma_wait3A_539 = arith.constant 0 : i32
        %dma_wait3A_540 = tpu.memref_slice %arg8[%dma_wait3A_538, %dma_wait3A_539] : memref<40x64xi32, #tpu.memory_space<vmem>> -> memref<40x64xi32, #tpu.memory_space<vmem>>
        %dma_wait3A_541 = arith.constant 80 : i32
        %dma_wait3A_542 = arith.constant 0 : i32
        %dma_wait3A_543 = tpu.memref_slice %arg4[%dma_wait3A_541, %dma_wait3A_542] : memref<120x64xi32, #tpu.memory_space<hbm>> -> memref<40x64xi32, #tpu.memory_space<hbm>>
        tpu.wait_dma2 semaphore(%run_scoped3A : memref<!tpu.dma_semaphore, #tpu.memory_space<semaphore_mem>>) src(%dma_wait3A_543 : memref<40x64xi32, #tpu.memory_space<hbm>>) dst(%dma_wait3A_540 : memref<40x64xi32, #tpu.memory_space<vmem>>)
        tpu.yield
      }) : () -> ()
    } else {
    }
    %lt3A_437 = arith.constant 31 : i32
    %lt3A_438 = arith.cmpi slt, %add3A, %lt3A_437 : i32
    %convert_element_type3A_439 = arith.extui %lt3A_438 : i1 to i32
    %cond3A_440 = arith.constant 0 : i32
    %cond3A_441 = arith.cmpi ne, %convert_element_type3A_439, %cond3A_440 : i32
    scf.if %cond3A_441 {
      %mul3A_520 = arith.constant 160 : i32
      %mul3A_521 = arith.muli %add3A, %mul3A_520 : i32
      %add3A_522 = arith.constant 120 : i32
      %add3A_523 = arith.addi %mul3A_521, %add3A_522 : i32
      %run_scoped3A = arith.constant 1 : i32
      "tpu.region"() ({
        %run_scoped3A_524 = tpu.sem_alloc : memref<!tpu.dma_semaphore, #tpu.memory_space<semaphore_mem>>
        %dma_start3A_525 = arith.constant 0 : i32
        %dma_start3A_526 = tpu.memref_slice %arg3[%run_scoped3A, %add3A_523, %dma_start3A_525] : memref<2x5000x64xi32, #tpu.memory_space<hbm>> -> memref<1x40x64xi32, #tpu.memory_space<hbm>>
        %dma_start3A_527 = tpu.memref_squeeze %dma_start3A_526 : memref<1x40x64xi32, #tpu.memory_space<hbm>> -> memref<40x64xi32, #tpu.memory_space<hbm>>
        %dma_start3A_528 = arith.constant 0 : i32
        %dma_start3A_529 = tpu.memref_slice %arg3[%run_scoped3A, %add3A_523, %dma_start3A_528] : memref<2x5000x64xi32, #tpu.memory_space<hbm>> -> memref<1x40x64xi32, #tpu.memory_space<hbm>>
        %dma_start3A_530 = tpu.memref_squeeze %dma_start3A_529 : memref<1x40x64xi32, #tpu.memory_space<hbm>> -> memref<40x64xi32, #tpu.memory_space<hbm>>
        tpu.enqueue_dma source(%dma_start3A_530 : memref<40x64xi32, #tpu.memory_space<hbm>>) target(%arg9 : memref<40x64xi32, #tpu.memory_space<vmem>>) target_semaphore(%run_scoped3A_524 : memref<!tpu.dma_semaphore, #tpu.memory_space<semaphore_mem>>)
        %dma_wait3A_531 = arith.constant 0 : i32
        %dma_wait3A_532 = tpu.memref_slice %arg3[%run_scoped3A, %add3A_523, %dma_wait3A_531] : memref<2x5000x64xi32, #tpu.memory_space<hbm>> -> memref<1x40x64xi32, #tpu.memory_space<hbm>>
        %dma_wait3A_533 = tpu.memref_squeeze %dma_wait3A_532 : memref<1x40x64xi32, #tpu.memory_space<hbm>> -> memref<40x64xi32, #tpu.memory_space<hbm>>
        %dma_wait3A_534 = arith.constant 0 : i32
        %dma_wait3A_535 = tpu.memref_slice %arg3[%run_scoped3A, %add3A_523, %dma_wait3A_534] : memref<2x5000x64xi32, #tpu.memory_space<hbm>> -> memref<1x40x64xi32, #tpu.memory_space<hbm>>
        %dma_wait3A_536 = tpu.memref_squeeze %dma_wait3A_535 : memref<1x40x64xi32, #tpu.memory_space<hbm>> -> memref<40x64xi32, #tpu.memory_space<hbm>>
        tpu.wait_dma2 semaphore(%run_scoped3A_524 : memref<!tpu.dma_semaphore, #tpu.memory_space<semaphore_mem>>) src(%dma_wait3A_536 : memref<40x64xi32, #tpu.memory_space<hbm>>) dst(%arg9 : memref<40x64xi32, #tpu.memory_space<vmem>>)
        tpu.yield
      }) : () -> ()
    } else {
    }
    %eq3A_442 = arith.constant 31 : i32
    %eq3A_443 = arith.cmpi eq, %add3A, %eq3A_442 : i32
    %convert_element_type3A_444 = arith.extui %eq3A_443 : i1 to i32
    %cond3A_445 = arith.constant 0 : i32
    %cond3A_446 = arith.cmpi ne, %convert_element_type3A_444, %cond3A_445 : i32
    scf.if %cond3A_446 {
      "tpu.region"() ({
        %run_scoped3A = tpu.sem_alloc : memref<!tpu.dma_semaphore, #tpu.memory_space<semaphore_mem>>
        %dma_start3A_520 = arith.constant 0 : i32
        %dma_start3A_521 = arith.constant 0 : i32
        %dma_start3A_522 = tpu.memref_slice %arg9[%dma_start3A_520, %dma_start3A_521] : memref<40x64xi32, #tpu.memory_space<vmem>> -> memref<40x64xi32, #tpu.memory_space<vmem>>
        %dma_start3A_523 = arith.constant 80 : i32
        %dma_start3A_524 = arith.constant 0 : i32
        %dma_start3A_525 = tpu.memref_slice %arg5[%dma_start3A_523, %dma_start3A_524] : memref<120x64xi32, #tpu.memory_space<hbm>> -> memref<40x64xi32, #tpu.memory_space<hbm>>
        %dma_start3A_526 = arith.constant 0 : i32
        %dma_start3A_527 = arith.constant 0 : i32
        %dma_start3A_528 = tpu.memref_slice %arg9[%dma_start3A_526, %dma_start3A_527] : memref<40x64xi32, #tpu.memory_space<vmem>> -> memref<40x64xi32, #tpu.memory_space<vmem>>
        %dma_start3A_529 = arith.constant 80 : i32
        %dma_start3A_530 = arith.constant 0 : i32
        %dma_start3A_531 = tpu.memref_slice %arg5[%dma_start3A_529, %dma_start3A_530] : memref<120x64xi32, #tpu.memory_space<hbm>> -> memref<40x64xi32, #tpu.memory_space<hbm>>
        tpu.enqueue_dma source(%dma_start3A_531 : memref<40x64xi32, #tpu.memory_space<hbm>>) target(%dma_start3A_528 : memref<40x64xi32, #tpu.memory_space<vmem>>) target_semaphore(%run_scoped3A : memref<!tpu.dma_semaphore, #tpu.memory_space<semaphore_mem>>)
        %dma_wait3A_532 = arith.constant 0 : i32
        %dma_wait3A_533 = arith.constant 0 : i32
        %dma_wait3A_534 = tpu.memref_slice %arg9[%dma_wait3A_532, %dma_wait3A_533] : memref<40x64xi32, #tpu.memory_space<vmem>> -> memref<40x64xi32, #tpu.memory_space<vmem>>
        %dma_wait3A_535 = arith.constant 80 : i32
        %dma_wait3A_536 = arith.constant 0 : i32
        %dma_wait3A_537 = tpu.memref_slice %arg5[%dma_wait3A_535, %dma_wait3A_536] : memref<120x64xi32, #tpu.memory_space<hbm>> -> memref<40x64xi32, #tpu.memory_space<hbm>>
        %dma_wait3A_538 = arith.constant 0 : i32
        %dma_wait3A_539 = arith.constant 0 : i32
        %dma_wait3A_540 = tpu.memref_slice %arg9[%dma_wait3A_538, %dma_wait3A_539] : memref<40x64xi32, #tpu.memory_space<vmem>> -> memref<40x64xi32, #tpu.memory_space<vmem>>
        %dma_wait3A_541 = arith.constant 80 : i32
        %dma_wait3A_542 = arith.constant 0 : i32
        %dma_wait3A_543 = tpu.memref_slice %arg5[%dma_wait3A_541, %dma_wait3A_542] : memref<120x64xi32, #tpu.memory_space<hbm>> -> memref<40x64xi32, #tpu.memory_space<hbm>>
        tpu.wait_dma2 semaphore(%run_scoped3A : memref<!tpu.dma_semaphore, #tpu.memory_space<semaphore_mem>>) src(%dma_wait3A_543 : memref<40x64xi32, #tpu.memory_space<hbm>>) dst(%dma_wait3A_540 : memref<40x64xi32, #tpu.memory_space<vmem>>)
        tpu.yield
      }) : () -> ()
    } else {
    }
    %dma_start3A_447 = arith.constant 0 : i32
    %dma_start3A_448 = arith.constant 0 : i32
    %dma_start3A_449 = tpu.memref_slice %arg8[%dma_start3A_447, %dma_start3A_448] : memref<40x64xi32, #tpu.memory_space<vmem>> -> memref<1x64xi32, #tpu.memory_space<vmem>>
    %dma_start3A_450 = tpu.memref_squeeze %dma_start3A_449 : memref<1x64xi32, #tpu.memory_space<vmem>> -> memref<64xi32, #tpu.memory_space<vmem>>
    %dma_start3A_451 = arith.constant 0 : i32
    %dma_start3A_452 = arith.constant 0 : i32
    %dma_start3A_453 = tpu.memref_slice %arg2[%dma_start3A_451, %dma_start3A_452] : memref<10000x128xf32, #tpu.memory_space<hbm>> -> memref<10000x128xf32, #tpu.memory_space<hbm>>
    tpu.enqueue_indirect_dma source(%dma_start3A_453 : memref<10000x128xf32, #tpu.memory_space<hbm>>) target(%arg10 : memref<64x128xf32, #tpu.memory_space<vmem>>) offsets(%dma_start3A_450 : memref<64xi32, #tpu.memory_space<vmem>>) semaphore(%arg15 : memref<!tpu.dma_semaphore, #tpu.memory_space<semaphore_mem>>)
    %dma_start3A_454 = arith.constant 1 : i32
    %dma_start3A_455 = arith.constant 0 : i32
    %dma_start3A_456 = tpu.memref_slice %arg8[%dma_start3A_454, %dma_start3A_455] : memref<40x64xi32, #tpu.memory_space<vmem>> -> memref<1x64xi32, #tpu.memory_space<vmem>>
    %dma_start3A_457 = tpu.memref_squeeze %dma_start3A_456 : memref<1x64xi32, #tpu.memory_space<vmem>> -> memref<64xi32, #tpu.memory_space<vmem>>
    %dma_start3A_458 = arith.constant 0 : i32
    %dma_start3A_459 = arith.constant 0 : i32
    %dma_start3A_460 = tpu.memref_slice %arg2[%dma_start3A_458, %dma_start3A_459] : memref<10000x128xf32, #tpu.memory_space<hbm>> -> memref<10000x128xf32, #tpu.memory_space<hbm>>
    tpu.enqueue_indirect_dma source(%dma_start3A_460 : memref<10000x128xf32, #tpu.memory_space<hbm>>) target(%arg11 : memref<64x128xf32, #tpu.memory_space<vmem>>) offsets(%dma_start3A_457 : memref<64xi32, #tpu.memory_space<vmem>>) semaphore(%arg16 : memref<!tpu.dma_semaphore, #tpu.memory_space<semaphore_mem>>)
    %dma_start3A_461 = arith.constant 2 : i32
    %dma_start3A_462 = arith.constant 0 : i32
    %dma_start3A_463 = tpu.memref_slice %arg8[%dma_start3A_461, %dma_start3A_462] : memref<40x64xi32, #tpu.memory_space<vmem>> -> memref<1x64xi32, #tpu.memory_space<vmem>>
    %dma_start3A_464 = tpu.memref_squeeze %dma_start3A_463 : memref<1x64xi32, #tpu.memory_space<vmem>> -> memref<64xi32, #tpu.memory_space<vmem>>
    %dma_start3A_465 = arith.constant 0 : i32
    %dma_start3A_466 = arith.constant 0 : i32
    %dma_start3A_467 = tpu.memref_slice %arg2[%dma_start3A_465, %dma_start3A_466] : memref<10000x128xf32, #tpu.memory_space<hbm>> -> memref<10000x128xf32, #tpu.memory_space<hbm>>
    tpu.enqueue_indirect_dma source(%dma_start3A_467 : memref<10000x128xf32, #tpu.memory_space<hbm>>) target(%arg12 : memref<64x128xf32, #tpu.memory_space<vmem>>) offsets(%dma_start3A_464 : memref<64xi32, #tpu.memory_space<vmem>>) semaphore(%arg17 : memref<!tpu.dma_semaphore, #tpu.memory_space<semaphore_mem>>)
    %dma_start3A_468 = arith.constant 3 : i32
    %dma_start3A_469 = arith.constant 0 : i32
    %dma_start3A_470 = tpu.memref_slice %arg8[%dma_start3A_468, %dma_start3A_469] : memref<40x64xi32, #tpu.memory_space<vmem>> -> memref<1x64xi32, #tpu.memory_space<vmem>>
    %dma_start3A_471 = tpu.memref_squeeze %dma_start3A_470 : memref<1x64xi32, #tpu.memory_space<vmem>> -> memref<64xi32, #tpu.memory_space<vmem>>
    %dma_start3A_472 = arith.constant 0 : i32
    %dma_start3A_473 = arith.constant 0 : i32
    %dma_start3A_474 = tpu.memref_slice %arg2[%dma_start3A_472, %dma_start3A_473] : memref<10000x128xf32, #tpu.memory_space<hbm>> -> memref<10000x128xf32, #tpu.memory_space<hbm>>
    tpu.enqueue_indirect_dma source(%dma_start3A_474 : memref<10000x128xf32, #tpu.memory_space<hbm>>) target(%arg13 : memref<64x128xf32, #tpu.memory_space<vmem>>) offsets(%dma_start3A_471 : memref<64xi32, #tpu.memory_space<vmem>>) semaphore(%arg18 : memref<!tpu.dma_semaphore, #tpu.memory_space<semaphore_mem>>)
    %scan3A_475 = arith.constant 0 : i32
    %scan3A_476 = arith.constant 0 : i32
    %scan3A_477 = arith.constant 10 : i32
    %scan3A_478 = arith.addi %scan3A_476, %scan3A_477 : i32
    %scan3A_479 = arith.constant 1 : i32
    scf.for %scan3A_520 = %scan3A_476 to %scan3A_478 step %scan3A_479  : i32 {
      %mul3A_521 = arith.constant 4 : i32
      %mul3A_522 = arith.muli %mul3A_521, %scan3A_520 : i32
      %add3A_523 = arith.constant 0 : i32
      %add3A_524 = arith.addi %mul3A_522, %add3A_523 : i32
      %dma_wait3A_525 = arith.constant 0 : i32
      %dma_wait3A_526 = tpu.memref_slice %arg8[%add3A_524, %dma_wait3A_525] : memref<40x64xi32, #tpu.memory_space<vmem>> -> memref<1x64xi32, #tpu.memory_space<vmem>>
      %dma_wait3A_527 = tpu.memref_squeeze %dma_wait3A_526 : memref<1x64xi32, #tpu.memory_space<vmem>> -> memref<64xi32, #tpu.memory_space<vmem>>
      %dma_wait3A_528 = arith.constant 0 : i32
      %dma_wait3A_529 = arith.constant 0 : i32
      %dma_wait3A_530 = tpu.memref_slice %arg2[%dma_wait3A_528, %dma_wait3A_529] : memref<10000x128xf32, #tpu.memory_space<hbm>> -> memref<10000x128xf32, #tpu.memory_space<hbm>>
      tpu.wait_indirect_dma semaphore(%arg15 : memref<!tpu.dma_semaphore, #tpu.memory_space<semaphore_mem>>) src(%dma_wait3A_530 : memref<10000x128xf32, #tpu.memory_space<hbm>>) dst(%arg10 : memref<64x128xf32, #tpu.memory_space<vmem>>)
      %add3A_531 = arith.constant 0 : i32
      %add3A_532 = arith.addi %mul3A_522, %add3A_531 : i32
      %dma_start3A_533 = arith.constant 0 : i32
      %dma_start3A_534 = tpu.memref_slice %arg9[%add3A_532, %dma_start3A_533] : memref<40x64xi32, #tpu.memory_space<vmem>> -> memref<1x64xi32, #tpu.memory_space<vmem>>
      %dma_start3A_535 = tpu.memref_squeeze %dma_start3A_534 : memref<1x64xi32, #tpu.memory_space<vmem>> -> memref<64xi32, #tpu.memory_space<vmem>>
      %dma_start3A_536 = arith.constant 0 : i32
      %dma_start3A_537 = arith.constant 0 : i32
      %dma_start3A_538 = tpu.memref_slice %arg23[%dma_start3A_536, %dma_start3A_537] : memref<10240x128xf32, #tpu.memory_space<vmem_shared>> -> memref<10240x128xf32, #tpu.memory_space<vmem_shared>>
      tpu.enqueue_indirect_dma source(%arg10 : memref<64x128xf32, #tpu.memory_space<vmem>>) target(%dma_start3A_538 : memref<10240x128xf32, #tpu.memory_space<vmem_shared>>) offsets(%dma_start3A_535 : memref<64xi32, #tpu.memory_space<vmem>>) semaphore(%arg19 : memref<!tpu.dma_semaphore, #tpu.memory_space<semaphore_mem>>) {add = true}
      %add3A_539 = arith.constant 1 : i32
      %add3A_540 = arith.addi %mul3A_522, %add3A_539 : i32
      %dma_wait3A_541 = arith.constant 0 : i32
      %dma_wait3A_542 = tpu.memref_slice %arg8[%add3A_540, %dma_wait3A_541] : memref<40x64xi32, #tpu.memory_space<vmem>> -> memref<1x64xi32, #tpu.memory_space<vmem>>
      %dma_wait3A_543 = tpu.memref_squeeze %dma_wait3A_542 : memref<1x64xi32, #tpu.memory_space<vmem>> -> memref<64xi32, #tpu.memory_space<vmem>>
      %dma_wait3A_544 = arith.constant 0 : i32
      %dma_wait3A_545 = arith.constant 0 : i32
      %dma_wait3A_546 = tpu.memref_slice %arg2[%dma_wait3A_544, %dma_wait3A_545] : memref<10000x128xf32, #tpu.memory_space<hbm>> -> memref<10000x128xf32, #tpu.memory_space<hbm>>
      tpu.wait_indirect_dma semaphore(%arg16 : memref<!tpu.dma_semaphore, #tpu.memory_space<semaphore_mem>>) src(%dma_wait3A_546 : memref<10000x128xf32, #tpu.memory_space<hbm>>) dst(%arg11 : memref<64x128xf32, #tpu.memory_space<vmem>>)
      %add3A_547 = arith.constant 1 : i32
      %add3A_548 = arith.addi %mul3A_522, %add3A_547 : i32
      %dma_start3A_549 = arith.constant 0 : i32
      %dma_start3A_550 = tpu.memref_slice %arg9[%add3A_548, %dma_start3A_549] : memref<40x64xi32, #tpu.memory_space<vmem>> -> memref<1x64xi32, #tpu.memory_space<vmem>>
      %dma_start3A_551 = tpu.memref_squeeze %dma_start3A_550 : memref<1x64xi32, #tpu.memory_space<vmem>> -> memref<64xi32, #tpu.memory_space<vmem>>
      %dma_start3A_552 = arith.constant 0 : i32
      %dma_start3A_553 = arith.constant 0 : i32
      %dma_start3A_554 = tpu.memref_slice %arg23[%dma_start3A_552, %dma_start3A_553] : memref<10240x128xf32, #tpu.memory_space<vmem_shared>> -> memref<10240x128xf32, #tpu.memory_space<vmem_shared>>
      tpu.enqueue_indirect_dma source(%arg11 : memref<64x128xf32, #tpu.memory_space<vmem>>) target(%dma_start3A_554 : memref<10240x128xf32, #tpu.memory_space<vmem_shared>>) offsets(%dma_start3A_551 : memref<64xi32, #tpu.memory_space<vmem>>) semaphore(%arg20 : memref<!tpu.dma_semaphore, #tpu.memory_space<semaphore_mem>>) {add = true}
      %add3A_555 = arith.constant 2 : i32
      %add3A_556 = arith.addi %mul3A_522, %add3A_555 : i32
      %dma_wait3A_557 = arith.constant 0 : i32
      %dma_wait3A_558 = tpu.memref_slice %arg8[%add3A_556, %dma_wait3A_557] : memref<40x64xi32, #tpu.memory_space<vmem>> -> memref<1x64xi32, #tpu.memory_space<vmem>>
      %dma_wait3A_559 = tpu.memref_squeeze %dma_wait3A_558 : memref<1x64xi32, #tpu.memory_space<vmem>> -> memref<64xi32, #tpu.memory_space<vmem>>
      %dma_wait3A_560 = arith.constant 0 : i32
      %dma_wait3A_561 = arith.constant 0 : i32
      %dma_wait3A_562 = tpu.memref_slice %arg2[%dma_wait3A_560, %dma_wait3A_561] : memref<10000x128xf32, #tpu.memory_space<hbm>> -> memref<10000x128xf32, #tpu.memory_space<hbm>>
      tpu.wait_indirect_dma semaphore(%arg17 : memref<!tpu.dma_semaphore, #tpu.memory_space<semaphore_mem>>) src(%dma_wait3A_562 : memref<10000x128xf32, #tpu.memory_space<hbm>>) dst(%arg12 : memref<64x128xf32, #tpu.memory_space<vmem>>)
      %add3A_563 = arith.constant 2 : i32
      %add3A_564 = arith.addi %mul3A_522, %add3A_563 : i32
      %dma_start3A_565 = arith.constant 0 : i32
      %dma_start3A_566 = tpu.memref_slice %arg9[%add3A_564, %dma_start3A_565] : memref<40x64xi32, #tpu.memory_space<vmem>> -> memref<1x64xi32, #tpu.memory_space<vmem>>
      %dma_start3A_567 = tpu.memref_squeeze %dma_start3A_566 : memref<1x64xi32, #tpu.memory_space<vmem>> -> memref<64xi32, #tpu.memory_space<vmem>>
      %dma_start3A_568 = arith.constant 0 : i32
      %dma_start3A_569 = arith.constant 0 : i32
      %dma_start3A_570 = tpu.memref_slice %arg23[%dma_start3A_568, %dma_start3A_569] : memref<10240x128xf32, #tpu.memory_space<vmem_shared>> -> memref<10240x128xf32, #tpu.memory_space<vmem_shared>>
      tpu.enqueue_indirect_dma source(%arg12 : memref<64x128xf32, #tpu.memory_space<vmem>>) target(%dma_start3A_570 : memref<10240x128xf32, #tpu.memory_space<vmem_shared>>) offsets(%dma_start3A_567 : memref<64xi32, #tpu.memory_space<vmem>>) semaphore(%arg21 : memref<!tpu.dma_semaphore, #tpu.memory_space<semaphore_mem>>) {add = true}
      %add3A_571 = arith.constant 3 : i32
      %add3A_572 = arith.addi %mul3A_522, %add3A_571 : i32
      %dma_wait3A_573 = arith.constant 0 : i32
      %dma_wait3A_574 = tpu.memref_slice %arg8[%add3A_572, %dma_wait3A_573] : memref<40x64xi32, #tpu.memory_space<vmem>> -> memref<1x64xi32, #tpu.memory_space<vmem>>
      %dma_wait3A_575 = tpu.memref_squeeze %dma_wait3A_574 : memref<1x64xi32, #tpu.memory_space<vmem>> -> memref<64xi32, #tpu.memory_space<vmem>>
      %dma_wait3A_576 = arith.constant 0 : i32
      %dma_wait3A_577 = arith.constant 0 : i32
      %dma_wait3A_578 = tpu.memref_slice %arg2[%dma_wait3A_576, %dma_wait3A_577] : memref<10000x128xf32, #tpu.memory_space<hbm>> -> memref<10000x128xf32, #tpu.memory_space<hbm>>
      tpu.wait_indirect_dma semaphore(%arg18 : memref<!tpu.dma_semaphore, #tpu.memory_space<semaphore_mem>>) src(%dma_wait3A_578 : memref<10000x128xf32, #tpu.memory_space<hbm>>) dst(%arg13 : memref<64x128xf32, #tpu.memory_space<vmem>>)
      %add3A_579 = arith.constant 3 : i32
      %add3A_580 = arith.addi %mul3A_522, %add3A_579 : i32
      %dma_start3A_581 = arith.constant 0 : i32
      %dma_start3A_582 = tpu.memref_slice %arg9[%add3A_580, %dma_start3A_581] : memref<40x64xi32, #tpu.memory_space<vmem>> -> memref<1x64xi32, #tpu.memory_space<vmem>>
      %dma_start3A_583 = tpu.memref_squeeze %dma_start3A_582 : memref<1x64xi32, #tpu.memory_space<vmem>> -> memref<64xi32, #tpu.memory_space<vmem>>
      %dma_start3A_584 = arith.constant 0 : i32
      %dma_start3A_585 = arith.constant 0 : i32
      %dma_start3A_586 = tpu.memref_slice %arg23[%dma_start3A_584, %dma_start3A_585] : memref<10240x128xf32, #tpu.memory_space<vmem_shared>> -> memref<10240x128xf32, #tpu.memory_space<vmem_shared>>
      tpu.enqueue_indirect_dma source(%arg13 : memref<64x128xf32, #tpu.memory_space<vmem>>) target(%dma_start3A_586 : memref<10240x128xf32, #tpu.memory_space<vmem_shared>>) offsets(%dma_start3A_583 : memref<64xi32, #tpu.memory_space<vmem>>) semaphore(%arg22 : memref<!tpu.dma_semaphore, #tpu.memory_space<semaphore_mem>>) {add = true}
      %lt3A_587 = arith.constant 9 : i32
      %lt3A_588 = arith.cmpi slt, %scan3A_520, %lt3A_587 : i32
      %convert_element_type3A_589 = arith.extui %lt3A_588 : i1 to i32
      %cond3A_590 = arith.constant 0 : i32
      %cond3A_591 = arith.cmpi ne, %convert_element_type3A_589, %cond3A_590 : i32
      scf.if %cond3A_591 {
        %add3A_592 = arith.constant 0 : i32
        %add3A_593 = arith.addi %mul3A_522, %add3A_592 : i32
        %dma_wait3A_594 = arith.constant 0 : i32
        %dma_wait3A_595 = tpu.memref_slice %arg9[%add3A_593, %dma_wait3A_594] : memref<40x64xi32, #tpu.memory_space<vmem>> -> memref<1x64xi32, #tpu.memory_space<vmem>>
        %dma_wait3A_596 = tpu.memref_squeeze %dma_wait3A_595 : memref<1x64xi32, #tpu.memory_space<vmem>> -> memref<64xi32, #tpu.memory_space<vmem>>
        %dma_wait3A_597 = arith.constant 0 : i32
        %dma_wait3A_598 = arith.constant 0 : i32
        %dma_wait3A_599 = tpu.memref_slice %arg23[%dma_wait3A_597, %dma_wait3A_598] : memref<10240x128xf32, #tpu.memory_space<vmem_shared>> -> memref<10240x128xf32, #tpu.memory_space<vmem_shared>>
        tpu.wait_indirect_dma semaphore(%arg19 : memref<!tpu.dma_semaphore, #tpu.memory_space<semaphore_mem>>) src(%arg10 : memref<64x128xf32, #tpu.memory_space<vmem>>) dst(%dma_wait3A_599 : memref<10240x128xf32, #tpu.memory_space<vmem_shared>>)
        %add3A_600 = arith.constant 4 : i32
        %add3A_601 = arith.addi %mul3A_522, %add3A_600 : i32
        %add3A_602 = arith.constant 0 : i32
        %add3A_603 = arith.addi %add3A_601, %add3A_602 : i32
        %dma_start3A_604 = arith.constant 0 : i32
        %dma_start3A_605 = tpu.memref_slice %arg8[%add3A_603, %dma_start3A_604] : memref<40x64xi32, #tpu.memory_space<vmem>> -> memref<1x64xi32, #tpu.memory_space<vmem>>
        %dma_start3A_606 = tpu.memref_squeeze %dma_start3A_605 : memref<1x64xi32, #tpu.memory_space<vmem>> -> memref<64xi32, #tpu.memory_space<vmem>>
        %dma_start3A_607 = arith.constant 0 : i32
        %dma_start3A_608 = arith.constant 0 : i32
        %dma_start3A_609 = tpu.memref_slice %arg2[%dma_start3A_607, %dma_start3A_608] : memref<10000x128xf32, #tpu.memory_space<hbm>> -> memref<10000x128xf32, #tpu.memory_space<hbm>>
        tpu.enqueue_indirect_dma source(%dma_start3A_609 : memref<10000x128xf32, #tpu.memory_space<hbm>>) target(%arg10 : memref<64x128xf32, #tpu.memory_space<vmem>>) offsets(%dma_start3A_606 : memref<64xi32, #tpu.memory_space<vmem>>) semaphore(%arg15 : memref<!tpu.dma_semaphore, #tpu.memory_space<semaphore_mem>>)
        %add3A_610 = arith.constant 1 : i32
        %add3A_611 = arith.addi %mul3A_522, %add3A_610 : i32
        %dma_wait3A_612 = arith.constant 0 : i32
        %dma_wait3A_613 = tpu.memref_slice %arg9[%add3A_611, %dma_wait3A_612] : memref<40x64xi32, #tpu.memory_space<vmem>> -> memref<1x64xi32, #tpu.memory_space<vmem>>
        %dma_wait3A_614 = tpu.memref_squeeze %dma_wait3A_613 : memref<1x64xi32, #tpu.memory_space<vmem>> -> memref<64xi32, #tpu.memory_space<vmem>>
        %dma_wait3A_615 = arith.constant 0 : i32
        %dma_wait3A_616 = arith.constant 0 : i32
        %dma_wait3A_617 = tpu.memref_slice %arg23[%dma_wait3A_615, %dma_wait3A_616] : memref<10240x128xf32, #tpu.memory_space<vmem_shared>> -> memref<10240x128xf32, #tpu.memory_space<vmem_shared>>
        tpu.wait_indirect_dma semaphore(%arg20 : memref<!tpu.dma_semaphore, #tpu.memory_space<semaphore_mem>>) src(%arg11 : memref<64x128xf32, #tpu.memory_space<vmem>>) dst(%dma_wait3A_617 : memref<10240x128xf32, #tpu.memory_space<vmem_shared>>)
        %add3A_618 = arith.constant 4 : i32
        %add3A_619 = arith.addi %mul3A_522, %add3A_618 : i32
        %add3A_620 = arith.constant 1 : i32
        %add3A_621 = arith.addi %add3A_619, %add3A_620 : i32
        %dma_start3A_622 = arith.constant 0 : i32
        %dma_start3A_623 = tpu.memref_slice %arg8[%add3A_621, %dma_start3A_622] : memref<40x64xi32, #tpu.memory_space<vmem>> -> memref<1x64xi32, #tpu.memory_space<vmem>>
        %dma_start3A_624 = tpu.memref_squeeze %dma_start3A_623 : memref<1x64xi32, #tpu.memory_space<vmem>> -> memref<64xi32, #tpu.memory_space<vmem>>
        %dma_start3A_625 = arith.constant 0 : i32
        %dma_start3A_626 = arith.constant 0 : i32
        %dma_start3A_627 = tpu.memref_slice %arg2[%dma_start3A_625, %dma_start3A_626] : memref<10000x128xf32, #tpu.memory_space<hbm>> -> memref<10000x128xf32, #tpu.memory_space<hbm>>
        tpu.enqueue_indirect_dma source(%dma_start3A_627 : memref<10000x128xf32, #tpu.memory_space<hbm>>) target(%arg11 : memref<64x128xf32, #tpu.memory_space<vmem>>) offsets(%dma_start3A_624 : memref<64xi32, #tpu.memory_space<vmem>>) semaphore(%arg16 : memref<!tpu.dma_semaphore, #tpu.memory_space<semaphore_mem>>)
        %add3A_628 = arith.constant 2 : i32
        %add3A_629 = arith.addi %mul3A_522, %add3A_628 : i32
        %dma_wait3A_630 = arith.constant 0 : i32
        %dma_wait3A_631 = tpu.memref_slice %arg9[%add3A_629, %dma_wait3A_630] : memref<40x64xi32, #tpu.memory_space<vmem>> -> memref<1x64xi32, #tpu.memory_space<vmem>>
        %dma_wait3A_632 = tpu.memref_squeeze %dma_wait3A_631 : memref<1x64xi32, #tpu.memory_space<vmem>> -> memref<64xi32, #tpu.memory_space<vmem>>
        %dma_wait3A_633 = arith.constant 0 : i32
        %dma_wait3A_634 = arith.constant 0 : i32
        %dma_wait3A_635 = tpu.memref_slice %arg23[%dma_wait3A_633, %dma_wait3A_634] : memref<10240x128xf32, #tpu.memory_space<vmem_shared>> -> memref<10240x128xf32, #tpu.memory_space<vmem_shared>>
        tpu.wait_indirect_dma semaphore(%arg21 : memref<!tpu.dma_semaphore, #tpu.memory_space<semaphore_mem>>) src(%arg12 : memref<64x128xf32, #tpu.memory_space<vmem>>) dst(%dma_wait3A_635 : memref<10240x128xf32, #tpu.memory_space<vmem_shared>>)
        %add3A_636 = arith.constant 4 : i32
        %add3A_637 = arith.addi %mul3A_522, %add3A_636 : i32
        %add3A_638 = arith.constant 2 : i32
        %add3A_639 = arith.addi %add3A_637, %add3A_638 : i32
        %dma_start3A_640 = arith.constant 0 : i32
        %dma_start3A_641 = tpu.memref_slice %arg8[%add3A_639, %dma_start3A_640] : memref<40x64xi32, #tpu.memory_space<vmem>> -> memref<1x64xi32, #tpu.memory_space<vmem>>
        %dma_start3A_642 = tpu.memref_squeeze %dma_start3A_641 : memref<1x64xi32, #tpu.memory_space<vmem>> -> memref<64xi32, #tpu.memory_space<vmem>>
        %dma_start3A_643 = arith.constant 0 : i32
        %dma_start3A_644 = arith.constant 0 : i32
        %dma_start3A_645 = tpu.memref_slice %arg2[%dma_start3A_643, %dma_start3A_644] : memref<10000x128xf32, #tpu.memory_space<hbm>> -> memref<10000x128xf32, #tpu.memory_space<hbm>>
        tpu.enqueue_indirect_dma source(%dma_start3A_645 : memref<10000x128xf32, #tpu.memory_space<hbm>>) target(%arg12 : memref<64x128xf32, #tpu.memory_space<vmem>>) offsets(%dma_start3A_642 : memref<64xi32, #tpu.memory_space<vmem>>) semaphore(%arg17 : memref<!tpu.dma_semaphore, #tpu.memory_space<semaphore_mem>>)
        %add3A_646 = arith.constant 3 : i32
        %add3A_647 = arith.addi %mul3A_522, %add3A_646 : i32
        %dma_wait3A_648 = arith.constant 0 : i32
        %dma_wait3A_649 = tpu.memref_slice %arg9[%add3A_647, %dma_wait3A_648] : memref<40x64xi32, #tpu.memory_space<vmem>> -> memref<1x64xi32, #tpu.memory_space<vmem>>
        %dma_wait3A_650 = tpu.memref_squeeze %dma_wait3A_649 : memref<1x64xi32, #tpu.memory_space<vmem>> -> memref<64xi32, #tpu.memory_space<vmem>>
        %dma_wait3A_651 = arith.constant 0 : i32
        %dma_wait3A_652 = arith.constant 0 : i32
        %dma_wait3A_653 = tpu.memref_slice %arg23[%dma_wait3A_651, %dma_wait3A_652] : memref<10240x128xf32, #tpu.memory_space<vmem_shared>> -> memref<10240x128xf32, #tpu.memory_space<vmem_shared>>
        tpu.wait_indirect_dma semaphore(%arg22 : memref<!tpu.dma_semaphore, #tpu.memory_space<semaphore_mem>>) src(%arg13 : memref<64x128xf32, #tpu.memory_space<vmem>>) dst(%dma_wait3A_653 : memref<10240x128xf32, #tpu.memory_space<vmem_shared>>)
        %add3A_654 = arith.constant 4 : i32
        %add3A_655 = arith.addi %mul3A_522, %add3A_654 : i32
        %add3A_656 = arith.constant 3 : i32
        %add3A_657 = arith.addi %add3A_655, %add3A_656 : i32
        %dma_start3A_658 = arith.constant 0 : i32
        %dma_start3A_659 = tpu.memref_slice %arg8[%add3A_657, %dma_start3A_658] : memref<40x64xi32, #tpu.memory_space<vmem>> -> memref<1x64xi32, #tpu.memory_space<vmem>>
        %dma_start3A_660 = tpu.memref_squeeze %dma_start3A_659 : memref<1x64xi32, #tpu.memory_space<vmem>> -> memref<64xi32, #tpu.memory_space<vmem>>
        %dma_start3A_661 = arith.constant 0 : i32
        %dma_start3A_662 = arith.constant 0 : i32
        %dma_start3A_663 = tpu.memref_slice %arg2[%dma_start3A_661, %dma_start3A_662] : memref<10000x128xf32, #tpu.memory_space<hbm>> -> memref<10000x128xf32, #tpu.memory_space<hbm>>
        tpu.enqueue_indirect_dma source(%dma_start3A_663 : memref<10000x128xf32, #tpu.memory_space<hbm>>) target(%arg13 : memref<64x128xf32, #tpu.memory_space<vmem>>) offsets(%dma_start3A_660 : memref<64xi32, #tpu.memory_space<vmem>>) semaphore(%arg18 : memref<!tpu.dma_semaphore, #tpu.memory_space<semaphore_mem>>)
      } else {
      }
    }
    %scan3A_480 = arith.constant 10 : i32
    %dma_wait3A_481 = arith.constant 36 : i32
    %dma_wait3A_482 = arith.constant 0 : i32
    %dma_wait3A_483 = tpu.memref_slice %arg9[%dma_wait3A_481, %dma_wait3A_482] : memref<40x64xi32, #tpu.memory_space<vmem>> -> memref<1x64xi32, #tpu.memory_space<vmem>>
    %dma_wait3A_484 = tpu.memref_squeeze %dma_wait3A_483 : memref<1x64xi32, #tpu.memory_space<vmem>> -> memref<64xi32, #tpu.memory_space<vmem>>
    %dma_wait3A_485 = arith.constant 0 : i32
    %dma_wait3A_486 = arith.constant 0 : i32
    %dma_wait3A_487 = tpu.memref_slice %arg23[%dma_wait3A_485, %dma_wait3A_486] : memref<10240x128xf32, #tpu.memory_space<vmem_shared>> -> memref<10240x128xf32, #tpu.memory_space<vmem_shared>>
    tpu.wait_indirect_dma semaphore(%arg19 : memref<!tpu.dma_semaphore, #tpu.memory_space<semaphore_mem>>) src(%arg10 : memref<64x128xf32, #tpu.memory_space<vmem>>) dst(%dma_wait3A_487 : memref<10240x128xf32, #tpu.memory_space<vmem_shared>>)
    %dma_wait3A_488 = arith.constant 37 : i32
    %dma_wait3A_489 = arith.constant 0 : i32
    %dma_wait3A_490 = tpu.memref_slice %arg9[%dma_wait3A_488, %dma_wait3A_489] : memref<40x64xi32, #tpu.memory_space<vmem>> -> memref<1x64xi32, #tpu.memory_space<vmem>>
    %dma_wait3A_491 = tpu.memref_squeeze %dma_wait3A_490 : memref<1x64xi32, #tpu.memory_space<vmem>> -> memref<64xi32, #tpu.memory_space<vmem>>
    %dma_wait3A_492 = arith.constant 0 : i32
    %dma_wait3A_493 = arith.constant 0 : i32
    %dma_wait3A_494 = tpu.memref_slice %arg23[%dma_wait3A_492, %dma_wait3A_493] : memref<10240x128xf32, #tpu.memory_space<vmem_shared>> -> memref<10240x128xf32, #tpu.memory_space<vmem_shared>>
    tpu.wait_indirect_dma semaphore(%arg20 : memref<!tpu.dma_semaphore, #tpu.memory_space<semaphore_mem>>) src(%arg11 : memref<64x128xf32, #tpu.memory_space<vmem>>) dst(%dma_wait3A_494 : memref<10240x128xf32, #tpu.memory_space<vmem_shared>>)
    %dma_wait3A_495 = arith.constant 38 : i32
    %dma_wait3A_496 = arith.constant 0 : i32
    %dma_wait3A_497 = tpu.memref_slice %arg9[%dma_wait3A_495, %dma_wait3A_496] : memref<40x64xi32, #tpu.memory_space<vmem>> -> memref<1x64xi32, #tpu.memory_space<vmem>>
    %dma_wait3A_498 = tpu.memref_squeeze %dma_wait3A_497 : memref<1x64xi32, #tpu.memory_space<vmem>> -> memref<64xi32, #tpu.memory_space<vmem>>
    %dma_wait3A_499 = arith.constant 0 : i32
    %dma_wait3A_500 = arith.constant 0 : i32
    %dma_wait3A_501 = tpu.memref_slice %arg23[%dma_wait3A_499, %dma_wait3A_500] : memref<10240x128xf32, #tpu.memory_space<vmem_shared>> -> memref<10240x128xf32, #tpu.memory_space<vmem_shared>>
    tpu.wait_indirect_dma semaphore(%arg21 : memref<!tpu.dma_semaphore, #tpu.memory_space<semaphore_mem>>) src(%arg12 : memref<64x128xf32, #tpu.memory_space<vmem>>) dst(%dma_wait3A_501 : memref<10240x128xf32, #tpu.memory_space<vmem_shared>>)
    %dma_wait3A_502 = arith.constant 39 : i32
    %dma_wait3A_503 = arith.constant 0 : i32
    %dma_wait3A_504 = tpu.memref_slice %arg9[%dma_wait3A_502, %dma_wait3A_503] : memref<40x64xi32, #tpu.memory_space<vmem>> -> memref<1x64xi32, #tpu.memory_space<vmem>>
    %dma_wait3A_505 = tpu.memref_squeeze %dma_wait3A_504 : memref<1x64xi32, #tpu.memory_space<vmem>> -> memref<64xi32, #tpu.memory_space<vmem>>
    %dma_wait3A_506 = arith.constant 0 : i32
    %dma_wait3A_507 = arith.constant 0 : i32
    %dma_wait3A_508 = tpu.memref_slice %arg23[%dma_wait3A_506, %dma_wait3A_507] : memref<10240x128xf32, #tpu.memory_space<vmem_shared>> -> memref<10240x128xf32, #tpu.memory_space<vmem_shared>>
    tpu.wait_indirect_dma semaphore(%arg22 : memref<!tpu.dma_semaphore, #tpu.memory_space<semaphore_mem>>) src(%arg13 : memref<64x128xf32, #tpu.memory_space<vmem>>) dst(%dma_wait3A_508 : memref<10240x128xf32, #tpu.memory_space<vmem_shared>>)
    %barrier3A_509 = arith.constant 0 : index
    tpu.barrier barrier_id(%barrier3A_509)
    %eq3A_510 = arith.constant 0 : i32
    %eq3A_511 = arith.cmpi eq, %arg0, %eq3A_510 : i32
    %convert_element_type3A_512 = arith.extui %eq3A_511 : i1 to i32
    %cond3A_513 = arith.constant 0 : i32
    %cond3A_514 = arith.cmpi ne, %convert_element_type3A_512, %cond3A_513 : i32
    scf.if %cond3A_514 {
      %mul3A_520 = arith.constant 640 : i32
      %mul3A_521 = arith.muli %arg1, %mul3A_520 : i32
      %mul3A_522 = arith.constant 640 : i32
      %mul3A_523 = arith.muli %arg1, %mul3A_522 : i32
      "tpu.region"() ({
        %run_scoped3A = tpu.sem_alloc : memref<!tpu.dma_semaphore, #tpu.memory_space<semaphore_mem>>
        %dma_start3A_524 = arith.constant 0 : i32
        %dma_start3A_525 = tpu.memref_slice %arg6[%mul3A_523, %dma_start3A_524] : memref<10240x128xf32, #tpu.memory_space<hbm>> -> memref<640x128xf32, #tpu.memory_space<hbm>>
        %dma_start3A_526 = arith.constant 0 : i32
        %dma_start3A_527 = tpu.memref_slice %arg23[%mul3A_521, %dma_start3A_526] : memref<10240x128xf32, #tpu.memory_space<vmem_shared>> -> memref<640x128xf32, #tpu.memory_space<vmem_shared>>
        tpu.enqueue_dma source(%dma_start3A_527 : memref<640x128xf32, #tpu.memory_space<vmem_shared>>) target(%dma_start3A_525 : memref<640x128xf32, #tpu.memory_space<hbm>>) target_semaphore(%run_scoped3A : memref<!tpu.dma_semaphore, #tpu.memory_space<semaphore_mem>>)
        %dma_wait3A_528 = arith.constant 0 : i32
        %dma_wait3A_529 = tpu.memref_slice %arg6[%mul3A_523, %dma_wait3A_528] : memref<10240x128xf32, #tpu.memory_space<hbm>> -> memref<640x128xf32, #tpu.memory_space<hbm>>
        %dma_wait3A_530 = arith.constant 0 : i32
        %dma_wait3A_531 = tpu.memref_slice %arg23[%mul3A_521, %dma_wait3A_530] : memref<10240x128xf32, #tpu.memory_space<vmem_shared>> -> memref<640x128xf32, #tpu.memory_space<vmem_shared>>
        tpu.wait_dma2 semaphore(%run_scoped3A : memref<!tpu.dma_semaphore, #tpu.memory_space<semaphore_mem>>) src(%dma_wait3A_531 : memref<640x128xf32, #tpu.memory_space<vmem_shared>>) dst(%dma_wait3A_529 : memref<640x128xf32, #tpu.memory_space<hbm>>)
        tpu.yield
      }) : () -> ()
    } else {
    }
    %eq3A_515 = arith.constant 1 : i32
    %eq3A_516 = arith.cmpi eq, %arg0, %eq3A_515 : i32
    %convert_element_type3A_517 = arith.extui %eq3A_516 : i1 to i32
    %cond3A_518 = arith.constant 0 : i32
    %cond3A_519 = arith.cmpi ne, %convert_element_type3A_517, %cond3A_518 : i32
    scf.if %cond3A_519 {
      %mul3A_520 = arith.constant 640 : i32
      %mul3A_521 = arith.muli %arg1, %mul3A_520 : i32
      %mul3A_522 = arith.constant 640 : i32
      %mul3A_523 = arith.muli %arg1, %mul3A_522 : i32
      "tpu.region"() ({
        %run_scoped3A = tpu.sem_alloc : memref<!tpu.dma_semaphore, #tpu.memory_space<semaphore_mem>>
        %dma_start3A_524 = arith.constant 0 : i32
        %dma_start3A_525 = tpu.memref_slice %arg7[%mul3A_523, %dma_start3A_524] : memref<10240x128xf32, #tpu.memory_space<hbm>> -> memref<640x128xf32, #tpu.memory_space<hbm>>
        %dma_start3A_526 = arith.constant 0 : i32
        %dma_start3A_527 = tpu.memref_slice %arg23[%mul3A_521, %dma_start3A_526] : memref<10240x128xf32, #tpu.memory_space<vmem_shared>> -> memref<640x128xf32, #tpu.memory_space<vmem_shared>>
        tpu.enqueue_dma source(%dma_start3A_527 : memref<640x128xf32, #tpu.memory_space<vmem_shared>>) target(%dma_start3A_525 : memref<640x128xf32, #tpu.memory_space<hbm>>) target_semaphore(%run_scoped3A : memref<!tpu.dma_semaphore, #tpu.memory_space<semaphore_mem>>)
        %dma_wait3A_528 = arith.constant 0 : i32
        %dma_wait3A_529 = tpu.memref_slice %arg7[%mul3A_523, %dma_wait3A_528] : memref<10240x128xf32, #tpu.memory_space<hbm>> -> memref<640x128xf32, #tpu.memory_space<hbm>>
        %dma_wait3A_530 = arith.constant 0 : i32
        %dma_wait3A_531 = tpu.memref_slice %arg23[%mul3A_521, %dma_wait3A_530] : memref<10240x128xf32, #tpu.memory_space<vmem_shared>> -> memref<640x128xf32, #tpu.memory_space<vmem_shared>>
        tpu.wait_dma2 semaphore(%run_scoped3A : memref<!tpu.dma_semaphore, #tpu.memory_space<semaphore_mem>>) src(%dma_wait3A_531 : memref<640x128xf32, #tpu.memory_space<vmem_shared>>) dst(%dma_wait3A_529 : memref<640x128xf32, #tpu.memory_space<hbm>>)
        tpu.yield
      }) : () -> ()
    } else {
    }
    return
  }
}

module attributes {stable_mosaic.version = 14 : i64} {
  func.func @body(%arg0: i32, %arg1: memref<2048x128xf32, #tpu.memory_space<vmem>>, %arg2: memref<2048x128xf32, #tpu.memory_space<vmem>>, %arg3: memref<2048x128xf32, #tpu.memory_space<vmem>>, %arg4: memref<128x128xf32, #tpu.memory_space<vmem>>, %arg5: memref<128xf32, #tpu.memory_space<vmem>>, %arg6: memref<128xf32, #tpu.memory_space<vmem>>, %arg7: memref<128xf32, #tpu.memory_space<vmem>>, %arg8: memref<128x128xf32, #tpu.memory_space<vmem>>, %arg9: memref<128xf32, #tpu.memory_space<vmem>>, %arg10: memref<128xf32, #tpu.memory_space<vmem>>, %arg11: memref<128xf32, #tpu.memory_space<vmem>>, %arg12: memref<128x128xf32, #tpu.memory_space<vmem>>, %arg13: memref<128xf32, #tpu.memory_space<vmem>>, %arg14: memref<128xf32, #tpu.memory_space<vmem>>, %arg15: memref<128xf32, #tpu.memory_space<vmem>>, %arg16: memref<128x128xf32, #tpu.memory_space<vmem>>, %arg17: memref<128xf32, #tpu.memory_space<vmem>>, %arg18: memref<128x128xf32, #tpu.memory_space<vmem>>, %arg19: memref<128xf32, #tpu.memory_space<vmem>>, %arg20: memref<2048x128xf32, #tpu.memory_space<vmem>>, %arg21: memref<2048x128xf32, #tpu.memory_space<vmem>>) attributes {dimension_semantics = [#tpu.dimension_semantics<arbitrary>], iteration_bounds = array<i64: 5>, scalar_prefetch = 0 : i64, scratch_operands = 0 : i64, tpu.core_type = #tpu.core_type<tc>, window_params = [{transform_indices = @transform_0, window_bounds = array<i64: 2048, 128>}, {transform_indices = @transform_1, window_bounds = array<i64: 2048, 128>}, {transform_indices = @transform_2, window_bounds = array<i64: 2048, 128>}, {pipeline_mode = #tpu.pipeline_mode<synchronous>, transform_indices = @transform_3, window_bounds = array<i64: 128, 128>}, {pipeline_mode = #tpu.pipeline_mode<synchronous>, transform_indices = @transform_4, window_bounds = array<i64: 128>}, {pipeline_mode = #tpu.pipeline_mode<synchronous>, transform_indices = @transform_5, window_bounds = array<i64: 128>}, {pipeline_mode = #tpu.pipeline_mode<synchronous>, transform_indices = @transform_6, window_bounds = array<i64: 128>}, {pipeline_mode = #tpu.pipeline_mode<synchronous>, transform_indices = @transform_7, window_bounds = array<i64: 128, 128>}, {pipeline_mode = #tpu.pipeline_mode<synchronous>, transform_indices = @transform_8, window_bounds = array<i64: 128>}, {pipeline_mode = #tpu.pipeline_mode<synchronous>, transform_indices = @transform_9, window_bounds = array<i64: 128>}, {pipeline_mode = #tpu.pipeline_mode<synchronous>, transform_indices = @transform_10, window_bounds = array<i64: 128>}, {pipeline_mode = #tpu.pipeline_mode<synchronous>, transform_indices = @transform_11, window_bounds = array<i64: 128, 128>}, {pipeline_mode = #tpu.pipeline_mode<synchronous>, transform_indices = @transform_12, window_bounds = array<i64: 128>}, {pipeline_mode = #tpu.pipeline_mode<synchronous>, transform_indices = @transform_13, window_bounds = array<i64: 128>}, {pipeline_mode = #tpu.pipeline_mode<synchronous>, transform_indices = @transform_14, window_bounds = array<i64: 128>}, {pipeline_mode = #tpu.pipeline_mode<synchronous>, transform_indices = @transform_15, window_bounds = array<i64: 128, 128>}, {pipeline_mode = #tpu.pipeline_mode<synchronous>, transform_indices = @transform_16, window_bounds = array<i64: 128>}, {pipeline_mode = #tpu.pipeline_mode<synchronous>, transform_indices = @transform_17, window_bounds = array<i64: 128, 128>}, {pipeline_mode = #tpu.pipeline_mode<synchronous>, transform_indices = @transform_18, window_bounds = array<i64: 128>}, {transform_indices = @transform_19, window_bounds = array<i64: 2048, 128>}, {transform_indices = @transform_20, window_bounds = array<i64: 2048, 128>}]} {
    %get3A = arith.constant 0 : index
    %get3A_0 = arith.constant 0 : index
    %get3A_1 = vector.load %arg1[%get3A, %get3A_0] : memref<2048x128xf32, #tpu.memory_space<vmem>>, vector<2048x128xf32>
    %get3A_2 = arith.constant 0 : index
    %get3A_3 = arith.constant 0 : index
    %get3A_4 = vector.load %arg2[%get3A_2, %get3A_3] : memref<2048x128xf32, #tpu.memory_space<vmem>>, vector<2048x128xf32>
    %add3A = arith.addf %get3A_1, %get3A_4 : vector<2048x128xf32>
    %get3A_5 = arith.constant 0 : index
    %get3A_6 = arith.constant 0 : index
    %get3A_7 = vector.load %arg3[%get3A_5, %get3A_6] : memref<2048x128xf32, #tpu.memory_space<vmem>>, vector<2048x128xf32>
    %add3A_8 = arith.addf %add3A, %get3A_7 : vector<2048x128xf32>
    %get3A_9 = arith.constant 0 : index
    %get3A_10 = vector.load %arg6[%get3A_9] : memref<128xf32, #tpu.memory_space<vmem>>, vector<128xf32>
    %mul3A = arith.constant 0.999500393 : f32
    %mul3A_11 = vector.broadcast %mul3A : f32 to vector<128xf32>
    %mul3A_12 = arith.mulf %get3A_10, %mul3A_11 : vector<128xf32>
    %get3A_13 = arith.constant 0 : index
    %get3A_14 = arith.constant 0 : index
    %get3A_15 = vector.load %arg4[%get3A_13, %get3A_14] : memref<128x128xf32, #tpu.memory_space<vmem>>, vector<128x128xf32>
    %dot_general3A = arith.constant dense<0.000000e+00> : vector<2048x128xf32>
    %dot_general3A_16 = tpu.matmul %add3A_8, %get3A_15, %dot_general3A {dimension_numbers = #tpu.dot_dimension_numbers<[1], [0], [0], [1], [0, 0, 1, 1], [], []>, transpose_lhs_hint = false} : vector<2048x128xf32>, vector<128x128xf32>, vector<2048x128xf32> -> vector<2048x128xf32>
    %broadcast_in_dim3A = vector.shape_cast %mul3A_12 : vector<128xf32> to vector<1x128xf32>
    %mul3A_17 = vector.broadcast %broadcast_in_dim3A : vector<1x128xf32> to vector<2048x128xf32>
    %mul3A_18 = arith.mulf %dot_general3A_16, %mul3A_17 : vector<2048x128xf32>
    %get3A_19 = arith.constant 0 : index
    %get3A_20 = vector.load %arg5[%get3A_19] : memref<128xf32, #tpu.memory_space<vmem>>, vector<128xf32>
    %mul3A_21 = arith.mulf %get3A_20, %mul3A_12 : vector<128xf32>
    %get3A_22 = arith.constant 0 : index
    %get3A_23 = vector.load %arg7[%get3A_22] : memref<128xf32, #tpu.memory_space<vmem>>, vector<128xf32>
    %add3A_24 = arith.addf %mul3A_21, %get3A_23 : vector<128xf32>
    %broadcast_in_dim3A_25 = vector.shape_cast %add3A_24 : vector<128xf32> to vector<1x128xf32>
    %add3A_26 = vector.broadcast %broadcast_in_dim3A_25 : vector<1x128xf32> to vector<2048x128xf32>
    %add3A_27 = arith.addf %mul3A_18, %add3A_26 : vector<2048x128xf32>
    %max3A = arith.constant 0.000000e+00 : f32
    %max3A_28 = vector.broadcast %max3A : f32 to vector<2048x128xf32>
    %max3A_29 = arith.maximumf %add3A_27, %max3A_28 : vector<2048x128xf32>
    %get3A_30 = arith.constant 0 : index
    %get3A_31 = vector.load %arg10[%get3A_30] : memref<128xf32, #tpu.memory_space<vmem>>, vector<128xf32>
    %mul3A_32 = arith.constant 0.999500393 : f32
    %mul3A_33 = vector.broadcast %mul3A_32 : f32 to vector<128xf32>
    %mul3A_34 = arith.mulf %get3A_31, %mul3A_33 : vector<128xf32>
    %get3A_35 = arith.constant 0 : index
    %get3A_36 = arith.constant 0 : index
    %get3A_37 = vector.load %arg8[%get3A_35, %get3A_36] : memref<128x128xf32, #tpu.memory_space<vmem>>, vector<128x128xf32>
    %dot_general3A_38 = arith.constant dense<0.000000e+00> : vector<2048x128xf32>
    %dot_general3A_39 = tpu.matmul %max3A_29, %get3A_37, %dot_general3A_38 {dimension_numbers = #tpu.dot_dimension_numbers<[1], [0], [0], [1], [0, 0, 1, 1], [], []>, transpose_lhs_hint = false} : vector<2048x128xf32>, vector<128x128xf32>, vector<2048x128xf32> -> vector<2048x128xf32>
    %broadcast_in_dim3A_40 = vector.shape_cast %mul3A_34 : vector<128xf32> to vector<1x128xf32>
    %mul3A_41 = vector.broadcast %broadcast_in_dim3A_40 : vector<1x128xf32> to vector<2048x128xf32>
    %mul3A_42 = arith.mulf %dot_general3A_39, %mul3A_41 : vector<2048x128xf32>
    %get3A_43 = arith.constant 0 : index
    %get3A_44 = vector.load %arg9[%get3A_43] : memref<128xf32, #tpu.memory_space<vmem>>, vector<128xf32>
    %mul3A_45 = arith.mulf %get3A_44, %mul3A_34 : vector<128xf32>
    %get3A_46 = arith.constant 0 : index
    %get3A_47 = vector.load %arg11[%get3A_46] : memref<128xf32, #tpu.memory_space<vmem>>, vector<128xf32>
    %add3A_48 = arith.addf %mul3A_45, %get3A_47 : vector<128xf32>
    %broadcast_in_dim3A_49 = vector.shape_cast %add3A_48 : vector<128xf32> to vector<1x128xf32>
    %add3A_50 = vector.broadcast %broadcast_in_dim3A_49 : vector<1x128xf32> to vector<2048x128xf32>
    %add3A_51 = arith.addf %mul3A_42, %add3A_50 : vector<2048x128xf32>
    %max3A_52 = arith.constant 0.000000e+00 : f32
    %max3A_53 = vector.broadcast %max3A_52 : f32 to vector<2048x128xf32>
    %max3A_54 = arith.maximumf %add3A_51, %max3A_53 : vector<2048x128xf32>
    %get3A_55 = arith.constant 0 : index
    %get3A_56 = arith.constant 0 : index
    %get3A_57 = vector.load %arg12[%get3A_55, %get3A_56] : memref<128x128xf32, #tpu.memory_space<vmem>>, vector<128x128xf32>
    %dot_general3A_58 = arith.constant dense<0.000000e+00> : vector<2048x128xf32>
    %dot_general3A_59 = tpu.matmul %max3A_54, %get3A_57, %dot_general3A_58 {dimension_numbers = #tpu.dot_dimension_numbers<[1], [0], [0], [1], [0, 0, 1, 1], [], []>, transpose_lhs_hint = false} : vector<2048x128xf32>, vector<128x128xf32>, vector<2048x128xf32> -> vector<2048x128xf32>
    %get3A_60 = arith.constant 0 : index
    %get3A_61 = vector.load %arg13[%get3A_60] : memref<128xf32, #tpu.memory_space<vmem>>, vector<128xf32>
    %broadcast_in_dim3A_62 = vector.shape_cast %get3A_61 : vector<128xf32> to vector<1x128xf32>
    %add3A_63 = vector.broadcast %broadcast_in_dim3A_62 : vector<1x128xf32> to vector<2048x128xf32>
    %add3A_64 = arith.addf %dot_general3A_59, %add3A_63 : vector<2048x128xf32>
    %max3A_65 = arith.constant 0.000000e+00 : f32
    %max3A_66 = vector.broadcast %max3A_65 : f32 to vector<2048x128xf32>
    %max3A_67 = arith.maximumf %add3A_64, %max3A_66 : vector<2048x128xf32>
    %get3A_68 = arith.constant 0 : index
    %get3A_69 = vector.load %arg14[%get3A_68] : memref<128xf32, #tpu.memory_space<vmem>>, vector<128xf32>
    %mul3A_70 = arith.constant 0.999500393 : f32
    %mul3A_71 = vector.broadcast %mul3A_70 : f32 to vector<128xf32>
    %mul3A_72 = arith.mulf %get3A_69, %mul3A_71 : vector<128xf32>
    %broadcast_in_dim3A_73 = vector.shape_cast %mul3A_72 : vector<128xf32> to vector<1x128xf32>
    %mul3A_74 = vector.broadcast %broadcast_in_dim3A_73 : vector<1x128xf32> to vector<2048x128xf32>
    %mul3A_75 = arith.mulf %max3A_67, %mul3A_74 : vector<2048x128xf32>
    %get3A_76 = arith.constant 0 : index
    %get3A_77 = vector.load %arg15[%get3A_76] : memref<128xf32, #tpu.memory_space<vmem>>, vector<128xf32>
    %broadcast_in_dim3A_78 = vector.shape_cast %get3A_77 : vector<128xf32> to vector<1x128xf32>
    %add3A_79 = vector.broadcast %broadcast_in_dim3A_78 : vector<1x128xf32> to vector<2048x128xf32>
    %add3A_80 = arith.addf %mul3A_75, %add3A_79 : vector<2048x128xf32>
    %get3A_81 = arith.constant 0 : index
    %get3A_82 = arith.constant 0 : index
    %get3A_83 = vector.load %arg16[%get3A_81, %get3A_82] : memref<128x128xf32, #tpu.memory_space<vmem>>, vector<128x128xf32>
    %dot_general3A_84 = arith.constant dense<0.000000e+00> : vector<2048x128xf32>
    %dot_general3A_85 = tpu.matmul %add3A_80, %get3A_83, %dot_general3A_84 {dimension_numbers = #tpu.dot_dimension_numbers<[1], [0], [0], [1], [0, 0, 1, 1], [], []>, transpose_lhs_hint = false} : vector<2048x128xf32>, vector<128x128xf32>, vector<2048x128xf32> -> vector<2048x128xf32>
    %get3A_86 = arith.constant 0 : index
    %get3A_87 = vector.load %arg17[%get3A_86] : memref<128xf32, #tpu.memory_space<vmem>>, vector<128xf32>
    %broadcast_in_dim3A_88 = vector.shape_cast %get3A_87 : vector<128xf32> to vector<1x128xf32>
    %add3A_89 = vector.broadcast %broadcast_in_dim3A_88 : vector<1x128xf32> to vector<2048x128xf32>
    %add3A_90 = arith.addf %dot_general3A_85, %add3A_89 : vector<2048x128xf32>
    %swap3A = arith.constant 0 : index
    %swap3A_91 = arith.constant 0 : index
    %swap3A_92 = vector.load %arg20[%swap3A, %swap3A_91] : memref<2048x128xf32, #tpu.memory_space<vmem>>, vector<2048x128xf32>
    tpu.vector_store %arg20[%swap3A, %swap3A_91], %add3A_90 {strides = array<i32>} : memref<2048x128xf32, #tpu.memory_space<vmem>>, vector<2048x128xf32>,
    %get3A_93 = arith.constant 0 : index
    %get3A_94 = arith.constant 0 : index
    %get3A_95 = vector.load %arg18[%get3A_93, %get3A_94] : memref<128x128xf32, #tpu.memory_space<vmem>>, vector<128x128xf32>
    %dot_general3A_96 = arith.constant dense<0.000000e+00> : vector<2048x128xf32>
    %dot_general3A_97 = tpu.matmul %add3A_80, %get3A_95, %dot_general3A_96 {dimension_numbers = #tpu.dot_dimension_numbers<[1], [0], [0], [1], [0, 0, 1, 1], [], []>, transpose_lhs_hint = false} : vector<2048x128xf32>, vector<128x128xf32>, vector<2048x128xf32> -> vector<2048x128xf32>
    %get3A_98 = arith.constant 0 : index
    %get3A_99 = vector.load %arg19[%get3A_98] : memref<128xf32, #tpu.memory_space<vmem>>, vector<128xf32>
    %broadcast_in_dim3A_100 = vector.shape_cast %get3A_99 : vector<128xf32> to vector<1x128xf32>
    %add3A_101 = vector.broadcast %broadcast_in_dim3A_100 : vector<1x128xf32> to vector<2048x128xf32>
    %add3A_102 = arith.addf %dot_general3A_97, %add3A_101 : vector<2048x128xf32>
    %swap3A_103 = arith.constant 0 : index
    %swap3A_104 = arith.constant 0 : index
    %swap3A_105 = vector.load %arg21[%swap3A_103, %swap3A_104] : memref<2048x128xf32, #tpu.memory_space<vmem>>, vector<2048x128xf32>
    tpu.vector_store %arg21[%swap3A_103, %swap3A_104], %add3A_102 {strides = array<i32>} : memref<2048x128xf32, #tpu.memory_space<vmem>>, vector<2048x128xf32>,
    return
  }
  func.func @transform_0(%arg0: i32) -> (i32, i32) {
    %c0_i32 = arith.constant 0 : i32
    %c0_i32_0 = arith.constant 0 : i32
    return %arg0, %c0_i32 : i32, i32
  }
  func.func @transform_1(%arg0: i32) -> (i32, i32) {
    %c0_i32 = arith.constant 0 : i32
    %c0_i32_0 = arith.constant 0 : i32
    return %arg0, %c0_i32 : i32, i32
  }
  func.func @transform_2(%arg0: i32) -> (i32, i32) {
    %c0_i32 = arith.constant 0 : i32
    %c0_i32_0 = arith.constant 0 : i32
    return %arg0, %c0_i32 : i32, i32
  }
  func.func @transform_3(%arg0: i32) -> (i32, i32) {
    %c0_i32 = arith.constant 0 : i32
    %c0_i32_0 = arith.constant 0 : i32
    %c0_i32_1 = arith.constant 0 : i32
    return %c0_i32, %c0_i32_0 : i32, i32
  }
  func.func @transform_4(%arg0: i32) -> i32 {
    %c0_i32 = arith.constant 0 : i32
    %c0_i32_0 = arith.constant 0 : i32
    return %c0_i32 : i32
  }
  func.func @transform_5(%arg0: i32) -> i32 {
    %c0_i32 = arith.constant 0 : i32
    %c0_i32_0 = arith.constant 0 : i32
    return %c0_i32 : i32
  }
  func.func @transform_6(%arg0: i32) -> i32 {
    %c0_i32 = arith.constant 0 : i32
    %c0_i32_0 = arith.constant 0 : i32
    return %c0_i32 : i32
  }
  func.func @transform_7(%arg0: i32) -> (i32, i32) {
    %c0_i32 = arith.constant 0 : i32
    %c0_i32_0 = arith.constant 0 : i32
    %c0_i32_1 = arith.constant 0 : i32
    return %c0_i32, %c0_i32_0 : i32, i32
  }
  func.func @transform_8(%arg0: i32) -> i32 {
    %c0_i32 = arith.constant 0 : i32
    %c0_i32_0 = arith.constant 0 : i32
    return %c0_i32 : i32
  }
  func.func @transform_9(%arg0: i32) -> i32 {
    %c0_i32 = arith.constant 0 : i32
    %c0_i32_0 = arith.constant 0 : i32
    return %c0_i32 : i32
  }
  func.func @transform_10(%arg0: i32) -> i32 {
    %c0_i32 = arith.constant 0 : i32
    %c0_i32_0 = arith.constant 0 : i32
    return %c0_i32 : i32
  }
  func.func @transform_11(%arg0: i32) -> (i32, i32) {
    %c0_i32 = arith.constant 0 : i32
    %c0_i32_0 = arith.constant 0 : i32
    %c0_i32_1 = arith.constant 0 : i32
    return %c0_i32, %c0_i32_0 : i32, i32
  }
  func.func @transform_12(%arg0: i32) -> i32 {
    %c0_i32 = arith.constant 0 : i32
    %c0_i32_0 = arith.constant 0 : i32
    return %c0_i32 : i32
  }
  func.func @transform_13(%arg0: i32) -> i32 {
    %c0_i32 = arith.constant 0 : i32
    %c0_i32_0 = arith.constant 0 : i32
    return %c0_i32 : i32
  }
  func.func @transform_14(%arg0: i32) -> i32 {
    %c0_i32 = arith.constant 0 : i32
    %c0_i32_0 = arith.constant 0 : i32
    return %c0_i32 : i32
  }
  func.func @transform_15(%arg0: i32) -> (i32, i32) {
    %c0_i32 = arith.constant 0 : i32
    %c0_i32_0 = arith.constant 0 : i32
    %c0_i32_1 = arith.constant 0 : i32
    return %c0_i32, %c0_i32_0 : i32, i32
  }
  func.func @transform_16(%arg0: i32) -> i32 {
    %c0_i32 = arith.constant 0 : i32
    %c0_i32_0 = arith.constant 0 : i32
    return %c0_i32 : i32
  }
  func.func @transform_17(%arg0: i32) -> (i32, i32) {
    %c0_i32 = arith.constant 0 : i32
    %c0_i32_0 = arith.constant 0 : i32
    %c0_i32_1 = arith.constant 0 : i32
    return %c0_i32, %c0_i32_0 : i32, i32
  }
  func.func @transform_18(%arg0: i32) -> i32 {
    %c0_i32 = arith.constant 0 : i32
    %c0_i32_0 = arith.constant 0 : i32
    return %c0_i32 : i32
  }
  func.func @transform_19(%arg0: i32) -> (i32, i32) {
    %c0_i32 = arith.constant 0 : i32
    %c0_i32_0 = arith.constant 0 : i32
    return %arg0, %c0_i32 : i32, i32
  }
  func.func @transform_20(%arg0: i32) -> (i32, i32) {
    %c0_i32 = arith.constant 0 : i32
    %c0_i32_0 = arith.constant 0 : i32
    return %arg0, %c0_i32 : i32, i32
  }
}

</mosaic_0001>

<sc_bundles>
// kernel: kernel.4.cloned.1.call-start
scs
__scs_entry_jumppad:
0x0: {  	(pc) =	sbr.rel $0x88, $3  }
0x1: {  	(tag) =	ssettag $0x0;
	lr =	simm.s32 $0x1  }
0x2: {  	[smem:$0x3F8F] =	sst lr;
	_ =	strace $0xD0000000  }
0x3: {  	_ = 	snop  }
0x4: {  	_ = 	snop  }
0x5: {  	_ = 	snop  }
0x6: {  	_ = 	snop  }
0x7: {  	_ = 	snop  }
__scs_overlays_trampoline_lowered:
0x8: {  	[smem:$0x3F9E] =	sst s0  }
0x9: {  	[smem:$0x3F9F] =	sst s1  }
0xa: {  	[smem:$0x3FA0] =	sst s2  }
0xb: {  	[smem:$0x3FA1] =	sst s3  }
0xc: {  	[smem:$0x3FA2] =	sst s4  }
0xd: {  	[smem:$0x3FA3] =	sst s5  }
0xe: {  	[smem:$0x3FA4] =	sst s6  }
0xf: {  	[smem:$0x3FA5] =	sst s7  }
0x10: {  	[smem:$0x3FA6] =	sst s8  }
0x11: {  	[smem:$0x3FA7] =	sst s9;
	s0 =	simm.s32 @!p0 $0x0  }
0x12: {  	s1 =	sld [smem:$0x3F8D];
	s0 =	simm.s32 @p0 $0x1  }
0x13: {  	[smem:$0x3FA8] =	sst s0;
	s0 =	simm.s32 @!p1 $0x0  }
0x14: {  	s2 =	sld [smem:$0x3F8C];
	s0 =	simm.s32 @p1 $0x1  }
0x15: {  	[smem:$0x3FA9] =	sst s0;
	s0 =	simm.s32 @!p2 $0x0  }
0x16: {  	s3 =	sld [smem:$0x3FDB];
	s0 =	simm.s32 @p2 $0x1  }
0x17: {  	s4 =	simm.s32 $0x1BF5;
	[smem:$0x3FAB] =	sst s0  }
0x18: {  	s0 =	sld [smem:$0x3F8E];
	_ =	swait.ge [sflag:s4], $0x0  }
0x19: {  	s7 =	sld [smem:$0x3F8F]  }
0x1a: {  	s8 =	sadd.s32 $0xFFFFE003, lr  }
0x1b: {  	s9 =	sadd.s32 $0xFFFFFEF7, lr;
	s5 =	simm.s32 $0xFFFFFFFF;
	p2 =	slt.u32 s8, $0xFFFFF086  }
0x1c: {  	p1 =	slt.u32 s9, $0xF7A;
	s5 =	simm.s32 @!p2 $0x0  }
0x1d: {  	s5 =	simm.s32 @p1 $0x1;
	p0 =	seq.s32 s7, s2  }
0x1e: {  	s7 =	smul.u32 @!p0 $0xF7A, s2;
	p2 =	seq.s32 @!p0 s5, $0x0  }
0x1f: {  	s9 =	smul.u32 $0xF7A, s1;
	s8 =	simm.s32 @!p0 $0x1BF5;
	p2 =	por !p2, p0  }
0x20: {  	[sflag:s8] =	ssyncset.s32 @!p0 $0xFFFFF086;
	s6 =	sadd.s32 @!p0 s3, s7;
	s7 =	simm.s32 @!p0 $0x108  }
0x21: {  	s3 =	sadd.s32 s3, s9;
	s6 =	sadd.s32 @!p0 $0x88, s6;
	s7 =	simm.s32 @p2 $0x1082  }
0x22: {  	[simem:s7], [sflag:s8] =	dma.local @!p0 [hbm:s6], $0xF7A  }
0x23: {  	s9 =	sor.u32 $0xD0000000, s2;
	s6 =	simm.s32 $0x108;
	_ =	swait.ge @!p0 [sflag:s8], $0x0  }
0x24: {  	s3 =	sadd.s32 $0x88, s3;
	s6 =	simm.s32 @!p1 $0x1082;
	[sflag:s4] =	ssyncset.s32 $0xFFFFF086  }
0x25: {  	[simem:s6], [sflag:s4] =	dma.local [hbm:s3], $0xF7A  }
0x26: {  	[smem:$0x3F8F] =	sst s1;
	(tag) =	ssettag s2;
	_ =	strace s9  }
0x27: {  	s1 =	sld [smem:$0x3F9F]  }
0x28: {  	s2 =	sld [smem:$0x3FA0]  }
0x29: {  	s4 =	sld [smem:$0x3FA2]  }
0x2a: {  	p0 =	seq.s32 s5, $0x0;
	s5 =	sld [smem:$0x3FA3]  }
0x2b: {  	s6 =	sld [smem:$0x3FA4]  }
0x2c: {  	s7 =	sld [smem:$0x3FA5]  }
0x2d: {  	s3 =	simm.s32 $0x108;
	s8 =	sld [smem:$0x3FA6]  }
0x2e: {  	s3 =	simm.s32 @!p0 $0x1082;
	s9 =	sld [smem:$0x3FA7]  }
0x2f: {  	lr =	sadd.s32 s0, s3;
	s0 =	sld [smem:$0x3F9E]  }
0x30: {  	s3 =	sld [smem:$0x3FA1]  }
0x31: {  	[smem:$0x3FAA] =	sst s10  }
0x32: {  	s10 =	sld [smem:$0x3FA8];
	_ =	sdelay $0x3  }
0x33: {  	p0 =	seq.s32 s10, $0x1;
	s10 =	sld [smem:$0x3FAA];
	_ =	sdelay $0x3  }
0x34: {  	[smem:$0x3FAA] =	sst s10  }
0x35: {  	s10 =	sld [smem:$0x3FA9];
	_ =	sdelay $0x3  }
0x36: {  	p1 =	seq.s32 s10, $0x1;
	s10 =	sld [smem:$0x3FAA];
	_ =	sdelay $0x3  }
0x37: {  	[smem:$0x3FAA] =	sst s10  }
0x38: {  	s10 =	sld [smem:$0x3FAB]  }
0x39: {  	_ = 	snop;
	(pc) =	sbr.ind lr, $3  }
0x3a: {  	_ = 	snop  }
0x3b: {  	_ = 	snop  }
0x3c: {  	p2 =	seq.s32 s10, $0x1;
	s10 =	sld [smem:$0x3FAA]  }
0x3d: {  	_ =	shalt  }
0x3e: {  	_ =	shalt  }
0x3f: {  	_ =	shalt  }
0x40: {  	_ =	shalt  }
0x41: {  	_ =	shalt  }
0x42: {  	_ =	shalt  }
0x43: {  	_ =	shalt  }
0x44: {  	_ =	shalt  }
0x45: {  	_ =	shalt  }
0x46: {  	_ =	shalt  }
0x47: {  	_ =	shalt  }
0x48: {  	_ =	shalt  }
0x49: {  	_ =	shalt  }
0x4a: {  	_ =	shalt  }
0x4b: {  	_ =	shalt  }
0x4c: {  	_ =	shalt  }
0x4d: {  	_ =	shalt  }
0x4e: {  	_ =	shalt  }
0x4f: {  	_ =	shalt  }
0x50: {  	_ =	shalt  }
0x51: {  	_ =	shalt  }
0x52: {  	_ =	shalt  }
0x53: {  	_ =	shalt  }
0x54: {  	_ =	shalt  }
0x55: {  	_ =	shalt  }
0x56: {  	_ =	shalt  }
0x57: {  	_ =	shalt  }
0x58: {  	_ =	shalt  }
0x59: {  	_ =	shalt  }
0x5a: {  	_ =	shalt  }
0x5b: {  	_ =	shalt  }
0x5c: {  	_ =	shalt  }
0x5d: {  	_ =	shalt  }
0x5e: {  	_ =	shalt  }
0x5f: {  	_ =	shalt  }
0x60: {  	_ =	shalt  }
0x61: {  	_ =	shalt  }
0x62: {  	_ =	shalt  }
0x63: {  	_ =	shalt  }
0x64: {  	_ =	shalt  }
0x65: {  	_ =	shalt  }
0x66: {  	_ =	shalt  }
0x67: {  	_ =	shalt  }
0x68: {  	_ =	shalt  }
0x69: {  	_ =	shalt  }
0x6a: {  	_ =	shalt  }
0x6b: {  	_ =	shalt  }
0x6c: {  	_ =	shalt  }
0x6d: {  	_ =	shalt  }
0x6e: {  	_ =	shalt  }
0x6f: {  	_ =	shalt  }
0x70: {  	_ =	shalt  }
0x71: {  	_ =	shalt  }
0x72: {  	_ =	shalt  }
0x73: {  	_ =	shalt  }
0x74: {  	_ =	shalt  }
0x75: {  	_ =	shalt  }
0x76: {  	_ =	shalt  }
0x77: {  	_ =	shalt  }
0x78: {  	_ =	shalt  }
0x79: {  	_ =	shalt  }
0x7a: {  	_ =	shalt  }
0x7b: {  	_ =	shalt  }
0x7c: {  	_ =	shalt  }
0x7d: {  	_ =	shalt  }
0x7e: {  	_ =	shalt  }
0x7f: {  	_ =	shalt  }
0x80: {  	_ =	shalt  }
0x81: {  	_ =	shalt  }
0x82: {  	_ =	shalt  }
0x83: {  	_ =	shalt  }
0x84: {  	_ =	shalt  }
0x85: {  	_ =	shalt  }
0x86: {  	_ =	shalt  }
0x87: {  	_ =	shalt  }
.Lfunc_end0:
.L_simem_size_0:
called_computation_lowered:
.L_overlay_start_0:
0x88: {  	s2 =	sld [smem:$0x3FD9]  }
0x89: {  	s3 =	sld [smem:$0x3FFE];
	_ =	sdelay $0x1  }
0x8a: {  	s1 =	srdreg.scid  }
0x8b: {  	s0 =	sand.u32 $0x1, s1  }
0x8c: {  	s14 =	sshll.u32 s0, $0xA;
	s2 =	sadd.s32 s3, s2  }
0x8d: {  	s2 =	sadd.s32 s2, s14  }
0x8e: {  	[smem:$0x3FB6] =	sst s2  }
0x8f: {  	_ = 	snop  }
0x90: {  	s2 =	sld [smem:$0x3FD0];
	_ =	sdelay $0x2  }
0x91: {  	s4 =	simm.s32 $0xA;
	s5 =	simm.s32 $0x10;
	s15 =	sld [smem:$0x3FC9]  }
0x92: {  	[smem:s5], [sflag:s4] =	dma.local [hbm:s2], $0x1  }
0x93: {  	_ =	swait.eq [sflag:s4], $0x1  }
0x94: {  	[sflag:s4] =	ssyncset.done $0x0  }
0x95: {  	s16 =	sld [smem:$0x10];
	[sflag:s4] =	ssyncadd.s32 $0xFFFFFFFF  }
0x96: {  	s17 =	sld [smem:$0x11];
	(tm) =	ssettm $0x1  }
0x97: {  	s18 =	sld [smem:$0x3FFB];
	_ =	sdelay $0x3  }
0x98: {  	_ =	strace s18  }
0x99: {  	s5 =	sld [smem:$0x3FFC];
	_ =	sdelay $0x3  }
0x9a: {  	_ =	strace s5  }
0x9b: {  	s5 =	sld [smem:$0x3FFD];
	_ =	sdelay $0x3  }
0x9c: {  	_ =	strace s5  }
0x9d: {  	_ =	strace $0x8FFFFFFF  }
0x9e: {  	s19 =	sld [smem:$0x3FDB];
	_ =	sdelay $0x1  }
0x9f: {  	s6 =	simm.s32 $_scs_section_size  }
0xa0: {  	s7 =	simm.s32 $_size__tile_overlayer_lowered;
	s8 =	simm.s32 $_tile_overlayer_lowered  }
0xa1: {  	s22 =	simm.s32 $0x1BFF;
	s21 =	sshll.u32 s8, $0x1;
	s5 =	sadd.s32 s6, s19  }
0xa2: {  	s9 =	simm.s32 $0x0;
	s20 =	sshll.u32 s7, $0x1;
	s7 =	sadd.s32 s21, s5  }
0xa3: {  	[timem:s9], [sflag:s22] =	dma.local [hbm:s7], s20  }
0xa4: {  	_ =	swait.ge [sflag:s22], s20  }
0xa5: {  	s6 =	ssub.s32 $0x0, s20;
	[sflag:s22] =	ssyncset.done $0x0  }
0xa6: {  	[sflag:s22] =	ssyncadd.s32 s6;
	_ =	sdelay $0x1  }
0xa7: {  	s23 =	simm.s32 $0x1B8B  }
0xa8: {  	_ =	swait.ge [sflag:s23], $0x1  }
0xa9: {  	[sflag:s23] =	ssyncset.done $0x0  }
0xaa: {  	s25 =	simm.s32 $0x1B8E;
	s24 =	sld [smem:$0x3FFE];
	[sflag:s23] =	ssyncadd.s32 $0xFFFFFFFF  }
0xab: {  	s26 =	simm.s32 $execute0_lowered;
	[smem:$0x3FD2] =	sst s25  }
0xac: {  	s7 =	sshll.u32 s26, $0x1;
	_ =	strace $0x80000046;
	[dreg:$0x1] =	wrdreg $0xFFFFFFFF  }
0xad: {  	s28 =	simm.s32 $_size_execute0_lowered;
	s5 =	sadd.s32 s5, s7;
	[dreg:$0x0] =	wrdreg $0x0  }
0xae: {  	s7 =	sshll.u32 s28, $0x1;
	[dreg:$0x2] =	wrdreg s5  }
0xaf: {  	[dreg:$0x3] =	wrdreg s7  }
0xb0: {  	[dreg:$0x4] =	wrdreg $0xC0  }
0xb1: {  	_ =	task [dreg:s9], $0x5FFFF  }
0xb2: {  	[dreg:$0x1] =	wrdreg $0xFFFFFFFF  }
0xb3: {  	[dreg:$0x0] =	wrdreg $0x60  }
0xb4: {  	[dreg:$0x2] =	wrdreg s15  }
0xb5: {  	[dreg:$0x3] =	wrdreg s17  }
0xb6: {  	[dreg:$0x4] =	wrdreg s16  }
0xb7: {  	[dreg:$0x5] =	wrdreg s24  }
0xb8: {  	[dreg:$0x6] =	wrdreg $0xA8000  }
0xb9: {  	[dreg:$0x7] =	wrdreg $0x9  }
0xba: {  	_ =	task.clear_ibuf [dreg:s9], $0x8FFFF;
	_ =	strace $0x90000046  }
0xbb: {  	s29 =	simm.s32 $0x9;
	_ =	strace $0x80000048  }
0xbc: {  	_ =	swait.ge [sflag:s29], $0x1  }
0xbd: {  	[sflag:s29] =	ssyncadd.s32 $0xFFFFFFFF  }
0xbe: {  	_ =	strace $0x90000048  }
0xbf: {  	_ =	sfence  }
0xc0: {  	s30 =	sld [smem:$0x0];
	_ =	sdelay $0x2  }
0xc1: {  	s31 =	sshll.u32 s1, $0xD;
	s1 =	sshrl.u32 s1, $0x2  }
0xc2: {  	s3 =	sand.u32 $0x4000, s31;
	s1 =	sadd.s32 s1, s30  }
0xc3: {  	s0 =	sor.u32 s3, s0;
	s1 =	sshll.u32 s1, $0x11  }
0xc4: {  	s0 =	sor.u32 s1, s0  }
0xc5: {  	s0 =	sadd.s32 $0x8F2B, s0  }
0xc6: {  	[sflag:s0] =	ssyncadd.remote.s32 $0x1  }
0xc7: {  	_ =	sfence.sel $0xFFFF  }
0xc8: {  	[dreg:$0x0] =	wrdreg $0xFFFFFFFF;
	(pc) =	sbr.abs _section_cstart, $3  }
0xc9: {  	[dreg:$0x1] =	wrdreg $0xFFFFFFFF  }
0xca: {  	_ =	task.clear_ibuf [dreg:s9], $0x2FFFF;
	_ =	strace $0x9FFFFFFF  }
0xcb: {  	(tm) =	ssettm $0x7FFFFFFF  }
tec
execute0_lowered:
.L_overlay_start_1:
0x0: {  	(tag) =	ssettag $0x1  }
0x1: {  	s1 =	rddreg [dreg:$0x0]  }
0x2: {  	s0 =	rddreg [dreg:$0x1]  }
0x3: {  	s12 =	rddreg [dreg:$0x2]  }
0x4: {  	s2 =	rddreg [dreg:$0x3]  }
0x5: {  	s3 =	rddreg [dreg:$0x4];
	s5 =	simm.s32 $0x0;
	s4 =	srdreg.scid  }
0x6: {  	s13 =	stileid.u32;
	s28 =	simm.s32 $0x2800;
	s29 =	simm.s32 $0x6  }
0x7: {  	s30 =	simm.s32 $0x7;
	s31 =	simm.s32 $0x8;
	[smem:$0x7FF] =	sst s5  }
0x8: {  	s4 =	sand.u32 $0x1, s4;
	s6 =	smul.u32 $0x50000, s13;
	s7 =	sadd.s32 $0x3800, s2  }
0x9: {  	s9 =	sshll.u32 s13, $0x1;
	s19 =	smul.u32 $0x2800, s13;
	s13 =	simm.s32 $0x0  }
0xa: {  	_ =	strace $0x80000047;
	s10 =	ssub.s32 $0x2, s4;
	s6 =	sshrl.u32 s6, $0x2  }
0xb: {  	s11 =	sor.u32 s4, s9;
	s8 =	sshrl.u32 s10, $0x1;
	s6 =	sadd.s32 s6, s3  }
0xc: {  	p1 =	seq.s32 s4, $0x1;
	s5 =	ssub.s32 s10, s8;
	s10 =	sadd.s32 $0x2000, s6  }
0xd: {  	s4 =	sadd.s32 $0x500, s12;
	s14 =	sadd.s32 $0x4000, s6;
	[dreg:$0x6] =	wrdreg s10  }
0xe: {  	p0 =	seq.s32 s11, $0x1F;
	s15 =	sadd.s32 $0x6000, s6;
	[dreg:$0x7] =	wrdreg s14  }
0xf: {  	s9 =	smul.u32 $0x5000, s11;
	s16 =	sadd.s32 $0x8000, s6;
	[dreg:$0x8] =	wrdreg s15  }
0x10: {  	s8 =	smul.u32 $0xA00, s11;
	s17 =	sadd.s32 $0xA000, s6;
	[dreg:$0x9] =	wrdreg s16  }
0x11: {  	s11 =	sadd.s32 $0x3A80, s2;
	s18 =	sadd.s32 $0xC000, s6;
	[dreg:$0xa] =	wrdreg s17  }
0x12: {  	s9 =	sshrl.u32 s9, $0x3;
	s20 =	sadd.s32 $0xE000, s6;
	[dreg:$0xb] =	wrdreg s18  }
0x13: {  	s21 =	sadd.s32 $0x10000, s6;
	s23 =	sadd.s32 $0x12000, s6;
	[dreg:$0x11] =	wrdreg s20  }
0x14: {  	s25 =	smax.u32 s5, $0x1;
	s5 =	simm.s32 $0x80;
	[dreg:$0x12] =	wrdreg s21  }
0x15: {  	s9 =	sadd.s32 s0, s9;
	s10 =	sadd.s32 $0x280, s12;
	[dreg:$0x14] =	wrdreg s23  }
0x16: {  	s0 =	sadd.s32 s8, s0;
	[dreg:$0x16] =	wrdreg s25;
	s8 =	simm.s32 $0x100  }
0x17: {  	s12 =	simm.s32 $0x2;
	s18 =	simm.s32 $0x4;
	s21 =	simm.s32 $0x2600  }
0x18: {  	s23 =	simm.s32 $0x2700;
	s25 =	simm.s32 $0xA;
	s14 =	sadd.s32 $0x500, s9  }
0x19: {  	s15 =	sadd.s32 $0x13D80, s9;
	s16 =	sadd.s32 $0x780, s9;
	s17 =	sadd.s32 $0x14000, s9  }
0x1a: {  	[dreg:$0x10] =	wrdreg s0;
	s0 =	sadd.s32 $0x3D00, s2;
	s20 =	sadd.s32 $0x13B00, s9  }
0x1b: {  	s24 =	sadd.s32 $0x280, s9;
	s26 =	sadd.s32 $0x13880, s9;
	s9 =	simm.s32 $0x6800  }
0x1c: {  	s14 =	smov.u32 @p0 s10;
	s15 =	smov.u32 @p0 s11;
	[dreg:$0x15] =	wrdreg s24  }
0x1d: {  	s16 =	smov.u32 @p0 s4;
	s4 =	simm.s32 $0x2C000;
	[dreg:$0x17] =	wrdreg s26  }
0x1e: {  	s17 =	smov.u32 @p0 s0;
	s20 =	smov.u32 @p0 s7;
	[dreg:$0xc] =	wrdreg s14  }
0x1f: {  	s26 =	simm.s32 $0x1400;
	s7 =	simm.s32 $0x4800;
	[dreg:$0xd] =	wrdreg s15  }
0x20: {  	s10 =	simm.s32 $0x180;
	s11 =	simm.s32 $0x8800;
	[dreg:$0xe] =	wrdreg s16  }
0x21: {  	s24 =	simm.s32 $0x2780;
	[dreg:$0xf] =	wrdreg s17;
	s4 =	simm.s32 @!p1 $0x4000  }
0x22: {  	s17 =	simm.s32 $0x3;
	s22 =	sadd.s32 s4, s2;
	s2 =	simm.s32 $0x1  }
0x23: {  	s4 =	simm.s32 $0x40;
	s0 =	sadd.s32 s22, s19;
	s19 =	simm.s32 $0x5  }
0x24: {  	v0 =	vimm.f32 $0.0e+00;
	s22 =	simm.s32 $0x2680;
	[dreg:$0x13] =	wrdreg s0;
	s0 =	simm.s32 $0x9  }
.LBB2_1:
0x25: {  	s14 =	simm.s32 $0x0;
	s15 =	rddreg [dreg:$0x10]  }
0x26: {  	[tilespmem:s14], [sflag:$0x1] =	stream.linear.gather [hbm4b:s15+s14], $0x1400, $0x38;
	[tilespmem:$0x1E800] =	vst v63  }
0x27: {  	s16 =	rddreg [dreg:$0x17]  }
0x28: {  	[tilespmem:s26], [sflag:$0x1] =	stream.linear.gather [hbm4b:s16+s14], $0x1400, $0x38;
	[tilespmem:$0x1E800] =	vst v63  }
0x29: {  	s15 =	simm.s32 $0x200;
	s14 =	simm.s32 $0x0  }
.LBB2_2:
0x2a: {  	p1 =	sne.s32 s15, $0x7E00;
	[tilespmem:s14+$0x2870] =	vst v0  }
0x2b: {  	[tilespmem:s14+$0x2800] =	vst v0  }
0x2c: {  	[tilespmem:s14+$0x2810] =	vst v0  }
.Ltmp0:
0x2d: {  	[tilespmem:s14+$0x2820] =	vst v0;
	(pc) =	sbr.rel @p1 .LBB2_2-.Ltmp0, $4  }
0x2e: {  	[tilespmem:s14+$0x2830] =	vst v0  }
0x2f: {  	[tilespmem:s14+$0x2840] =	vst v0  }
0x30: {  	[tilespmem:s14+$0x2850] =	vst v0  }
0x31: {  	[tilespmem:s14+$0x2860] =	vst v0;
	s14 =	sshra.s32 s15, $0x2;
	s15 =	sadd.s32 $0x200, s15  }
0x32: {  	[tilespmem:s14+$0x2870] =	vst v0  }
0x33: {  	[tilespmem:s14+$0x2800] =	vst v0  }
0x34: {  	[tilespmem:s14+$0x2810] =	vst v0  }
0x35: {  	[tilespmem:s14+$0x2820] =	vst v0  }
0x36: {  	[tilespmem:s14+$0x2830] =	vst v0  }
0x37: {  	[tilespmem:s14+$0x2840] =	vst v0  }
0x38: {  	[tilespmem:s14+$0x2850] =	vst v0  }
0x39: {  	[tilespmem:s14+$0x2860] =	vst v0  }
0x3a: {  	[spmem:s6] =	stream.linear.scatter [tilespmem:s28], [sflag:$0x6], $0x2000, $0x38;
	[tilespmem:$0x1E800] =	vst v63  }
0x3b: {  	s16 =	rddreg [dreg:$0x6]  }
0x3c: {  	[spmem:s16] =	stream.linear.scatter [tilespmem:s28], [sflag:$0x7], $0x2000, $0x38;
	[tilespmem:$0x1E800] =	vst v63  }
0x3d: {  	s15 =	rddreg [dreg:$0x7]  }
0x3e: {  	[spmem:s15] =	stream.linear.scatter [tilespmem:s28], [sflag:$0x8], $0x2000, $0x38;
	[tilespmem:$0x1E800] =	vst v63  }
0x3f: {  	s16 =	rddreg [dreg:$0x8]  }
0x40: {  	[spmem:s16] =	stream.linear.scatter [tilespmem:s28], [sflag:$0x9], $0x2000, $0x38;
	[tilespmem:$0x1E800] =	vst v63  }
0x41: {  	s15 =	rddreg [dreg:$0x9]  }
0x42: {  	[spmem:s15] =	stream.linear.scatter [tilespmem:s28], [sflag:$0x6], $0x2000, $0x38;
	[tilespmem:$0x1E800] =	vst v63  }
0x43: {  	s16 =	rddreg [dreg:$0xa]  }
0x44: {  	[spmem:s16] =	stream.linear.scatter [tilespmem:s28], [sflag:$0x7], $0x2000, $0x38;
	[tilespmem:$0x1E800] =	vst v63  }
0x45: {  	s15 =	rddreg [dreg:$0xb]  }
0x46: {  	[spmem:s15] =	stream.linear.scatter [tilespmem:s28], [sflag:$0x8], $0x2000, $0x38;
	[tilespmem:$0x1E800] =	vst v63  }
0x47: {  	s16 =	rddreg [dreg:$0x11]  }
0x48: {  	[spmem:s16] =	stream.linear.scatter [tilespmem:s28], [sflag:$0x9], $0x2000, $0x38;
	[tilespmem:$0x1E800] =	vst v63  }
0x49: {  	s15 =	rddreg [dreg:$0x12]  }
0x4a: {  	[spmem:s15] =	stream.linear.scatter [tilespmem:s28], [sflag:$0x6], $0x2000, $0x38;
	[tilespmem:$0x1E800] =	vst v63  }
0x4b: {  	s16 =	rddreg [dreg:$0x14]  }
0x4c: {  	[spmem:s16] =	stream.linear.scatter [tilespmem:s28], [sflag:$0x7], $0x2000, $0x38;
	[tilespmem:$0x1E800] =	vst v63  }
0x4d: {  	_ =	swait.ge [sflag:s29], $0x2000  }
0x4e: {  	[sflag:s29] =	ssyncset.done $0x0  }
0x4f: {  	[sflag:s29] =	ssyncadd.s32 $0xFFFFE000  }
0x50: {  	_ =	swait.ge [sflag:s30], $0x2000  }
0x51: {  	[sflag:s30] =	ssyncset.done $0x0  }
0x52: {  	[sflag:s30] =	ssyncadd.s32 $0xFFFFE000  }
0x53: {  	_ =	swait.ge [sflag:s31], $0x2000  }
0x54: {  	[sflag:s31] =	ssyncset.done $0x0  }
0x55: {  	[sflag:s31] =	ssyncadd.s32 $0xFFFFE000  }
0x56: {  	_ =	swait.ge [sflag:s0], $0x2000  }
0x57: {  	[sflag:s0] =	ssyncset.done $0x0  }
0x58: {  	[sflag:s0] =	ssyncadd.s32 $0xFFFFE000  }
0x59: {  	_ =	swait.ge [sflag:s29], $0x2000  }
0x5a: {  	[sflag:s29] =	ssyncset.done $0x0  }
0x5b: {  	[sflag:s29] =	ssyncadd.s32 $0xFFFFE000  }
0x5c: {  	_ =	swait.ge [sflag:s30], $0x2000  }
0x5d: {  	[sflag:s30] =	ssyncset.done $0x0  }
0x5e: {  	[sflag:s30] =	ssyncadd.s32 $0xFFFFE000  }
0x5f: {  	_ =	swait.ge [sflag:s31], $0x2000  }
0x60: {  	[sflag:s31] =	ssyncset.done $0x0  }
0x61: {  	[sflag:s31] =	ssyncadd.s32 $0xFFFFE000  }
0x62: {  	_ =	swait.ge [sflag:s0], $0x2000  }
0x63: {  	[sflag:s0] =	ssyncset.done $0x0  }
0x64: {  	[sflag:s0] =	ssyncadd.s32 $0xFFFFE000  }
0x65: {  	_ =	swait.ge [sflag:s29], $0x2000  }
0x66: {  	[sflag:s29] =	ssyncset.done $0x0  }
0x67: {  	[sflag:s29] =	ssyncadd.s32 $0xFFFFE000  }
0x68: {  	_ =	swait.ge [sflag:s30], $0x2000  }
0x69: {  	[sflag:s30] =	ssyncset.done $0x0  }
0x6a: {  	[sflag:s30] =	ssyncadd.s32 $0xFFFFE000  }
0x6b: {  	_ =	swait.ge [sflag:s2], $0x1400  }
0x6c: {  	[sflag:s2] =	ssyncset.done $0x0  }
0x6d: {  	[sflag:s2] =	ssyncadd.s32 $0xFFFFEC00  }
0x6e: {  	_ =	swait.ge [sflag:s2], $0x1400  }
0x6f: {  	[sflag:s2] =	ssyncset.done $0x0  }
0x70: {  	[sflag:s2] =	ssyncadd.s32 $0xFFFFEC00  }
0x71: {  	s15 =	simm.s32 $0x0;
	[bflag:$0x0] =	sbarrier.arrive $0xFFFF  }
0x72: {  	[tilespmem:s28], [sflag:$0x2] =	stream.indirect.gather [hbm4b:s1+s4], $0x80, s15, s4, $0xb8;
	[tilespmem:$0x1E800] =	vst v63  }
0x73: {  	_ = 	snop  }
0x74: {  	[tilespmem:s7], [sflag:$0x3] =	stream.indirect.gather [hbm4b:s1+s4], $0x80, s5, s4, $0xb8;
	[tilespmem:$0x1E800] =	vst v63  }
0x75: {  	_ = 	snop  }
0x76: {  	[tilespmem:s9], [sflag:$0x4] =	stream.indirect.gather [hbm4b:s1+s4], $0x80, s8, s4, $0xb8;
	[tilespmem:$0x1E800] =	vst v63  }
0x77: {  	_ = 	snop  }
0x78: {  	[tilespmem:s11], [sflag:$0x5] =	stream.indirect.gather [hbm4b:s1+s4], $0x80, s10, s4, $0xb8;
	[tilespmem:$0x1E800] =	vst v63  }
0x79: {  	_ =	swait.ge [sflag:s12], $0x2000  }
0x7a: {  	[sflag:s12] =	ssyncset.done $0x0  }
0x7b: {  	s16 =	simm.s32 $0x1400;
	[sflag:s12] =	ssyncadd.s32 $0xFFFFE000  }
0x7c: {  	[spmem:s3] =	stream.indirect.scatter.add.f32 [tilespmem:s28], [sflag:$0x6], $0x80, s16, s4, $0xb8;
	[tilespmem:$0x1E800] =	vst v63  }
0x7d: {  	_ =	swait.ge [sflag:s17], $0x2000  }
0x7e: {  	[sflag:s17] =	ssyncset.done $0x0  }
0x7f: {  	s15 =	simm.s32 $0x1480;
	[sflag:s17] =	ssyncadd.s32 $0xFFFFE000  }
0x80: {  	[spmem:s3] =	stream.indirect.scatter.add.f32 [tilespmem:s7], [sflag:$0x7], $0x80, s15, s4, $0xb8;
	[tilespmem:$0x1E800] =	vst v63  }
0x81: {  	_ =	swait.ge [sflag:s18], $0x2000  }
0x82: {  	[sflag:s18] =	ssyncset.done $0x0  }
0x83: {  	s16 =	simm.s32 $0x1500;
	[sflag:s18] =	ssyncadd.s32 $0xFFFFE000  }
0x84: {  	[spmem:s3] =	stream.indirect.scatter.add.f32 [tilespmem:s9], [sflag:$0x8], $0x80, s16, s4, $0xb8;
	[tilespmem:$0x1E800] =	vst v63  }
0x85: {  	_ =	swait.ge [sflag:s19], $0x2000  }
0x86: {  	[sflag:s19] =	ssyncset.done $0x0  }
0x87: {  	s15 =	simm.s32 $0x1580;
	[sflag:s19] =	ssyncadd.s32 $0xFFFFE000  }
0x88: {  	[spmem:s3] =	stream.indirect.scatter.add.f32 [tilespmem:s11], [sflag:$0x9], $0x80, s15, s4, $0xb8;
	[tilespmem:$0x1E800] =	vst v63  }
0x89: {  	_ =	swait.ge [sflag:s29], $0x2000  }
0x8a: {  	[sflag:s29] =	ssyncset.done $0x0  }
0x8b: {  	s16 =	simm.s32 $0x200;
	[sflag:s29] =	ssyncadd.s32 $0xFFFFE000  }
0x8c: {  	[tilespmem:s28], [sflag:$0x2] =	stream.indirect.gather [hbm4b:s1+s4], $0x80, s16, s4, $0xb8;
	[tilespmem:$0x1E800] =	vst v63  }
0x8d: {  	_ =	swait.ge [sflag:s30], $0x2000  }
0x8e: {  	[sflag:s30] =	ssyncset.done $0x0  }
0x8f: {  	s15 =	simm.s32 $0x280;
	[sflag:s30] =	ssyncadd.s32 $0xFFFFE000  }
0x90: {  	[tilespmem:s7], [sflag:$0x3] =	stream.indirect.gather [hbm4b:s1+s4], $0x80, s15, s4, $0xb8;
	[tilespmem:$0x1E800] =	vst v63  }
0x91: {  	_ =	swait.ge [sflag:s31], $0x2000  }
0x92: {  	[sflag:s31] =	ssyncset.done $0x0  }
0x93: {  	s16 =	simm.s32 $0x300;
	[sflag:s31] =	ssyncadd.s32 $0xFFFFE000  }
0x94: {  	[tilespmem:s9], [sflag:$0x4] =	stream.indirect.gather [hbm4b:s1+s4], $0x80, s16, s4, $0xb8;
	[tilespmem:$0x1E800] =	vst v63  }
0x95: {  	_ =	swait.ge [sflag:s0], $0x2000  }
0x96: {  	[sflag:s0] =	ssyncset.done $0x0  }
0x97: {  	s14 =	simm.s32 $0x800;
	s15 =	simm.s32 $0x380;
	[sflag:s0] =	ssyncadd.s32 $0xFFFFE000  }
.LBB2_4:
0x98: {  	[tilespmem:s11], [sflag:$0x5] =	stream.indirect.gather [hbm4b:s1+s4], $0x80, s15, s4, $0xb8;
	[tilespmem:$0x1E800] =	vst v63  }
0x99: {  	s15 =	smov.u32 s14  }
0x9a: {  	p1 =	sne.s32 s14, $0x4000;
	s14 =	sadd.s32 $0x800, s14;
	_ =	swait.ge [sflag:s12], $0x2000  }
0x9b: {  	s15 =	sshra.s32 s15, $0x2;
	[sflag:s12] =	ssyncset.done $0x0  }
0x9c: {  	s16 =	sadd.s32 $0x1400, s15;
	[sflag:s12] =	ssyncadd.s32 $0xFFFFE000  }
0x9d: {  	[spmem:s3] =	stream.indirect.scatter.add.f32 [tilespmem:s28], [sflag:$0x6], $0x80, s16, s4, $0xb8;
	[tilespmem:$0x1E800] =	vst v63  }
0x9e: {  	_ =	swait.ge [sflag:s17], $0x2000  }
0x9f: {  	[sflag:s17] =	ssyncset.done $0x0  }
0xa0: {  	s16 =	sadd.s32 $0x1480, s15;
	[sflag:s17] =	ssyncadd.s32 $0xFFFFE000  }
0xa1: {  	[spmem:s3] =	stream.indirect.scatter.add.f32 [tilespmem:s7], [sflag:$0x7], $0x80, s16, s4, $0xb8;
	[tilespmem:$0x1E800] =	vst v63  }
0xa2: {  	_ =	swait.ge [sflag:s18], $0x2000  }
0xa3: {  	[sflag:s18] =	ssyncset.done $0x0  }
0xa4: {  	s16 =	sadd.s32 $0x1500, s15;
	[sflag:s18] =	ssyncadd.s32 $0xFFFFE000  }
0xa5: {  	[spmem:s3] =	stream.indirect.scatter.add.f32 [tilespmem:s9], [sflag:$0x8], $0x80, s16, s4, $0xb8;
	[tilespmem:$0x1E800] =	vst v63  }
0xa6: {  	_ =	swait.ge [sflag:s19], $0x2000  }
0xa7: {  	[sflag:s19] =	ssyncset.done $0x0  }
0xa8: {  	s16 =	sadd.s32 $0x1580, s15;
	[sflag:s19] =	ssyncadd.s32 $0xFFFFE000  }
0xa9: {  	[spmem:s3] =	stream.indirect.scatter.add.f32 [tilespmem:s11], [sflag:$0x9], $0x80, s16, s4, $0xb8;
	[tilespmem:$0x1E800] =	vst v63  }
0xaa: {  	_ =	swait.ge [sflag:s29], $0x2000  }
0xab: {  	[sflag:s29] =	ssyncset.done $0x0  }
0xac: {  	s16 =	sadd.s32 $0x200, s15;
	[sflag:s29] =	ssyncadd.s32 $0xFFFFE000  }
0xad: {  	[tilespmem:s28], [sflag:$0x2] =	stream.indirect.gather [hbm4b:s1+s4], $0x80, s16, s4, $0xb8;
	[tilespmem:$0x1E800] =	vst v63  }
0xae: {  	_ =	swait.ge [sflag:s30], $0x2000  }
0xaf: {  	[sflag:s30] =	ssyncset.done $0x0  }
0xb0: {  	s16 =	sadd.s32 $0x280, s15;
	[sflag:s30] =	ssyncadd.s32 $0xFFFFE000  }
0xb1: {  	[tilespmem:s7], [sflag:$0x3] =	stream.indirect.gather [hbm4b:s1+s4], $0x80, s16, s4, $0xb8;
	[tilespmem:$0x1E800] =	vst v63  }
0xb2: {  	_ =	swait.ge [sflag:s31], $0x2000  }
0xb3: {  	[sflag:s31] =	ssyncset.done $0x0  }
.Ltmp1:
0xb4: {  	s16 =	sadd.s32 $0x300, s15;
	[sflag:s31] =	ssyncadd.s32 $0xFFFFE000;
	(pc) =	sbr.rel @p1 .LBB2_4-.Ltmp1, $4  }
0xb5: {  	[tilespmem:s9], [sflag:$0x4] =	stream.indirect.gather [hbm4b:s1+s4], $0x80, s16, s4, $0xb8;
	[tilespmem:$0x1E800] =	vst v63  }
0xb6: {  	_ =	swait.ge [sflag:s0], $0x2000  }
0xb7: {  	[sflag:s0] =	ssyncset.done $0x0  }
0xb8: {  	s15 =	sadd.s32 $0x380, s15;
	[sflag:s0] =	ssyncadd.s32 $0xFFFFE000  }
0xb9: {  	[tilespmem:s11], [sflag:$0x5] =	stream.indirect.gather [hbm4b:s1+s4], $0x80, s15, s4, $0xb8;
	[tilespmem:$0x1E800] =	vst v63  }
0xba: {  	_ =	swait.ge [sflag:s12], $0x2000  }
0xbb: {  	[sflag:s12] =	ssyncset.done $0x0  }
0xbc: {  	[sflag:s12] =	ssyncadd.s32 $0xFFFFE000  }
0xbd: {  	[spmem:s3] =	stream.indirect.scatter.add.f32 [tilespmem:s28], [sflag:$0x6], $0x80, s21, s4, $0xb8;
	[tilespmem:$0x1E800] =	vst v63  }
0xbe: {  	_ =	swait.ge [sflag:s17], $0x2000  }
0xbf: {  	[sflag:s17] =	ssyncset.done $0x0  }
0xc0: {  	[sflag:s17] =	ssyncadd.s32 $0xFFFFE000  }
0xc1: {  	[spmem:s3] =	stream.indirect.scatter.add.f32 [tilespmem:s7], [sflag:$0x7], $0x80, s22, s4, $0xb8;
	[tilespmem:$0x1E800] =	vst v63  }
0xc2: {  	_ =	swait.ge [sflag:s18], $0x2000  }
0xc3: {  	[sflag:s18] =	ssyncset.done $0x0  }
0xc4: {  	[sflag:s18] =	ssyncadd.s32 $0xFFFFE000  }
0xc5: {  	[spmem:s3] =	stream.indirect.scatter.add.f32 [tilespmem:s9], [sflag:$0x8], $0x80, s23, s4, $0xb8;
	[tilespmem:$0x1E800] =	vst v63  }
0xc6: {  	_ =	swait.ge [sflag:s19], $0x2000  }
0xc7: {  	[sflag:s19] =	ssyncset.done $0x0  }
0xc8: {  	[sflag:s19] =	ssyncadd.s32 $0xFFFFE000  }
0xc9: {  	[spmem:s3] =	stream.indirect.scatter.add.f32 [tilespmem:s11], [sflag:$0x9], $0x80, s24, s4, $0xb8;
	[tilespmem:$0x1E800] =	vst v63  }
0xca: {  	_ =	swait.ge [sflag:s29], $0x2000  }
0xcb: {  	[sflag:s29] =	ssyncset.done $0x0  }
0xcc: {  	[sflag:s29] =	ssyncadd.s32 $0xFFFFE000  }
0xcd: {  	_ =	swait.ge [sflag:s30], $0x2000  }
0xce: {  	[sflag:s30] =	ssyncset.done $0x0  }
0xcf: {  	[sflag:s30] =	ssyncadd.s32 $0xFFFFE000  }
0xd0: {  	_ =	swait.ge [sflag:s31], $0x2000  }
0xd1: {  	[sflag:s31] =	ssyncset.done $0x0  }
0xd2: {  	[sflag:s31] =	ssyncadd.s32 $0xFFFFE000  }
0xd3: {  	_ =	swait.ge [sflag:s0], $0x2000  }
0xd4: {  	[sflag:s0] =	ssyncset.done $0x0  }
0xd5: {  	[sflag:s0] =	ssyncadd.s32 $0xFFFFE000  }
0xd6: {  	s14 =	simm.s32 @p0 $0x0;
	s15 =	rddreg [dreg:$0x2]  }
0xd7: {  	[tilespmem:s14], [sflag:$0xA] =	stream.linear.gather @p0 [hbm4b:s15+s14], $0x1400, $0x38;
	[tilespmem:$0x1E800] =	vst v63  }
0xd8: {  	s14 =	simm.s32 @p0 $0xA  }
0xd9: {  	_ =	swait.ge @p0 [sflag:s14], $0x1400  }
0xda: {  	[sflag:s14] =	ssyncset.done @p0 $0x0  }
0xdb: {  	s15 =	rddreg [dreg:$0x15];
	[sflag:s14] =	ssyncadd.s32 @p0 $0xFFFFEC00;
	s14 =	simm.s32 @!p0 $0x0  }
0xdc: {  	[tilespmem:s14], [sflag:$0xA] =	stream.linear.gather @!p0 [hbm4b:s15+s14], $0x1400, $0x38;
	[tilespmem:$0x1E800] =	vst v63  }
0xdd: {  	s14 =	simm.s32 @!p0 $0xA  }
0xde: {  	_ =	swait.ge @!p0 [sflag:s14], $0x1400  }
0xdf: {  	[sflag:s14] =	ssyncset.done @!p0 $0x0  }
0xe0: {  	s15 =	simm.s32 $0x0;
	[sflag:s14] =	ssyncadd.s32 @!p0 $0xFFFFEC00  }
0xe1: {  	[tilespmem:s26], [sflag:$0xA] =	stream.linear.gather [hbm4b:s20+s15], $0x1400, $0x38;
	[tilespmem:$0x1E800] =	vst v63  }
0xe2: {  	_ =	swait.ge [sflag:s25], $0x1400  }
0xe3: {  	[sflag:s25] =	ssyncset.done $0x0  }
0xe4: {  	[sflag:s25] =	ssyncadd.s32 $0xFFFFEC00  }
0xe5: {  	[tilespmem:s28], [sflag:$0x2] =	stream.indirect.gather [hbm4b:s1+s4], $0x80, s15, s4, $0xb8;
	[tilespmem:$0x1E800] =	vst v63  }
0xe6: {  	_ = 	snop  }
0xe7: {  	[tilespmem:s7], [sflag:$0x3] =	stream.indirect.gather [hbm4b:s1+s4], $0x80, s5, s4, $0xb8;
	[tilespmem:$0x1E800] =	vst v63  }
0xe8: {  	_ = 	snop  }
0xe9: {  	[tilespmem:s9], [sflag:$0x4] =	stream.indirect.gather [hbm4b:s1+s4], $0x80, s8, s4, $0xb8;
	[tilespmem:$0x1E800] =	vst v63  }
0xea: {  	_ = 	snop  }
0xeb: {  	[tilespmem:s11], [sflag:$0x5] =	stream.indirect.gather [hbm4b:s1+s4], $0x80, s10, s4, $0xb8;
	[tilespmem:$0x1E800] =	vst v63  }
0xec: {  	_ =	swait.ge [sflag:s12], $0x2000  }
0xed: {  	[sflag:s12] =	ssyncset.done $0x0  }
0xee: {  	s16 =	simm.s32 $0x1400;
	[sflag:s12] =	ssyncadd.s32 $0xFFFFE000  }
0xef: {  	[spmem:s3] =	stream.indirect.scatter.add.f32 [tilespmem:s28], [sflag:$0x6], $0x80, s16, s4, $0xb8;
	[tilespmem:$0x1E800] =	vst v63  }
0xf0: {  	_ =	swait.ge [sflag:s17], $0x2000  }
0xf1: {  	[sflag:s17] =	ssyncset.done $0x0  }
0xf2: {  	s15 =	simm.s32 $0x1480;
	[sflag:s17] =	ssyncadd.s32 $0xFFFFE000  }
0xf3: {  	[spmem:s3] =	stream.indirect.scatter.add.f32 [tilespmem:s7], [sflag:$0x7], $0x80, s15, s4, $0xb8;
	[tilespmem:$0x1E800] =	vst v63  }
0xf4: {  	_ =	swait.ge [sflag:s18], $0x2000  }
0xf5: {  	[sflag:s18] =	ssyncset.done $0x0  }
0xf6: {  	s16 =	simm.s32 $0x1500;
	[sflag:s18] =	ssyncadd.s32 $0xFFFFE000  }
0xf7: {  	[spmem:s3] =	stream.indirect.scatter.add.f32 [tilespmem:s9], [sflag:$0x8], $0x80, s16, s4, $0xb8;
	[tilespmem:$0x1E800] =	vst v63  }
0xf8: {  	_ =	swait.ge [sflag:s19], $0x2000  }
0xf9: {  	[sflag:s19] =	ssyncset.done $0x0  }
0xfa: {  	s15 =	simm.s32 $0x1580;
	[sflag:s19] =	ssyncadd.s32 $0xFFFFE000  }
0xfb: {  	[spmem:s3] =	stream.indirect.scatter.add.f32 [tilespmem:s11], [sflag:$0x9], $0x80, s15, s4, $0xb8;
	[tilespmem:$0x1E800] =	vst v63  }
0xfc: {  	_ =	swait.ge [sflag:s29], $0x2000  }
0xfd: {  	[sflag:s29] =	ssyncset.done $0x0  }
0xfe: {  	s16 =	simm.s32 $0x200;
	[sflag:s29] =	ssyncadd.s32 $0xFFFFE000  }
0xff: {  	[tilespmem:s28], [sflag:$0x2] =	stream.indirect.gather [hbm4b:s1+s4], $0x80, s16, s4, $0xb8;
	[tilespmem:$0x1E800] =	vst v63  }
0x100: {  	_ =	swait.ge [sflag:s30], $0x2000  }
0x101: {  	[sflag:s30] =	ssyncset.done $0x0  }
0x102: {  	s15 =	simm.s32 $0x280;
	[sflag:s30] =	ssyncadd.s32 $0xFFFFE000  }
0x103: {  	[tilespmem:s7], [sflag:$0x3] =	stream.indirect.gather [hbm4b:s1+s4], $0x80, s15, s4, $0xb8;
	[tilespmem:$0x1E800] =	vst v63  }
0x104: {  	_ =	swait.ge [sflag:s31], $0x2000  }
0x105: {  	[sflag:s31] =	ssyncset.done $0x0  }
0x106: {  	s16 =	simm.s32 $0x300;
	[sflag:s31] =	ssyncadd.s32 $0xFFFFE000  }
0x107: {  	[tilespmem:s9], [sflag:$0x4] =	stream.indirect.gather [hbm4b:s1+s4], $0x80, s16, s4, $0xb8;
	[tilespmem:$0x1E800] =	vst v63  }
0x108: {  	_ =	swait.ge [sflag:s0], $0x2000  }
0x109: {  	[sflag:s0] =	ssyncset.done $0x0  }
0x10a: {  	s14 =	simm.s32 $0x800;
	s15 =	simm.s32 $0x380;
	[sflag:s0] =	ssyncadd.s32 $0xFFFFE000  }
.LBB2_6:
0x10b: {  	[tilespmem:s11], [sflag:$0x5] =	stream.indirect.gather [hbm4b:s1+s4], $0x80, s15, s4, $0xb8;
	[tilespmem:$0x1E800] =	vst v63  }
0x10c: {  	s15 =	smov.u32 s14  }
0x10d: {  	p1 =	sne.s32 s14, $0x4000;
	s14 =	sadd.s32 $0x800, s14;
	_ =	swait.ge [sflag:s12], $0x2000  }
0x10e: {  	s15 =	sshra.s32 s15, $0x2;
	[sflag:s12] =	ssyncset.done $0x0  }
0x10f: {  	s16 =	sadd.s32 $0x1400, s15;
	[sflag:s12] =	ssyncadd.s32 $0xFFFFE000  }
0x110: {  	[spmem:s3] =	stream.indirect.scatter.add.f32 [tilespmem:s28], [sflag:$0x6], $0x80, s16, s4, $0xb8;
	[tilespmem:$0x1E800] =	vst v63  }
0x111: {  	_ =	swait.ge [sflag:s17], $0x2000  }
0x112: {  	[sflag:s17] =	ssyncset.done $0x0  }
0x113: {  	s16 =	sadd.s32 $0x1480, s15;
	[sflag:s17] =	ssyncadd.s32 $0xFFFFE000  }
0x114: {  	[spmem:s3] =	stream.indirect.scatter.add.f32 [tilespmem:s7], [sflag:$0x7], $0x80, s16, s4, $0xb8;
	[tilespmem:$0x1E800] =	vst v63  }
0x115: {  	_ =	swait.ge [sflag:s18], $0x2000  }
0x116: {  	[sflag:s18] =	ssyncset.done $0x0  }
0x117: {  	s16 =	sadd.s32 $0x1500, s15;
	[sflag:s18] =	ssyncadd.s32 $0xFFFFE000  }
0x118: {  	[spmem:s3] =	stream.indirect.scatter.add.f32 [tilespmem:s9], [sflag:$0x8], $0x80, s16, s4, $0xb8;
	[tilespmem:$0x1E800] =	vst v63  }
0x119: {  	_ =	swait.ge [sflag:s19], $0x2000  }
0x11a: {  	[sflag:s19] =	ssyncset.done $0x0  }
0x11b: {  	s16 =	sadd.s32 $0x1580, s15;
	[sflag:s19] =	ssyncadd.s32 $0xFFFFE000  }
0x11c: {  	[spmem:s3] =	stream.indirect.scatter.add.f32 [tilespmem:s11], [sflag:$0x9], $0x80, s16, s4, $0xb8;
	[tilespmem:$0x1E800] =	vst v63  }
0x11d: {  	_ =	swait.ge [sflag:s29], $0x2000  }
0x11e: {  	[sflag:s29] =	ssyncset.done $0x0  }
0x11f: {  	s16 =	sadd.s32 $0x200, s15;
	[sflag:s29] =	ssyncadd.s32 $0xFFFFE000  }
0x120: {  	[tilespmem:s28], [sflag:$0x2] =	stream.indirect.gather [hbm4b:s1+s4], $0x80, s16, s4, $0xb8;
	[tilespmem:$0x1E800] =	vst v63  }
0x121: {  	_ =	swait.ge [sflag:s30], $0x2000  }
0x122: {  	[sflag:s30] =	ssyncset.done $0x0  }
0x123: {  	s16 =	sadd.s32 $0x280, s15;
	[sflag:s30] =	ssyncadd.s32 $0xFFFFE000  }
0x124: {  	[tilespmem:s7], [sflag:$0x3] =	stream.indirect.gather [hbm4b:s1+s4], $0x80, s16, s4, $0xb8;
	[tilespmem:$0x1E800] =	vst v63  }
0x125: {  	_ =	swait.ge [sflag:s31], $0x2000  }
0x126: {  	[sflag:s31] =	ssyncset.done $0x0  }
.Ltmp2:
0x127: {  	s16 =	sadd.s32 $0x300, s15;
	[sflag:s31] =	ssyncadd.s32 $0xFFFFE000;
	(pc) =	sbr.rel @p1 .LBB2_6-.Ltmp2, $4  }
0x128: {  	[tilespmem:s9], [sflag:$0x4] =	stream.indirect.gather [hbm4b:s1+s4], $0x80, s16, s4, $0xb8;
	[tilespmem:$0x1E800] =	vst v63  }
0x129: {  	_ =	swait.ge [sflag:s0], $0x2000  }
0x12a: {  	[sflag:s0] =	ssyncset.done $0x0  }
0x12b: {  	s15 =	sadd.s32 $0x380, s15;
	[sflag:s0] =	ssyncadd.s32 $0xFFFFE000  }
0x12c: {  	[tilespmem:s11], [sflag:$0x5] =	stream.indirect.gather [hbm4b:s1+s4], $0x80, s15, s4, $0xb8;
	[tilespmem:$0x1E800] =	vst v63  }
0x12d: {  	_ =	swait.ge [sflag:s12], $0x2000  }
0x12e: {  	[sflag:s12] =	ssyncset.done $0x0  }
0x12f: {  	[sflag:s12] =	ssyncadd.s32 $0xFFFFE000  }
0x130: {  	[spmem:s3] =	stream.indirect.scatter.add.f32 [tilespmem:s28], [sflag:$0x6], $0x80, s21, s4, $0xb8;
	[tilespmem:$0x1E800] =	vst v63  }
0x131: {  	_ =	swait.ge [sflag:s17], $0x2000  }
0x132: {  	[sflag:s17] =	ssyncset.done $0x0  }
0x133: {  	[sflag:s17] =	ssyncadd.s32 $0xFFFFE000  }
0x134: {  	[spmem:s3] =	stream.indirect.scatter.add.f32 [tilespmem:s7], [sflag:$0x7], $0x80, s22, s4, $0xb8;
	[tilespmem:$0x1E800] =	vst v63  }
0x135: {  	_ =	swait.ge [sflag:s18], $0x2000  }
0x136: {  	[sflag:s18] =	ssyncset.done $0x0  }
0x137: {  	[sflag:s18] =	ssyncadd.s32 $0xFFFFE000  }
0x138: {  	[spmem:s3] =	stream.indirect.scatter.add.f32 [tilespmem:s9], [sflag:$0x8], $0x80, s23, s4, $0xb8;
	[tilespmem:$0x1E800] =	vst v63  }
0x139: {  	_ =	swait.ge [sflag:s19], $0x2000  }
0x13a: {  	[sflag:s19] =	ssyncset.done $0x0  }
0x13b: {  	[sflag:s19] =	ssyncadd.s32 $0xFFFFE000  }
0x13c: {  	[spmem:s3] =	stream.indirect.scatter.add.f32 [tilespmem:s11], [sflag:$0x9], $0x80, s24, s4, $0xb8;
	[tilespmem:$0x1E800] =	vst v63  }
0x13d: {  	_ =	swait.ge [sflag:s29], $0x2000  }
0x13e: {  	[sflag:s29] =	ssyncset.done $0x0  }
0x13f: {  	[sflag:s29] =	ssyncadd.s32 $0xFFFFE000  }
0x140: {  	_ =	swait.ge [sflag:s30], $0x2000  }
0x141: {  	[sflag:s30] =	ssyncset.done $0x0  }
0x142: {  	[sflag:s30] =	ssyncadd.s32 $0xFFFFE000  }
0x143: {  	_ =	swait.ge [sflag:s31], $0x2000  }
0x144: {  	[sflag:s31] =	ssyncset.done $0x0  }
0x145: {  	[sflag:s31] =	ssyncadd.s32 $0xFFFFE000  }
0x146: {  	_ =	swait.ge [sflag:s0], $0x2000  }
0x147: {  	[sflag:s0] =	ssyncset.done $0x0  }
0x148: {  	s14 =	simm.s32 $0x0;
	s16 =	rddreg [dreg:$0xc];
	[sflag:s0] =	ssyncadd.s32 $0xFFFFE000  }
0x149: {  	[tilespmem:s14], [sflag:$0xA] =	stream.linear.gather [hbm4b:s16+s14], $0x1400, $0x38;
	[tilespmem:$0x1E800] =	vst v63  }
0x14a: {  	_ =	swait.ge [sflag:s25], $0x1400  }
0x14b: {  	[sflag:s25] =	ssyncset.done $0x0  }
0x14c: {  	s16 =	rddreg [dreg:$0xd];
	[sflag:s25] =	ssyncadd.s32 $0xFFFFEC00  }
0x14d: {  	[tilespmem:s26], [sflag:$0xA] =	stream.linear.gather [hbm4b:s16+s14], $0x1400, $0x38;
	[tilespmem:$0x1E800] =	vst v63  }
0x14e: {  	_ =	swait.ge [sflag:s25], $0x1400  }
0x14f: {  	[sflag:s25] =	ssyncset.done $0x0  }
0x150: {  	[sflag:s25] =	ssyncadd.s32 $0xFFFFEC00  }
0x151: {  	[tilespmem:s28], [sflag:$0x2] =	stream.indirect.gather [hbm4b:s1+s4], $0x80, s14, s4, $0xb8;
	[tilespmem:$0x1E800] =	vst v63  }
0x152: {  	_ = 	snop  }
0x153: {  	[tilespmem:s7], [sflag:$0x3] =	stream.indirect.gather [hbm4b:s1+s4], $0x80, s5, s4, $0xb8;
	[tilespmem:$0x1E800] =	vst v63  }
0x154: {  	_ = 	snop  }
0x155: {  	[tilespmem:s9], [sflag:$0x4] =	stream.indirect.gather [hbm4b:s1+s4], $0x80, s8, s4, $0xb8;
	[tilespmem:$0x1E800] =	vst v63  }
0x156: {  	_ = 	snop  }
0x157: {  	[tilespmem:s11], [sflag:$0x5] =	stream.indirect.gather [hbm4b:s1+s4], $0x80, s10, s4, $0xb8;
	[tilespmem:$0x1E800] =	vst v63  }
0x158: {  	_ =	swait.ge [sflag:s12], $0x2000  }
0x159: {  	[sflag:s12] =	ssyncset.done $0x0  }
0x15a: {  	s16 =	simm.s32 $0x1400;
	[sflag:s12] =	ssyncadd.s32 $0xFFFFE000  }
0x15b: {  	[spmem:s3] =	stream.indirect.scatter.add.f32 [tilespmem:s28], [sflag:$0x6], $0x80, s16, s4, $0xb8;
	[tilespmem:$0x1E800] =	vst v63  }
0x15c: {  	_ =	swait.ge [sflag:s17], $0x2000  }
0x15d: {  	[sflag:s17] =	ssyncset.done $0x0  }
0x15e: {  	s15 =	simm.s32 $0x1480;
	[sflag:s17] =	ssyncadd.s32 $0xFFFFE000  }
0x15f: {  	[spmem:s3] =	stream.indirect.scatter.add.f32 [tilespmem:s7], [sflag:$0x7], $0x80, s15, s4, $0xb8;
	[tilespmem:$0x1E800] =	vst v63  }
0x160: {  	_ =	swait.ge [sflag:s18], $0x2000  }
0x161: {  	[sflag:s18] =	ssyncset.done $0x0  }
0x162: {  	s16 =	simm.s32 $0x1500;
	[sflag:s18] =	ssyncadd.s32 $0xFFFFE000  }
0x163: {  	[spmem:s3] =	stream.indirect.scatter.add.f32 [tilespmem:s9], [sflag:$0x8], $0x80, s16, s4, $0xb8;
	[tilespmem:$0x1E800] =	vst v63  }
0x164: {  	_ =	swait.ge [sflag:s19], $0x2000  }
0x165: {  	[sflag:s19] =	ssyncset.done $0x0  }
0x166: {  	s15 =	simm.s32 $0x1580;
	[sflag:s19] =	ssyncadd.s32 $0xFFFFE000  }
0x167: {  	[spmem:s3] =	stream.indirect.scatter.add.f32 [tilespmem:s11], [sflag:$0x9], $0x80, s15, s4, $0xb8;
	[tilespmem:$0x1E800] =	vst v63  }
0x168: {  	_ =	swait.ge [sflag:s29], $0x2000  }
0x169: {  	[sflag:s29] =	ssyncset.done $0x0  }
0x16a: {  	s16 =	simm.s32 $0x200;
	[sflag:s29] =	ssyncadd.s32 $0xFFFFE000  }
0x16b: {  	[tilespmem:s28], [sflag:$0x2] =	stream.indirect.gather [hbm4b:s1+s4], $0x80, s16, s4, $0xb8;
	[tilespmem:$0x1E800] =	vst v63  }
0x16c: {  	_ =	swait.ge [sflag:s30], $0x2000  }
0x16d: {  	[sflag:s30] =	ssyncset.done $0x0  }
0x16e: {  	s15 =	simm.s32 $0x280;
	[sflag:s30] =	ssyncadd.s32 $0xFFFFE000  }
0x16f: {  	[tilespmem:s7], [sflag:$0x3] =	stream.indirect.gather [hbm4b:s1+s4], $0x80, s15, s4, $0xb8;
	[tilespmem:$0x1E800] =	vst v63  }
0x170: {  	_ =	swait.ge [sflag:s31], $0x2000  }
0x171: {  	[sflag:s31] =	ssyncset.done $0x0  }
0x172: {  	s16 =	simm.s32 $0x300;
	[sflag:s31] =	ssyncadd.s32 $0xFFFFE000  }
0x173: {  	[tilespmem:s9], [sflag:$0x4] =	stream.indirect.gather [hbm4b:s1+s4], $0x80, s16, s4, $0xb8;
	[tilespmem:$0x1E800] =	vst v63  }
0x174: {  	_ =	swait.ge [sflag:s0], $0x2000  }
0x175: {  	[sflag:s0] =	ssyncset.done $0x0  }
0x176: {  	s14 =	simm.s32 $0x800;
	s15 =	simm.s32 $0x380;
	[sflag:s0] =	ssyncadd.s32 $0xFFFFE000  }
.LBB2_8:
0x177: {  	[tilespmem:s11], [sflag:$0x5] =	stream.indirect.gather [hbm4b:s1+s4], $0x80, s15, s4, $0xb8;
	[tilespmem:$0x1E800] =	vst v63  }
0x178: {  	s15 =	smov.u32 s14  }
0x179: {  	p1 =	sne.s32 s14, $0x4000;
	s14 =	sadd.s32 $0x800, s14;
	_ =	swait.ge [sflag:s12], $0x2000  }
0x17a: {  	s15 =	sshra.s32 s15, $0x2;
	[sflag:s12] =	ssyncset.done $0x0  }
0x17b: {  	s16 =	sadd.s32 $0x1400, s15;
	[sflag:s12] =	ssyncadd.s32 $0xFFFFE000  }
0x17c: {  	[spmem:s3] =	stream.indirect.scatter.add.f32 [tilespmem:s28], [sflag:$0x6], $0x80, s16, s4, $0xb8;
	[tilespmem:$0x1E800] =	vst v63  }
0x17d: {  	_ =	swait.ge [sflag:s17], $0x2000  }
0x17e: {  	[sflag:s17] =	ssyncset.done $0x0  }
0x17f: {  	s16 =	sadd.s32 $0x1480, s15;
	[sflag:s17] =	ssyncadd.s32 $0xFFFFE000  }
0x180: {  	[spmem:s3] =	stream.indirect.scatter.add.f32 [tilespmem:s7], [sflag:$0x7], $0x80, s16, s4, $0xb8;
	[tilespmem:$0x1E800] =	vst v63  }
0x181: {  	_ =	swait.ge [sflag:s18], $0x2000  }
0x182: {  	[sflag:s18] =	ssyncset.done $0x0  }
0x183: {  	s16 =	sadd.s32 $0x1500, s15;
	[sflag:s18] =	ssyncadd.s32 $0xFFFFE000  }
0x184: {  	[spmem:s3] =	stream.indirect.scatter.add.f32 [tilespmem:s9], [sflag:$0x8], $0x80, s16, s4, $0xb8;
	[tilespmem:$0x1E800] =	vst v63  }
0x185: {  	_ =	swait.ge [sflag:s19], $0x2000  }
0x186: {  	[sflag:s19] =	ssyncset.done $0x0  }
0x187: {  	s16 =	sadd.s32 $0x1580, s15;
	[sflag:s19] =	ssyncadd.s32 $0xFFFFE000  }
0x188: {  	[spmem:s3] =	stream.indirect.scatter.add.f32 [tilespmem:s11], [sflag:$0x9], $0x80, s16, s4, $0xb8;
	[tilespmem:$0x1E800] =	vst v63  }
0x189: {  	_ =	swait.ge [sflag:s29], $0x2000  }
0x18a: {  	[sflag:s29] =	ssyncset.done $0x0  }
0x18b: {  	s16 =	sadd.s32 $0x200, s15;
	[sflag:s29] =	ssyncadd.s32 $0xFFFFE000  }
0x18c: {  	[tilespmem:s28], [sflag:$0x2] =	stream.indirect.gather [hbm4b:s1+s4], $0x80, s16, s4, $0xb8;
	[tilespmem:$0x1E800] =	vst v63  }
0x18d: {  	_ =	swait.ge [sflag:s30], $0x2000  }
0x18e: {  	[sflag:s30] =	ssyncset.done $0x0  }
0x18f: {  	s16 =	sadd.s32 $0x280, s15;
	[sflag:s30] =	ssyncadd.s32 $0xFFFFE000  }
0x190: {  	[tilespmem:s7], [sflag:$0x3] =	stream.indirect.gather [hbm4b:s1+s4], $0x80, s16, s4, $0xb8;
	[tilespmem:$0x1E800] =	vst v63  }
0x191: {  	_ =	swait.ge [sflag:s31], $0x2000  }
0x192: {  	[sflag:s31] =	ssyncset.done $0x0  }
.Ltmp3:
0x193: {  	s16 =	sadd.s32 $0x300, s15;
	[sflag:s31] =	ssyncadd.s32 $0xFFFFE000;
	(pc) =	sbr.rel @p1 .LBB2_8-.Ltmp3, $4  }
0x194: {  	[tilespmem:s9], [sflag:$0x4] =	stream.indirect.gather [hbm4b:s1+s4], $0x80, s16, s4, $0xb8;
	[tilespmem:$0x1E800] =	vst v63  }
0x195: {  	_ =	swait.ge [sflag:s0], $0x2000  }
0x196: {  	[sflag:s0] =	ssyncset.done $0x0  }
0x197: {  	s15 =	sadd.s32 $0x380, s15;
	[sflag:s0] =	ssyncadd.s32 $0xFFFFE000  }
0x198: {  	[tilespmem:s11], [sflag:$0x5] =	stream.indirect.gather [hbm4b:s1+s4], $0x80, s15, s4, $0xb8;
	[tilespmem:$0x1E800] =	vst v63  }
0x199: {  	_ =	swait.ge [sflag:s12], $0x2000  }
0x19a: {  	[sflag:s12] =	ssyncset.done $0x0  }
0x19b: {  	[sflag:s12] =	ssyncadd.s32 $0xFFFFE000  }
0x19c: {  	[spmem:s3] =	stream.indirect.scatter.add.f32 [tilespmem:s28], [sflag:$0x6], $0x80, s21, s4, $0xb8;
	[tilespmem:$0x1E800] =	vst v63  }
0x19d: {  	_ =	swait.ge [sflag:s17], $0x2000  }
0x19e: {  	[sflag:s17] =	ssyncset.done $0x0  }
0x19f: {  	[sflag:s17] =	ssyncadd.s32 $0xFFFFE000  }
0x1a0: {  	[spmem:s3] =	stream.indirect.scatter.add.f32 [tilespmem:s7], [sflag:$0x7], $0x80, s22, s4, $0xb8;
	[tilespmem:$0x1E800] =	vst v63  }
0x1a1: {  	_ =	swait.ge [sflag:s18], $0x2000  }
0x1a2: {  	[sflag:s18] =	ssyncset.done $0x0  }
0x1a3: {  	[sflag:s18] =	ssyncadd.s32 $0xFFFFE000  }
0x1a4: {  	[spmem:s3] =	stream.indirect.scatter.add.f32 [tilespmem:s9], [sflag:$0x8], $0x80, s23, s4, $0xb8;
	[tilespmem:$0x1E800] =	vst v63  }
0x1a5: {  	_ =	swait.ge [sflag:s19], $0x2000  }
0x1a6: {  	[sflag:s19] =	ssyncset.done $0x0  }
0x1a7: {  	[sflag:s19] =	ssyncadd.s32 $0xFFFFE000  }
0x1a8: {  	[spmem:s3] =	stream.indirect.scatter.add.f32 [tilespmem:s11], [sflag:$0x9], $0x80, s24, s4, $0xb8;
	[tilespmem:$0x1E800] =	vst v63  }
0x1a9: {  	_ =	swait.ge [sflag:s29], $0x2000  }
0x1aa: {  	[sflag:s29] =	ssyncset.done $0x0  }
0x1ab: {  	[sflag:s29] =	ssyncadd.s32 $0xFFFFE000  }
0x1ac: {  	_ =	swait.ge [sflag:s30], $0x2000  }
0x1ad: {  	[sflag:s30] =	ssyncset.done $0x0  }
0x1ae: {  	[sflag:s30] =	ssyncadd.s32 $0xFFFFE000  }
0x1af: {  	_ =	swait.ge [sflag:s31], $0x2000  }
0x1b0: {  	[sflag:s31] =	ssyncset.done $0x0  }
0x1b1: {  	[sflag:s31] =	ssyncadd.s32 $0xFFFFE000  }
0x1b2: {  	_ =	swait.ge [sflag:s0], $0x2000  }
0x1b3: {  	[sflag:s0] =	ssyncset.done $0x0  }
0x1b4: {  	s14 =	simm.s32 $0x0;
	s16 =	rddreg [dreg:$0xe];
	[sflag:s0] =	ssyncadd.s32 $0xFFFFE000  }
0x1b5: {  	[tilespmem:s14], [sflag:$0xA] =	stream.linear.gather [hbm4b:s16+s14], $0x1400, $0x38;
	[tilespmem:$0x1E800] =	vst v63  }
0x1b6: {  	_ =	swait.ge [sflag:s25], $0x1400  }
0x1b7: {  	[sflag:s25] =	ssyncset.done $0x0  }
0x1b8: {  	s16 =	rddreg [dreg:$0xf];
	[sflag:s25] =	ssyncadd.s32 $0xFFFFEC00  }
0x1b9: {  	[tilespmem:s26], [sflag:$0xA] =	stream.linear.gather [hbm4b:s16+s14], $0x1400, $0x38;
	[tilespmem:$0x1E800] =	vst v63  }
0x1ba: {  	_ =	swait.ge [sflag:s25], $0x1400  }
0x1bb: {  	[sflag:s25] =	ssyncset.done $0x0  }
0x1bc: {  	[sflag:s25] =	ssyncadd.s32 $0xFFFFEC00  }
0x1bd: {  	[tilespmem:s28], [sflag:$0x2] =	stream.indirect.gather [hbm4b:s1+s4], $0x80, s14, s4, $0xb8;
	[tilespmem:$0x1E800] =	vst v63  }
0x1be: {  	_ = 	snop  }
0x1bf: {  	[tilespmem:s7], [sflag:$0x3] =	stream.indirect.gather [hbm4b:s1+s4], $0x80, s5, s4, $0xb8;
	[tilespmem:$0x1E800] =	vst v63  }
0x1c0: {  	_ = 	snop  }
0x1c1: {  	[tilespmem:s9], [sflag:$0x4] =	stream.indirect.gather [hbm4b:s1+s4], $0x80, s8, s4, $0xb8;
	[tilespmem:$0x1E800] =	vst v63  }
0x1c2: {  	_ = 	snop  }
0x1c3: {  	[tilespmem:s11], [sflag:$0x5] =	stream.indirect.gather [hbm4b:s1+s4], $0x80, s10, s4, $0xb8;
	[tilespmem:$0x1E800] =	vst v63  }
0x1c4: {  	_ =	swait.ge [sflag:s12], $0x2000  }
0x1c5: {  	[sflag:s12] =	ssyncset.done $0x0  }
0x1c6: {  	s16 =	simm.s32 $0x1400;
	[sflag:s12] =	ssyncadd.s32 $0xFFFFE000  }
0x1c7: {  	[spmem:s3] =	stream.indirect.scatter.add.f32 [tilespmem:s28], [sflag:$0x6], $0x80, s16, s4, $0xb8;
	[tilespmem:$0x1E800] =	vst v63  }
0x1c8: {  	_ =	swait.ge [sflag:s17], $0x2000  }
0x1c9: {  	[sflag:s17] =	ssyncset.done $0x0  }
0x1ca: {  	s15 =	simm.s32 $0x1480;
	[sflag:s17] =	ssyncadd.s32 $0xFFFFE000  }
0x1cb: {  	[spmem:s3] =	stream.indirect.scatter.add.f32 [tilespmem:s7], [sflag:$0x7], $0x80, s15, s4, $0xb8;
	[tilespmem:$0x1E800] =	vst v63  }
0x1cc: {  	_ =	swait.ge [sflag:s18], $0x2000  }
0x1cd: {  	[sflag:s18] =	ssyncset.done $0x0  }
0x1ce: {  	s16 =	simm.s32 $0x1500;
	[sflag:s18] =	ssyncadd.s32 $0xFFFFE000  }
0x1cf: {  	[spmem:s3] =	stream.indirect.scatter.add.f32 [tilespmem:s9], [sflag:$0x8], $0x80, s16, s4, $0xb8;
	[tilespmem:$0x1E800] =	vst v63  }
0x1d0: {  	_ =	swait.ge [sflag:s19], $0x2000  }
0x1d1: {  	[sflag:s19] =	ssyncset.done $0x0  }
0x1d2: {  	s15 =	simm.s32 $0x1580;
	[sflag:s19] =	ssyncadd.s32 $0xFFFFE000  }
0x1d3: {  	[spmem:s3] =	stream.indirect.scatter.add.f32 [tilespmem:s11], [sflag:$0x9], $0x80, s15, s4, $0xb8;
	[tilespmem:$0x1E800] =	vst v63  }
0x1d4: {  	_ =	swait.ge [sflag:s29], $0x2000  }
0x1d5: {  	[sflag:s29] =	ssyncset.done $0x0  }
0x1d6: {  	s16 =	simm.s32 $0x200;
	[sflag:s29] =	ssyncadd.s32 $0xFFFFE000  }
0x1d7: {  	[tilespmem:s28], [sflag:$0x2] =	stream.indirect.gather [hbm4b:s1+s4], $0x80, s16, s4, $0xb8;
	[tilespmem:$0x1E800] =	vst v63  }
0x1d8: {  	_ =	swait.ge [sflag:s30], $0x2000  }
0x1d9: {  	[sflag:s30] =	ssyncset.done $0x0  }
0x1da: {  	s15 =	simm.s32 $0x280;
	[sflag:s30] =	ssyncadd.s32 $0xFFFFE000  }
0x1db: {  	[tilespmem:s7], [sflag:$0x3] =	stream.indirect.gather [hbm4b:s1+s4], $0x80, s15, s4, $0xb8;
	[tilespmem:$0x1E800] =	vst v63  }
0x1dc: {  	_ =	swait.ge [sflag:s31], $0x2000  }
0x1dd: {  	[sflag:s31] =	ssyncset.done $0x0  }
0x1de: {  	s16 =	simm.s32 $0x300;
	[sflag:s31] =	ssyncadd.s32 $0xFFFFE000  }
0x1df: {  	[tilespmem:s9], [sflag:$0x4] =	stream.indirect.gather [hbm4b:s1+s4], $0x80, s16, s4, $0xb8;
	[tilespmem:$0x1E800] =	vst v63  }
0x1e0: {  	_ =	swait.ge [sflag:s0], $0x2000  }
0x1e1: {  	[sflag:s0] =	ssyncset.done $0x0  }
0x1e2: {  	s14 =	simm.s32 $0x800;
	s15 =	simm.s32 $0x380;
	[sflag:s0] =	ssyncadd.s32 $0xFFFFE000  }
.LBB2_10:
0x1e3: {  	[tilespmem:s11], [sflag:$0x5] =	stream.indirect.gather [hbm4b:s1+s4], $0x80, s15, s4, $0xb8;
	[tilespmem:$0x1E800] =	vst v63  }
0x1e4: {  	s15 =	smov.u32 s14  }
0x1e5: {  	p1 =	sne.s32 s14, $0x4000;
	s14 =	sadd.s32 $0x800, s14;
	_ =	swait.ge [sflag:s12], $0x2000  }
0x1e6: {  	s15 =	sshra.s32 s15, $0x2;
	[sflag:s12] =	ssyncset.done $0x0  }
0x1e7: {  	s16 =	sadd.s32 $0x1400, s15;
	[sflag:s12] =	ssyncadd.s32 $0xFFFFE000  }
0x1e8: {  	[spmem:s3] =	stream.indirect.scatter.add.f32 [tilespmem:s28], [sflag:$0x6], $0x80, s16, s4, $0xb8;
	[tilespmem:$0x1E800] =	vst v63  }
0x1e9: {  	_ =	swait.ge [sflag:s17], $0x2000  }
0x1ea: {  	[sflag:s17] =	ssyncset.done $0x0  }
0x1eb: {  	s16 =	sadd.s32 $0x1480, s15;
	[sflag:s17] =	ssyncadd.s32 $0xFFFFE000  }
0x1ec: {  	[spmem:s3] =	stream.indirect.scatter.add.f32 [tilespmem:s7], [sflag:$0x7], $0x80, s16, s4, $0xb8;
	[tilespmem:$0x1E800] =	vst v63  }
0x1ed: {  	_ =	swait.ge [sflag:s18], $0x2000  }
0x1ee: {  	[sflag:s18] =	ssyncset.done $0x0  }
0x1ef: {  	s16 =	sadd.s32 $0x1500, s15;
	[sflag:s18] =	ssyncadd.s32 $0xFFFFE000  }
0x1f0: {  	[spmem:s3] =	stream.indirect.scatter.add.f32 [tilespmem:s9], [sflag:$0x8], $0x80, s16, s4, $0xb8;
	[tilespmem:$0x1E800] =	vst v63  }
0x1f1: {  	_ =	swait.ge [sflag:s19], $0x2000  }
0x1f2: {  	[sflag:s19] =	ssyncset.done $0x0  }
0x1f3: {  	s16 =	sadd.s32 $0x1580, s15;
	[sflag:s19] =	ssyncadd.s32 $0xFFFFE000  }
0x1f4: {  	[spmem:s3] =	stream.indirect.scatter.add.f32 [tilespmem:s11], [sflag:$0x9], $0x80, s16, s4, $0xb8;
	[tilespmem:$0x1E800] =	vst v63  }
0x1f5: {  	_ =	swait.ge [sflag:s29], $0x2000  }
0x1f6: {  	[sflag:s29] =	ssyncset.done $0x0  }
0x1f7: {  	s16 =	sadd.s32 $0x200, s15;
	[sflag:s29] =	ssyncadd.s32 $0xFFFFE000  }
0x1f8: {  	[tilespmem:s28], [sflag:$0x2] =	stream.indirect.gather [hbm4b:s1+s4], $0x80, s16, s4, $0xb8;
	[tilespmem:$0x1E800] =	vst v63  }
0x1f9: {  	_ =	swait.ge [sflag:s30], $0x2000  }
0x1fa: {  	[sflag:s30] =	ssyncset.done $0x0  }
0x1fb: {  	s16 =	sadd.s32 $0x280, s15;
	[sflag:s30] =	ssyncadd.s32 $0xFFFFE000  }
0x1fc: {  	[tilespmem:s7], [sflag:$0x3] =	stream.indirect.gather [hbm4b:s1+s4], $0x80, s16, s4, $0xb8;
	[tilespmem:$0x1E800] =	vst v63  }
0x1fd: {  	_ =	swait.ge [sflag:s31], $0x2000  }
0x1fe: {  	[sflag:s31] =	ssyncset.done $0x0  }
.Ltmp4:
0x1ff: {  	s16 =	sadd.s32 $0x300, s15;
	[sflag:s31] =	ssyncadd.s32 $0xFFFFE000;
	(pc) =	sbr.rel @p1 .LBB2_10-.Ltmp4, $4  }
0x200: {  	[tilespmem:s9], [sflag:$0x4] =	stream.indirect.gather [hbm4b:s1+s4], $0x80, s16, s4, $0xb8;
	[tilespmem:$0x1E800] =	vst v63  }
0x201: {  	_ =	swait.ge [sflag:s0], $0x2000  }
0x202: {  	[sflag:s0] =	ssyncset.done $0x0  }
0x203: {  	s15 =	sadd.s32 $0x380, s15;
	[sflag:s0] =	ssyncadd.s32 $0xFFFFE000  }
0x204: {  	[tilespmem:s11], [sflag:$0x5] =	stream.indirect.gather [hbm4b:s1+s4], $0x80, s15, s4, $0xb8;
	[tilespmem:$0x1E800] =	vst v63  }
0x205: {  	_ =	swait.ge [sflag:s12], $0x2000  }
0x206: {  	[sflag:s12] =	ssyncset.done $0x0  }
0x207: {  	[sflag:s12] =	ssyncadd.s32 $0xFFFFE000  }
0x208: {  	[spmem:s3] =	stream.indirect.scatter.add.f32 [tilespmem:s28], [sflag:$0x6], $0x80, s21, s4, $0xb8;
	[tilespmem:$0x1E800] =	vst v63  }
0x209: {  	_ =	swait.ge [sflag:s17], $0x2000  }
0x20a: {  	[sflag:s17] =	ssyncset.done $0x0  }
0x20b: {  	[sflag:s17] =	ssyncadd.s32 $0xFFFFE000  }
0x20c: {  	[spmem:s3] =	stream.indirect.scatter.add.f32 [tilespmem:s7], [sflag:$0x7], $0x80, s22, s4, $0xb8;
	[tilespmem:$0x1E800] =	vst v63  }
0x20d: {  	_ =	swait.ge [sflag:s18], $0x2000  }
0x20e: {  	[sflag:s18] =	ssyncset.done $0x0  }
0x20f: {  	[sflag:s18] =	ssyncadd.s32 $0xFFFFE000  }
0x210: {  	[spmem:s3] =	stream.indirect.scatter.add.f32 [tilespmem:s9], [sflag:$0x8], $0x80, s23, s4, $0xb8;
	[tilespmem:$0x1E800] =	vst v63  }
0x211: {  	_ =	swait.ge [sflag:s19], $0x2000  }
0x212: {  	[sflag:s19] =	ssyncset.done $0x0  }
0x213: {  	[sflag:s19] =	ssyncadd.s32 $0xFFFFE000  }
0x214: {  	[spmem:s3] =	stream.indirect.scatter.add.f32 [tilespmem:s11], [sflag:$0x9], $0x80, s24, s4, $0xb8;
	[tilespmem:$0x1E800] =	vst v63  }
0x215: {  	_ =	swait.ge [sflag:s29], $0x2000  }
0x216: {  	[sflag:s29] =	ssyncset.done $0x0  }
0x217: {  	[sflag:s29] =	ssyncadd.s32 $0xFFFFE000  }
0x218: {  	_ =	swait.ge [sflag:s30], $0x2000  }
0x219: {  	[sflag:s30] =	ssyncset.done $0x0  }
0x21a: {  	[sflag:s30] =	ssyncadd.s32 $0xFFFFE000  }
0x21b: {  	_ =	swait.ge [sflag:s31], $0x2000  }
0x21c: {  	[sflag:s31] =	ssyncset.done $0x0  }
0x21d: {  	[sflag:s31] =	ssyncadd.s32 $0xFFFFE000  }
0x21e: {  	_ =	swait.ge [sflag:s0], $0x2000  }
0x21f: {  	[sflag:s0] =	ssyncset.done $0x0  }
0x220: {  	s14 =	stileid.u32;
	[sflag:s0] =	ssyncadd.s32 $0xFFFFE000  }
0x221: {  	s14 =	sshll.u32 s14, $0x6;
	[bflag:$0x0] =	sbarrier.arrive $0xFFFF  }
0x222: {  	s15 =	sshrl.u32 s6, $0x3;
	s14 =	sor.u32 $0x1C0A, s14;
	s16 =	rddreg [dreg:$0x13]  }
0x223: {  	[hbm:s16], [sflag:s14] =	dma.local [spmem:s15], $0x2800  }
0x224: {  	_ =	swait.ge [sflag:s25], $0x2800  }
0x225: {  	s13 =	sadd.s32 $0x1, s13;
	s16 =	rddreg [dreg:$0x16]  }
0x226: {  	p1 =	sne.s32 s13, s16  }
.Ltmp5:
0x227: {  	_ = 	snop;
	(pc) =	sbr.rel @p1 .LBB2_1-.Ltmp5, $3  }
0x228: {  	_ =	sdelay $0x1  }
0x229: {  	[sflag:s25] =	ssyncset.done $0x0  }
0x22a: {  	[sflag:s25] =	ssyncadd.s32 $0xFFFFD800  }
0x22b: {  	_ =	sfence.sel $0x180000  }
0x22c: {  	[bflag:$0x0] =	sbarrier.arrive $0xFFFF  }
0x22d: {  	_ =	strace $0x90000047  }
0x22e: {  	s0 =	stileid.u32;
	[bflag:$0x2] =	sbarrier.arrive $0xFFFF  }
0x22f: {  	p0 =	sne.s32 s0, $0x0;
	s0 =	rddreg [dreg:$0x5]  }
0x230: {  	s0 =	sadd.s32 @!p0 $0x100000, s0  }
0x231: {  	[sflag:s0] =	ssyncadd.tile.s32 @!p0 $0x1;
	_ =	shalt  }
.Lfunc_end2:
_tile_overlayer_lowered:
.L_overlay_start_2:
0x232: {  	(tag) =	ssettag $0x2  }
0x233: {  	s0 =	rddreg [dreg:$0x0];
	s2 =	stileid.u32  }
0x234: {  	s1 =	rddreg [dreg:$0x1];
	p0 =	sne.s32 s2, $0x0  }
0x235: {  	s3 =	rddreg [dreg:$0x2];
	[bflag:$0x3] =	sbarrier.arrive $0xFFFF;
	s2 =	simm.s32 @!p0 $0x1C0A  }
0x236: {  	[timem:s3], [sflag:s2] =	dma.local @!p0 [hbm:s0], s1  }
0x237: {  	s0 =	simm.s32 @!p0 $0xA  }
0x238: {  	_ =	swait.ge @!p0 [sflag:s0], s1  }
0x239: {  	s1 =	ssub.s32 @!p0 $0x0, s1;
	[sflag:s0] =	ssyncset.done @!p0 $0x0  }
0x23a: {  	[sflag:s0] =	ssyncadd.s32 @!p0 s1  }
0x23b: {  	[bflag:$0x3] =	sbarrier.arrive $0xFFFF  }
0x23c: {  	_ =	shalt  }

</sc_bundles>
